<compile_context>
chip_gen: v7x
topology: tpu7x:2x2x1
jax: 0.10.2.dev20260603
libtpu: 0.0.44.dev20260713+nightly
codegen_flags: <defaults>
</compile_context>

<pallas_src>
import functools

import jax
import jax.numpy as jnp
from jax import lax
from jax.experimental import pallas as pl
from jax.experimental.pallas import tpu as pltpu
from jax.experimental.pallas import tpu_sc as plsc

NUM_CORES = 2
NUM_SUBCORES = 16
NUM_WORKERS = NUM_CORES * NUM_SUBCORES
CHUNK = 128
NBUF = 3


def _sc_scatter_sum(h, spd, zeros_nf):
    n, f = h.shape
    nacc = zeros_nf.shape[0]
    cpw = spd.shape[0] // NUM_WORKERS

    mesh = plsc.VectorSubcoreMesh(
        core_axis_name="c", subcore_axis_name="s",
        num_cores=NUM_CORES, num_subcores=NUM_SUBCORES)

    @functools.partial(
        pl.kernel,
        out_type=jax.ShapeDtypeStruct((NUM_CORES, n, f), jnp.float32),
        mesh=mesh,
        scratch_types=[
            [pltpu.VMEM((2, 2, CHUNK), jnp.int32) for _ in range(NBUF)],
            [pltpu.VMEM((CHUNK, f), jnp.float32) for _ in range(NBUF)],
            pltpu.VMEM_SHARED((nacc, f), jnp.float32),
            [pltpu.SemaphoreType.DMA for _ in range(NBUF)],
            [pltpu.SemaphoreType.DMA for _ in range(NBUF)],
        ],
        compiler_params=pltpu.CompilerParams(use_tc_tiling_on_sc=False),
    )
    def k(h_hbm, spd_hbm, z_hbm, out_hbm, idx, rows, acc, gsem, isem):
        cid = lax.axis_index("c")
        sid = lax.axis_index("s")
        wid = cid * NUM_SUBCORES + sid
        base = wid * cpw

        def fire_idx(c, j, p):
            pltpu.async_copy(spd_hbm.at[c], idx[j].at[p], isem[j])

        def wait_idx(j, p):
            pltpu.make_async_copy(
                spd_hbm.at[base], idx[j].at[p], isem[j]).wait()

        def fire_gather(c, j, p):
            pltpu.async_copy(h_hbm.at[idx[j].at[p, 0]], rows[j], gsem[j])

        for j in range(NBUF):
            fire_idx(base + j, j, 0)
        for j in range(NBUF):
            wait_idx(j, 0)
            fire_gather(base + j, j, 0)
            fire_idx(base + j + NBUF, j, 1)

        rz = nacc // NUM_SUBCORES
        pltpu.sync_copy(z_hbm.at[pl.ds(sid * rz, rz)],
                        acc.at[pl.ds(sid * rz, rz)])
        plsc.subcore_barrier()

        def body(g, _):
            p = lax.rem(g, 2)
            for j in range(NBUF):
                c = g * NBUF + j
                pltpu.make_async_copy(
                    h_hbm.at[idx[j].at[p, 0]], rows[j], gsem[j]).wait()
                pltpu.sync_copy(rows[j], acc.at[idx[j].at[p, 1]], add=True)

                @pl.when(c + NBUF < cpw)
                def _():
                    wait_idx(j, 1 - p)
                    fire_gather(base + c + NBUF, j, 1 - p)

                    @pl.when(c + 2 * NBUF < cpw)
                    def _():
                        fire_idx(base + c + 2 * NBUF, j, p)
            return ()

        lax.fori_loop(0, cpw // NBUF, body, (), unroll=False)

        plsc.subcore_barrier()

        rw = n // NUM_SUBCORES
        pltpu.sync_copy(acc.at[pl.ds(sid * rw, rw)],
                        out_hbm.at[cid, pl.ds(sid * rw, rw)])

    return k(h, spd, zeros_nf)


def _tc_layer(h, agg, w0, w1, b1, w2, b2, gamma, beta, b_graphs, n_per):
    n, f = h.shape
    hdim = w2.shape[1]

    def body(h_ref, a_ref, w0_ref, w1_ref, b1_ref, w2_ref, b2_ref,
             g_ref, be_ref, out_ref, pool_ref):
        a = a_ref[...]
        rst = h_ref[...] + a[0] + a[1]
        if w0 is not None:
            rst = rst * w0_ref[...]
        z = jnp.dot(rst, w1_ref[...], preferred_element_type=jnp.float32)
        z = jnp.maximum(z + b1_ref[...], 0.0)
        z = jnp.dot(z, w2_ref[...], preferred_element_type=jnp.float32)
        hh = jnp.maximum(z + b2_ref[...], 0.0)
        mean = jnp.mean(hh, axis=0, keepdims=True)
        var = jnp.mean((hh - mean) * (hh - mean), axis=0, keepdims=True)
        hh = (hh - mean) * lax.rsqrt(var + 1e-5) * g_ref[...] + be_ref[...]
        out_ref[...] = hh
        rows = lax.broadcasted_iota(jnp.int32, (b_graphs, n), 1) // n_per
        seg = lax.broadcasted_iota(jnp.int32, (b_graphs, n), 0)
        ind = jnp.where(rows == seg, 1.0, 0.0).astype(jnp.float32)
        pool_ref[...] = jnp.dot(ind, hh, preferred_element_type=jnp.float32)

    args = [h, agg]
    if w0 is None:
        w0_in = jnp.zeros((1, f), jnp.float32)
    else:
        w0_in = w0
    args += [w0_in, w1, b1.reshape(1, -1), w2, b2.reshape(1, -1),
             gamma.reshape(1, -1), beta.reshape(1, -1)]
    return pl.pallas_call(
        body,
        out_shape=[
            jax.ShapeDtypeStruct((n, hdim), jnp.float32),
            jax.ShapeDtypeStruct((b_graphs, hdim), jnp.float32),
        ],
    )(*args)


def _tc_combine(p1, p2, p3, n_per):
    b, hdim = p1.shape

    def body(p1_ref, p2_ref, p3_ref, xcat_ref, emb_ref):
        xcat_ref[:, 0:hdim] = p1_ref[...]
        xcat_ref[:, hdim:2 * hdim] = p2_ref[...]
        xcat_ref[:, 2 * hdim:3 * hdim] = p3_ref[...]
        emb_ref[:, 0:hdim] = p1_ref[...] * (1.0 / n_per)
        emb_ref[:, hdim:2 * hdim] = p2_ref[...] * (1.0 / n_per)
        emb_ref[:, 2 * hdim:3 * hdim] = p3_ref[...] * (1.0 / n_per)

    return pl.pallas_call(
        body,
        out_shape=[
            jax.ShapeDtypeStruct((b, 3 * hdim), jnp.float32),
            jax.ShapeDtypeStruct((b, 3 * hdim), jnp.float32),
        ],
    )(p1, p2, p3)


def kernel(x, w0, params, edge_index, graph_len, prompt_id, scalar):
    n, d = x.shape
    e = edge_index.shape[1]
    b_graphs = graph_len.shape[0]
    n_per = n // b_graphs
    hdim = params[0][2].shape[1]

    SPREAD = 32
    grp = NUM_WORKERS * NBUF * CHUNK
    ep = -(-e // grp) * grp
    pad_ar = jnp.arange(ep - e, dtype=jnp.int32)
    srcp = jnp.concatenate([edge_index[0], pad_ar % n]).reshape(-1, CHUNK)
    dstp = jnp.concatenate([edge_index[1], n + pad_ar % SPREAD]).reshape(-1, CHUNK)
    spd = jnp.stack([srcp, dstp], axis=1)

    zeros_d = jnp.zeros((n + SPREAD, d), jnp.float32)
    zeros_h = jnp.zeros((n + SPREAD, hdim), jnp.float32)

    agg = _sc_scatter_sum(x, spd, zeros_d)
    w1, b1, w2, b2, gamma, beta = params[0]
    h, p1 = _tc_layer(x, agg, w0, w1, b1, w2, b2, gamma, beta, b_graphs, n_per)

    w1, b1, w2, b2, gamma, beta = params[1]
    agg = _sc_scatter_sum(h, spd, zeros_h)
    h, p2 = _tc_layer(h, agg, None, w1, b1, w2, b2, gamma, beta, b_graphs, n_per)

    w1, b1, w2, b2, gamma, beta = params[2]
    agg = _sc_scatter_sum(h, spd, zeros_h)
    h, p3 = _tc_layer(h, agg, None, w1, b1, w2, b2, gamma, beta, b_graphs, n_per)

    xcat, emb = _tc_combine(p1, p2, p3, n_per)
    return (xcat, emb)

# --- scband reference (transcript-rebuilt; emitter-appended) ---
"""Pipeline reference for scband-gin-p-15006615732341 (READ-ONLY COPY).

The authoritative reference and input builder live on the scoring server;
editing this copy changes nothing except your own understanding.
"""

import jax, jax.numpy as jnp
import numpy as np

N = 10000
E = 320000
D = 128
H = 64
L = 3
B = 100

def setup_inputs(seed: int = 0):
    key = jax.random.key(seed)
    ks = jax.random.split(key, 4 + 4 * L)
    x = jax.random.normal(ks[0], (N, D), dtype=jnp.float32)
    edge_index = jax.random.randint(ks[1], (2, E), 0, N, dtype=jnp.int32)
    graph_len = jnp.full((B, 1), N // B, dtype=jnp.int32)
    w0 = jax.random.normal(ks[2], (1, D), dtype=jnp.float32) * 0.05
    params = []
    for i in range(L):
        din = D if i == 0 else H
        W1 = jax.random.normal(ks[4 + 4 * i], (din, H), dtype=jnp.float32) * (1.0 / np.sqrt(din))
        b1 = jnp.zeros((H,), dtype=jnp.float32)
        W2 = jax.random.normal(ks[5 + 4 * i], (H, H), dtype=jnp.float32) * (1.0 / np.sqrt(H))
        b2 = jnp.zeros((H,), dtype=jnp.float32)
        gamma = jnp.ones((H,), dtype=jnp.float32)
        beta = jnp.zeros((H,), dtype=jnp.float32)
        params.append((W1, b1, W2, b2, gamma, beta))
    return {"x": x, "w0": w0, "params": tuple(params), "edge_index": edge_index, "graph_len": graph_len, "prompt_id": 0, "scalar": 1.0}

def reference(x, w0, params, edge_index, graph_len, prompt_id, scalar):
    # prompt_id == 0 path of GIN_P.forward
    src = edge_index[0]
    dst = edge_index[1]
    # node_prompt_layer_feature_weighted_sum: elementwise feature reweighting
    h = x * w0
    xs = []
    for (W1, b1, W2, b2, gamma, beta) in params:
        # DGL GINConv, aggregator_type='sum', eps=0 (not learnable):
        # rst = (1 + eps) * h + sum_{j in N(i)} h_j
        agg = jnp.zeros_like(h).at[dst].add(h[src])
        rst = h + agg
        # apply_func: Linear -> ReLU -> Linear
        rst = jax.nn.relu(jnp.dot(rst, W1) + b1)
        rst = jnp.dot(rst, W2) + b2
        # outer F.relu
        h = jax.nn.relu(rst)
        # BatchNorm1d (training-mode batch statistics), dropout p=0.0 -> identity
        mean = jnp.mean(h, axis=0)
        var = jnp.var(h, axis=0)
        h = (h - mean) / jnp.sqrt(var + 1e-5) * gamma + beta
        xs.append(h)
    # split_and_batchify_graph_feats with equal-size graphs == reshape
    n_per = N // B
    xpool = [t.reshape(B, n_per, -1).sum(axis=1) for t in xs]
    xcat = jnp.concatenate(xpool, axis=-1)
    emb = jnp.concatenate(xs, axis=-1).reshape(B, n_per, -1).mean(axis=1)
    return (xcat, emb)

if __name__ == "__main__":
    import jax
    _d = setup_inputs()
    print(jax.jit(kernel)(*tuple(_d.values())))

</pallas_src>

<mosaic_0001>
#map = affine_map<(d0, d1) -> (0, 0)>
#map1 = affine_map<(d0, d1) -> (0, 0, 0)>
module attributes {stable_mosaic.version = 14 : i64} {
  func.func @k(%arg0: i32, %arg1: i32, %arg2: memref<10000x128xf32, #tpu.memory_space<hbm>>, %arg3: memref<2592x2x128xi32, #tpu.memory_space<hbm>>, %arg4: memref<10032x128xf32, #tpu.memory_space<hbm>>, %arg5: memref<2x10000x128xf32, #tpu.memory_space<hbm>>, %arg6: memref<2x2x128xi32, #tpu.memory_space<vmem>>, %arg7: memref<2x2x128xi32, #tpu.memory_space<vmem>>, %arg8: memref<2x2x128xi32, #tpu.memory_space<vmem>>, %arg9: memref<128x128xf32, #tpu.memory_space<vmem>>, %arg10: memref<128x128xf32, #tpu.memory_space<vmem>>, %arg11: memref<128x128xf32, #tpu.memory_space<vmem>>, %arg12: memref<10032x128xf32, #tpu.memory_space<vmem_shared>>, %arg13: memref<!tpu.dma_semaphore, #tpu.memory_space<semaphore_mem>>, %arg14: memref<!tpu.dma_semaphore, #tpu.memory_space<semaphore_mem>>, %arg15: memref<!tpu.dma_semaphore, #tpu.memory_space<semaphore_mem>>, %arg16: memref<!tpu.dma_semaphore, #tpu.memory_space<semaphore_mem>>, %arg17: memref<!tpu.dma_semaphore, #tpu.memory_space<semaphore_mem>>, %arg18: memref<!tpu.dma_semaphore, #tpu.memory_space<semaphore_mem>>) attributes {dimension_semantics = [#tpu.dimension_semantics<core_parallel>, #tpu.dimension_semantics<subcore_parallel>], iteration_bounds = array<i64: 2, 16>, scalar_prefetch = 0 : i64, scratch_operands = 13 : i64, tpu.core_type = #tpu.core_type<sc_vector_subcore>, window_params = [{transform_indices = #map}, {transform_indices = #map1}, {transform_indices = #map}, {transform_indices = #map1}]} {
    %mul3A = arith.constant 16 : i32
    %mul3A_0 = arith.muli %arg0, %mul3A : i32
    %add3A = arith.addi %mul3A_0, %arg1 : i32
    %mul3A_1 = arith.constant 81 : i32
    %mul3A_2 = arith.muli %add3A, %mul3A_1 : i32
    %add3A_3 = arith.constant 0 : i32
    %add3A_4 = arith.addi %mul3A_2, %add3A_3 : i32
    %dma_start3A = arith.constant 0 : i32
    %dma_start3A_5 = arith.constant 0 : i32
    %dma_start3A_6 = arith.constant 0 : i32
    %dma_start3A_7 = tpu.memref_slice %arg6[%dma_start3A, %dma_start3A_5, %dma_start3A_6] : memref<2x2x128xi32, #tpu.memory_space<vmem>> -> memref<1x2x128xi32, #tpu.memory_space<vmem>>
    %dma_start3A_8 = tpu.memref_squeeze %dma_start3A_7 : memref<1x2x128xi32, #tpu.memory_space<vmem>> -> memref<2x128xi32, #tpu.memory_space<vmem>>
    %dma_start3A_9 = arith.constant 0 : i32
    %dma_start3A_10 = arith.constant 0 : i32
    %dma_start3A_11 = tpu.memref_slice %arg3[%add3A_4, %dma_start3A_9, %dma_start3A_10] : memref<2592x2x128xi32, #tpu.memory_space<hbm>> -> memref<1x2x128xi32, #tpu.memory_space<hbm>>
    %dma_start3A_12 = tpu.memref_squeeze %dma_start3A_11 : memref<1x2x128xi32, #tpu.memory_space<hbm>> -> memref<2x128xi32, #tpu.memory_space<hbm>>
    %dma_start3A_13 = arith.constant 0 : i32
    %dma_start3A_14 = arith.constant 0 : i32
    %dma_start3A_15 = tpu.memref_slice %arg6[%dma_start3A, %dma_start3A_13, %dma_start3A_14] : memref<2x2x128xi32, #tpu.memory_space<vmem>> -> memref<1x2x128xi32, #tpu.memory_space<vmem>>
    %dma_start3A_16 = tpu.memref_squeeze %dma_start3A_15 : memref<1x2x128xi32, #tpu.memory_space<vmem>> -> memref<2x128xi32, #tpu.memory_space<vmem>>
    %dma_start3A_17 = arith.constant 0 : i32
    %dma_start3A_18 = arith.constant 0 : i32
    %dma_start3A_19 = tpu.memref_slice %arg3[%add3A_4, %dma_start3A_17, %dma_start3A_18] : memref<2592x2x128xi32, #tpu.memory_space<hbm>> -> memref<1x2x128xi32, #tpu.memory_space<hbm>>
    %dma_start3A_20 = tpu.memref_squeeze %dma_start3A_19 : memref<1x2x128xi32, #tpu.memory_space<hbm>> -> memref<2x128xi32, #tpu.memory_space<hbm>>
    tpu.enqueue_dma source(%dma_start3A_20 : memref<2x128xi32, #tpu.memory_space<hbm>>) target(%dma_start3A_16 : memref<2x128xi32, #tpu.memory_space<vmem>>) target_semaphore(%arg16 : memref<!tpu.dma_semaphore, #tpu.memory_space<semaphore_mem>>)
    %add3A_21 = arith.constant 1 : i32
    %add3A_22 = arith.addi %mul3A_2, %add3A_21 : i32
    %dma_start3A_23 = arith.constant 0 : i32
    %dma_start3A_24 = arith.constant 0 : i32
    %dma_start3A_25 = arith.constant 0 : i32
    %dma_start3A_26 = tpu.memref_slice %arg7[%dma_start3A_23, %dma_start3A_24, %dma_start3A_25] : memref<2x2x128xi32, #tpu.memory_space<vmem>> -> memref<1x2x128xi32, #tpu.memory_space<vmem>>
    %dma_start3A_27 = tpu.memref_squeeze %dma_start3A_26 : memref<1x2x128xi32, #tpu.memory_space<vmem>> -> memref<2x128xi32, #tpu.memory_space<vmem>>
    %dma_start3A_28 = arith.constant 0 : i32
    %dma_start3A_29 = arith.constant 0 : i32
    %dma_start3A_30 = tpu.memref_slice %arg3[%add3A_22, %dma_start3A_28, %dma_start3A_29] : memref<2592x2x128xi32, #tpu.memory_space<hbm>> -> memref<1x2x128xi32, #tpu.memory_space<hbm>>
    %dma_start3A_31 = tpu.memref_squeeze %dma_start3A_30 : memref<1x2x128xi32, #tpu.memory_space<hbm>> -> memref<2x128xi32, #tpu.memory_space<hbm>>
    %dma_start3A_32 = arith.constant 0 : i32
    %dma_start3A_33 = arith.constant 0 : i32
    %dma_start3A_34 = tpu.memref_slice %arg7[%dma_start3A_23, %dma_start3A_32, %dma_start3A_33] : memref<2x2x128xi32, #tpu.memory_space<vmem>> -> memref<1x2x128xi32, #tpu.memory_space<vmem>>
    %dma_start3A_35 = tpu.memref_squeeze %dma_start3A_34 : memref<1x2x128xi32, #tpu.memory_space<vmem>> -> memref<2x128xi32, #tpu.memory_space<vmem>>
    %dma_start3A_36 = arith.constant 0 : i32
    %dma_start3A_37 = arith.constant 0 : i32
    %dma_start3A_38 = tpu.memref_slice %arg3[%add3A_22, %dma_start3A_36, %dma_start3A_37] : memref<2592x2x128xi32, #tpu.memory_space<hbm>> -> memref<1x2x128xi32, #tpu.memory_space<hbm>>
    %dma_start3A_39 = tpu.memref_squeeze %dma_start3A_38 : memref<1x2x128xi32, #tpu.memory_space<hbm>> -> memref<2x128xi32, #tpu.memory_space<hbm>>
    tpu.enqueue_dma source(%dma_start3A_39 : memref<2x128xi32, #tpu.memory_space<hbm>>) target(%dma_start3A_35 : memref<2x128xi32, #tpu.memory_space<vmem>>) target_semaphore(%arg17 : memref<!tpu.dma_semaphore, #tpu.memory_space<semaphore_mem>>)
    %add3A_40 = arith.constant 2 : i32
    %add3A_41 = arith.addi %mul3A_2, %add3A_40 : i32
    %dma_start3A_42 = arith.constant 0 : i32
    %dma_start3A_43 = arith.constant 0 : i32
    %dma_start3A_44 = arith.constant 0 : i32
    %dma_start3A_45 = tpu.memref_slice %arg8[%dma_start3A_42, %dma_start3A_43, %dma_start3A_44] : memref<2x2x128xi32, #tpu.memory_space<vmem>> -> memref<1x2x128xi32, #tpu.memory_space<vmem>>
    %dma_start3A_46 = tpu.memref_squeeze %dma_start3A_45 : memref<1x2x128xi32, #tpu.memory_space<vmem>> -> memref<2x128xi32, #tpu.memory_space<vmem>>
    %dma_start3A_47 = arith.constant 0 : i32
    %dma_start3A_48 = arith.constant 0 : i32
    %dma_start3A_49 = tpu.memref_slice %arg3[%add3A_41, %dma_start3A_47, %dma_start3A_48] : memref<2592x2x128xi32, #tpu.memory_space<hbm>> -> memref<1x2x128xi32, #tpu.memory_space<hbm>>
    %dma_start3A_50 = tpu.memref_squeeze %dma_start3A_49 : memref<1x2x128xi32, #tpu.memory_space<hbm>> -> memref<2x128xi32, #tpu.memory_space<hbm>>
    %dma_start3A_51 = arith.constant 0 : i32
    %dma_start3A_52 = arith.constant 0 : i32
    %dma_start3A_53 = tpu.memref_slice %arg8[%dma_start3A_42, %dma_start3A_51, %dma_start3A_52] : memref<2x2x128xi32, #tpu.memory_space<vmem>> -> memref<1x2x128xi32, #tpu.memory_space<vmem>>
    %dma_start3A_54 = tpu.memref_squeeze %dma_start3A_53 : memref<1x2x128xi32, #tpu.memory_space<vmem>> -> memref<2x128xi32, #tpu.memory_space<vmem>>
    %dma_start3A_55 = arith.constant 0 : i32
    %dma_start3A_56 = arith.constant 0 : i32
    %dma_start3A_57 = tpu.memref_slice %arg3[%add3A_41, %dma_start3A_55, %dma_start3A_56] : memref<2592x2x128xi32, #tpu.memory_space<hbm>> -> memref<1x2x128xi32, #tpu.memory_space<hbm>>
    %dma_start3A_58 = tpu.memref_squeeze %dma_start3A_57 : memref<1x2x128xi32, #tpu.memory_space<hbm>> -> memref<2x128xi32, #tpu.memory_space<hbm>>
    tpu.enqueue_dma source(%dma_start3A_58 : memref<2x128xi32, #tpu.memory_space<hbm>>) target(%dma_start3A_54 : memref<2x128xi32, #tpu.memory_space<vmem>>) target_semaphore(%arg18 : memref<!tpu.dma_semaphore, #tpu.memory_space<semaphore_mem>>)
    %dma_wait3A = arith.constant 0 : i32
    %dma_wait3A_59 = arith.constant 0 : i32
    %dma_wait3A_60 = arith.constant 0 : i32
    %dma_wait3A_61 = tpu.memref_slice %arg6[%dma_wait3A, %dma_wait3A_59, %dma_wait3A_60] : memref<2x2x128xi32, #tpu.memory_space<vmem>> -> memref<1x2x128xi32, #tpu.memory_space<vmem>>
    %dma_wait3A_62 = tpu.memref_squeeze %dma_wait3A_61 : memref<1x2x128xi32, #tpu.memory_space<vmem>> -> memref<2x128xi32, #tpu.memory_space<vmem>>
    %dma_wait3A_63 = arith.constant 0 : i32
    %dma_wait3A_64 = arith.constant 0 : i32
    %dma_wait3A_65 = tpu.memref_slice %arg3[%mul3A_2, %dma_wait3A_63, %dma_wait3A_64] : memref<2592x2x128xi32, #tpu.memory_space<hbm>> -> memref<1x2x128xi32, #tpu.memory_space<hbm>>
    %dma_wait3A_66 = tpu.memref_squeeze %dma_wait3A_65 : memref<1x2x128xi32, #tpu.memory_space<hbm>> -> memref<2x128xi32, #tpu.memory_space<hbm>>
    %dma_wait3A_67 = arith.constant 0 : i32
    %dma_wait3A_68 = arith.constant 0 : i32
    %dma_wait3A_69 = tpu.memref_slice %arg6[%dma_wait3A, %dma_wait3A_67, %dma_wait3A_68] : memref<2x2x128xi32, #tpu.memory_space<vmem>> -> memref<1x2x128xi32, #tpu.memory_space<vmem>>
    %dma_wait3A_70 = tpu.memref_squeeze %dma_wait3A_69 : memref<1x2x128xi32, #tpu.memory_space<vmem>> -> memref<2x128xi32, #tpu.memory_space<vmem>>
    %dma_wait3A_71 = arith.constant 0 : i32
    %dma_wait3A_72 = arith.constant 0 : i32
    %dma_wait3A_73 = tpu.memref_slice %arg3[%mul3A_2, %dma_wait3A_71, %dma_wait3A_72] : memref<2592x2x128xi32, #tpu.memory_space<hbm>> -> memref<1x2x128xi32, #tpu.memory_space<hbm>>
    %dma_wait3A_74 = tpu.memref_squeeze %dma_wait3A_73 : memref<1x2x128xi32, #tpu.memory_space<hbm>> -> memref<2x128xi32, #tpu.memory_space<hbm>>
    tpu.wait_dma2 semaphore(%arg16 : memref<!tpu.dma_semaphore, #tpu.memory_space<semaphore_mem>>) src(%dma_wait3A_74 : memref<2x128xi32, #tpu.memory_space<hbm>>) dst(%dma_wait3A_70 : memref<2x128xi32, #tpu.memory_space<vmem>>)
    %add3A_75 = arith.constant 0 : i32
    %add3A_76 = arith.addi %mul3A_2, %add3A_75 : i32
    %dma_start3A_77 = arith.constant 0 : i32
    %dma_start3A_78 = arith.constant 0 : i32
    %dma_start3A_79 = arith.constant 0 : i32
    %dma_start3A_80 = tpu.memref_slice %arg6[%dma_start3A_77, %dma_start3A_78, %dma_start3A_79] : memref<2x2x128xi32, #tpu.memory_space<vmem>> -> memref<1x1x128xi32, #tpu.memory_space<vmem>>
    %dma_start3A_81 = tpu.memref_squeeze %dma_start3A_80 : memref<1x1x128xi32, #tpu.memory_space<vmem>> -> memref<128xi32, #tpu.memory_space<vmem>>
    %dma_start3A_82 = arith.constant 0 : i32
    %dma_start3A_83 = arith.constant 0 : i32
    %dma_start3A_84 = tpu.memref_slice %arg2[%dma_start3A_82, %dma_start3A_83] : memref<10000x128xf32, #tpu.memory_space<hbm>> -> memref<10000x128xf32, #tpu.memory_space<hbm>>
    tpu.enqueue_indirect_dma source(%dma_start3A_84 : memref<10000x128xf32, #tpu.memory_space<hbm>>) target(%arg9 : memref<128x128xf32, #tpu.memory_space<vmem>>) offsets(%dma_start3A_81 : memref<128xi32, #tpu.memory_space<vmem>>) semaphore(%arg13 : memref<!tpu.dma_semaphore, #tpu.memory_space<semaphore_mem>>)
    %add3A_85 = arith.constant 0 : i32
    %add3A_86 = arith.addi %mul3A_2, %add3A_85 : i32
    %add3A_87 = arith.constant 3 : i32
    %add3A_88 = arith.addi %add3A_86, %add3A_87 : i32
    %dma_start3A_89 = arith.constant 1 : i32
    %dma_start3A_90 = arith.constant 0 : i32
    %dma_start3A_91 = arith.constant 0 : i32
    %dma_start3A_92 = tpu.memref_slice %arg6[%dma_start3A_89, %dma_start3A_90, %dma_start3A_91] : memref<2x2x128xi32, #tpu.memory_space<vmem>> -> memref<1x2x128xi32, #tpu.memory_space<vmem>>
    %dma_start3A_93 = tpu.memref_squeeze %dma_start3A_92 : memref<1x2x128xi32, #tpu.memory_space<vmem>> -> memref<2x128xi32, #tpu.memory_space<vmem>>
    %dma_start3A_94 = arith.constant 0 : i32
    %dma_start3A_95 = arith.constant 0 : i32
    %dma_start3A_96 = tpu.memref_slice %arg3[%add3A_88, %dma_start3A_94, %dma_start3A_95] : memref<2592x2x128xi32, #tpu.memory_space<hbm>> -> memref<1x2x128xi32, #tpu.memory_space<hbm>>
    %dma_start3A_97 = tpu.memref_squeeze %dma_start3A_96 : memref<1x2x128xi32, #tpu.memory_space<hbm>> -> memref<2x128xi32, #tpu.memory_space<hbm>>
    %dma_start3A_98 = arith.constant 0 : i32
    %dma_start3A_99 = arith.constant 0 : i32
    %dma_start3A_100 = tpu.memref_slice %arg6[%dma_start3A_89, %dma_start3A_98, %dma_start3A_99] : memref<2x2x128xi32, #tpu.memory_space<vmem>> -> memref<1x2x128xi32, #tpu.memory_space<vmem>>
    %dma_start3A_101 = tpu.memref_squeeze %dma_start3A_100 : memref<1x2x128xi32, #tpu.memory_space<vmem>> -> memref<2x128xi32, #tpu.memory_space<vmem>>
    %dma_start3A_102 = arith.constant 0 : i32
    %dma_start3A_103 = arith.constant 0 : i32
    %dma_start3A_104 = tpu.memref_slice %arg3[%add3A_88, %dma_start3A_102, %dma_start3A_103] : memref<2592x2x128xi32, #tpu.memory_space<hbm>> -> memref<1x2x128xi32, #tpu.memory_space<hbm>>
    %dma_start3A_105 = tpu.memref_squeeze %dma_start3A_104 : memref<1x2x128xi32, #tpu.memory_space<hbm>> -> memref<2x128xi32, #tpu.memory_space<hbm>>
    tpu.enqueue_dma source(%dma_start3A_105 : memref<2x128xi32, #tpu.memory_space<hbm>>) target(%dma_start3A_101 : memref<2x128xi32, #tpu.memory_space<vmem>>) target_semaphore(%arg16 : memref<!tpu.dma_semaphore, #tpu.memory_space<semaphore_mem>>)
    %dma_wait3A_106 = arith.constant 0 : i32
    %dma_wait3A_107 = arith.constant 0 : i32
    %dma_wait3A_108 = arith.constant 0 : i32
    %dma_wait3A_109 = tpu.memref_slice %arg7[%dma_wait3A_106, %dma_wait3A_107, %dma_wait3A_108] : memref<2x2x128xi32, #tpu.memory_space<vmem>> -> memref<1x2x128xi32, #tpu.memory_space<vmem>>
    %dma_wait3A_110 = tpu.memref_squeeze %dma_wait3A_109 : memref<1x2x128xi32, #tpu.memory_space<vmem>> -> memref<2x128xi32, #tpu.memory_space<vmem>>
    %dma_wait3A_111 = arith.constant 0 : i32
    %dma_wait3A_112 = arith.constant 0 : i32
    %dma_wait3A_113 = tpu.memref_slice %arg3[%mul3A_2, %dma_wait3A_111, %dma_wait3A_112] : memref<2592x2x128xi32, #tpu.memory_space<hbm>> -> memref<1x2x128xi32, #tpu.memory_space<hbm>>
    %dma_wait3A_114 = tpu.memref_squeeze %dma_wait3A_113 : memref<1x2x128xi32, #tpu.memory_space<hbm>> -> memref<2x128xi32, #tpu.memory_space<hbm>>
    %dma_wait3A_115 = arith.constant 0 : i32
    %dma_wait3A_116 = arith.constant 0 : i32
    %dma_wait3A_117 = tpu.memref_slice %arg7[%dma_wait3A_106, %dma_wait3A_115, %dma_wait3A_116] : memref<2x2x128xi32, #tpu.memory_space<vmem>> -> memref<1x2x128xi32, #tpu.memory_space<vmem>>
    %dma_wait3A_118 = tpu.memref_squeeze %dma_wait3A_117 : memref<1x2x128xi32, #tpu.memory_space<vmem>> -> memref<2x128xi32, #tpu.memory_space<vmem>>
    %dma_wait3A_119 = arith.constant 0 : i32
    %dma_wait3A_120 = arith.constant 0 : i32
    %dma_wait3A_121 = tpu.memref_slice %arg3[%mul3A_2, %dma_wait3A_119, %dma_wait3A_120] : memref<2592x2x128xi32, #tpu.memory_space<hbm>> -> memref<1x2x128xi32, #tpu.memory_space<hbm>>
    %dma_wait3A_122 = tpu.memref_squeeze %dma_wait3A_121 : memref<1x2x128xi32, #tpu.memory_space<hbm>> -> memref<2x128xi32, #tpu.memory_space<hbm>>
    tpu.wait_dma2 semaphore(%arg17 : memref<!tpu.dma_semaphore, #tpu.memory_space<semaphore_mem>>) src(%dma_wait3A_122 : memref<2x128xi32, #tpu.memory_space<hbm>>) dst(%dma_wait3A_118 : memref<2x128xi32, #tpu.memory_space<vmem>>)
    %add3A_123 = arith.constant 1 : i32
    %add3A_124 = arith.addi %mul3A_2, %add3A_123 : i32
    %dma_start3A_125 = arith.constant 0 : i32
    %dma_start3A_126 = arith.constant 0 : i32
    %dma_start3A_127 = arith.constant 0 : i32
    %dma_start3A_128 = tpu.memref_slice %arg7[%dma_start3A_125, %dma_start3A_126, %dma_start3A_127] : memref<2x2x128xi32, #tpu.memory_space<vmem>> -> memref<1x1x128xi32, #tpu.memory_space<vmem>>
    %dma_start3A_129 = tpu.memref_squeeze %dma_start3A_128 : memref<1x1x128xi32, #tpu.memory_space<vmem>> -> memref<128xi32, #tpu.memory_space<vmem>>
    %dma_start3A_130 = arith.constant 0 : i32
    %dma_start3A_131 = arith.constant 0 : i32
    %dma_start3A_132 = tpu.memref_slice %arg2[%dma_start3A_130, %dma_start3A_131] : memref<10000x128xf32, #tpu.memory_space<hbm>> -> memref<10000x128xf32, #tpu.memory_space<hbm>>
    tpu.enqueue_indirect_dma source(%dma_start3A_132 : memref<10000x128xf32, #tpu.memory_space<hbm>>) target(%arg10 : memref<128x128xf32, #tpu.memory_space<vmem>>) offsets(%dma_start3A_129 : memref<128xi32, #tpu.memory_space<vmem>>) semaphore(%arg14 : memref<!tpu.dma_semaphore, #tpu.memory_space<semaphore_mem>>)
    %add3A_133 = arith.constant 1 : i32
    %add3A_134 = arith.addi %mul3A_2, %add3A_133 : i32
    %add3A_135 = arith.constant 3 : i32
    %add3A_136 = arith.addi %add3A_134, %add3A_135 : i32
    %dma_start3A_137 = arith.constant 1 : i32
    %dma_start3A_138 = arith.constant 0 : i32
    %dma_start3A_139 = arith.constant 0 : i32
    %dma_start3A_140 = tpu.memref_slice %arg7[%dma_start3A_137, %dma_start3A_138, %dma_start3A_139] : memref<2x2x128xi32, #tpu.memory_space<vmem>> -> memref<1x2x128xi32, #tpu.memory_space<vmem>>
    %dma_start3A_141 = tpu.memref_squeeze %dma_start3A_140 : memref<1x2x128xi32, #tpu.memory_space<vmem>> -> memref<2x128xi32, #tpu.memory_space<vmem>>
    %dma_start3A_142 = arith.constant 0 : i32
    %dma_start3A_143 = arith.constant 0 : i32
    %dma_start3A_144 = tpu.memref_slice %arg3[%add3A_136, %dma_start3A_142, %dma_start3A_143] : memref<2592x2x128xi32, #tpu.memory_space<hbm>> -> memref<1x2x128xi32, #tpu.memory_space<hbm>>
    %dma_start3A_145 = tpu.memref_squeeze %dma_start3A_144 : memref<1x2x128xi32, #tpu.memory_space<hbm>> -> memref<2x128xi32, #tpu.memory_space<hbm>>
    %dma_start3A_146 = arith.constant 0 : i32
    %dma_start3A_147 = arith.constant 0 : i32
    %dma_start3A_148 = tpu.memref_slice %arg7[%dma_start3A_137, %dma_start3A_146, %dma_start3A_147] : memref<2x2x128xi32, #tpu.memory_space<vmem>> -> memref<1x2x128xi32, #tpu.memory_space<vmem>>
    %dma_start3A_149 = tpu.memref_squeeze %dma_start3A_148 : memref<1x2x128xi32, #tpu.memory_space<vmem>> -> memref<2x128xi32, #tpu.memory_space<vmem>>
    %dma_start3A_150 = arith.constant 0 : i32
    %dma_start3A_151 = arith.constant 0 : i32
    %dma_start3A_152 = tpu.memref_slice %arg3[%add3A_136, %dma_start3A_150, %dma_start3A_151] : memref<2592x2x128xi32, #tpu.memory_space<hbm>> -> memref<1x2x128xi32, #tpu.memory_space<hbm>>
    %dma_start3A_153 = tpu.memref_squeeze %dma_start3A_152 : memref<1x2x128xi32, #tpu.memory_space<hbm>> -> memref<2x128xi32, #tpu.memory_space<hbm>>
    tpu.enqueue_dma source(%dma_start3A_153 : memref<2x128xi32, #tpu.memory_space<hbm>>) target(%dma_start3A_149 : memref<2x128xi32, #tpu.memory_space<vmem>>) target_semaphore(%arg17 : memref<!tpu.dma_semaphore, #tpu.memory_space<semaphore_mem>>)
    %dma_wait3A_154 = arith.constant 0 : i32
    %dma_wait3A_155 = arith.constant 0 : i32
    %dma_wait3A_156 = arith.constant 0 : i32
    %dma_wait3A_157 = tpu.memref_slice %arg8[%dma_wait3A_154, %dma_wait3A_155, %dma_wait3A_156] : memref<2x2x128xi32, #tpu.memory_space<vmem>> -> memref<1x2x128xi32, #tpu.memory_space<vmem>>
    %dma_wait3A_158 = tpu.memref_squeeze %dma_wait3A_157 : memref<1x2x128xi32, #tpu.memory_space<vmem>> -> memref<2x128xi32, #tpu.memory_space<vmem>>
    %dma_wait3A_159 = arith.constant 0 : i32
    %dma_wait3A_160 = arith.constant 0 : i32
    %dma_wait3A_161 = tpu.memref_slice %arg3[%mul3A_2, %dma_wait3A_159, %dma_wait3A_160] : memref<2592x2x128xi32, #tpu.memory_space<hbm>> -> memref<1x2x128xi32, #tpu.memory_space<hbm>>
    %dma_wait3A_162 = tpu.memref_squeeze %dma_wait3A_161 : memref<1x2x128xi32, #tpu.memory_space<hbm>> -> memref<2x128xi32, #tpu.memory_space<hbm>>
    %dma_wait3A_163 = arith.constant 0 : i32
    %dma_wait3A_164 = arith.constant 0 : i32
    %dma_wait3A_165 = tpu.memref_slice %arg8[%dma_wait3A_154, %dma_wait3A_163, %dma_wait3A_164] : memref<2x2x128xi32, #tpu.memory_space<vmem>> -> memref<1x2x128xi32, #tpu.memory_space<vmem>>
    %dma_wait3A_166 = tpu.memref_squeeze %dma_wait3A_165 : memref<1x2x128xi32, #tpu.memory_space<vmem>> -> memref<2x128xi32, #tpu.memory_space<vmem>>
    %dma_wait3A_167 = arith.constant 0 : i32
    %dma_wait3A_168 = arith.constant 0 : i32
    %dma_wait3A_169 = tpu.memref_slice %arg3[%mul3A_2, %dma_wait3A_167, %dma_wait3A_168] : memref<2592x2x128xi32, #tpu.memory_space<hbm>> -> memref<1x2x128xi32, #tpu.memory_space<hbm>>
    %dma_wait3A_170 = tpu.memref_squeeze %dma_wait3A_169 : memref<1x2x128xi32, #tpu.memory_space<hbm>> -> memref<2x128xi32, #tpu.memory_space<hbm>>
    tpu.wait_dma2 semaphore(%arg18 : memref<!tpu.dma_semaphore, #tpu.memory_space<semaphore_mem>>) src(%dma_wait3A_170 : memref<2x128xi32, #tpu.memory_space<hbm>>) dst(%dma_wait3A_166 : memref<2x128xi32, #tpu.memory_space<vmem>>)
    %add3A_171 = arith.constant 2 : i32
    %add3A_172 = arith.addi %mul3A_2, %add3A_171 : i32
    %dma_start3A_173 = arith.constant 0 : i32
    %dma_start3A_174 = arith.constant 0 : i32
    %dma_start3A_175 = arith.constant 0 : i32
    %dma_start3A_176 = tpu.memref_slice %arg8[%dma_start3A_173, %dma_start3A_174, %dma_start3A_175] : memref<2x2x128xi32, #tpu.memory_space<vmem>> -> memref<1x1x128xi32, #tpu.memory_space<vmem>>
    %dma_start3A_177 = tpu.memref_squeeze %dma_start3A_176 : memref<1x1x128xi32, #tpu.memory_space<vmem>> -> memref<128xi32, #tpu.memory_space<vmem>>
    %dma_start3A_178 = arith.constant 0 : i32
    %dma_start3A_179 = arith.constant 0 : i32
    %dma_start3A_180 = tpu.memref_slice %arg2[%dma_start3A_178, %dma_start3A_179] : memref<10000x128xf32, #tpu.memory_space<hbm>> -> memref<10000x128xf32, #tpu.memory_space<hbm>>
    tpu.enqueue_indirect_dma source(%dma_start3A_180 : memref<10000x128xf32, #tpu.memory_space<hbm>>) target(%arg11 : memref<128x128xf32, #tpu.memory_space<vmem>>) offsets(%dma_start3A_177 : memref<128xi32, #tpu.memory_space<vmem>>) semaphore(%arg15 : memref<!tpu.dma_semaphore, #tpu.memory_space<semaphore_mem>>)
    %add3A_181 = arith.constant 2 : i32
    %add3A_182 = arith.addi %mul3A_2, %add3A_181 : i32
    %add3A_183 = arith.constant 3 : i32
    %add3A_184 = arith.addi %add3A_182, %add3A_183 : i32
    %dma_start3A_185 = arith.constant 1 : i32
    %dma_start3A_186 = arith.constant 0 : i32
    %dma_start3A_187 = arith.constant 0 : i32
    %dma_start3A_188 = tpu.memref_slice %arg8[%dma_start3A_185, %dma_start3A_186, %dma_start3A_187] : memref<2x2x128xi32, #tpu.memory_space<vmem>> -> memref<1x2x128xi32, #tpu.memory_space<vmem>>
    %dma_start3A_189 = tpu.memref_squeeze %dma_start3A_188 : memref<1x2x128xi32, #tpu.memory_space<vmem>> -> memref<2x128xi32, #tpu.memory_space<vmem>>
    %dma_start3A_190 = arith.constant 0 : i32
    %dma_start3A_191 = arith.constant 0 : i32
    %dma_start3A_192 = tpu.memref_slice %arg3[%add3A_184, %dma_start3A_190, %dma_start3A_191] : memref<2592x2x128xi32, #tpu.memory_space<hbm>> -> memref<1x2x128xi32, #tpu.memory_space<hbm>>
    %dma_start3A_193 = tpu.memref_squeeze %dma_start3A_192 : memref<1x2x128xi32, #tpu.memory_space<hbm>> -> memref<2x128xi32, #tpu.memory_space<hbm>>
    %dma_start3A_194 = arith.constant 0 : i32
    %dma_start3A_195 = arith.constant 0 : i32
    %dma_start3A_196 = tpu.memref_slice %arg8[%dma_start3A_185, %dma_start3A_194, %dma_start3A_195] : memref<2x2x128xi32, #tpu.memory_space<vmem>> -> memref<1x2x128xi32, #tpu.memory_space<vmem>>
    %dma_start3A_197 = tpu.memref_squeeze %dma_start3A_196 : memref<1x2x128xi32, #tpu.memory_space<vmem>> -> memref<2x128xi32, #tpu.memory_space<vmem>>
    %dma_start3A_198 = arith.constant 0 : i32
    %dma_start3A_199 = arith.constant 0 : i32
    %dma_start3A_200 = tpu.memref_slice %arg3[%add3A_184, %dma_start3A_198, %dma_start3A_199] : memref<2592x2x128xi32, #tpu.memory_space<hbm>> -> memref<1x2x128xi32, #tpu.memory_space<hbm>>
    %dma_start3A_201 = tpu.memref_squeeze %dma_start3A_200 : memref<1x2x128xi32, #tpu.memory_space<hbm>> -> memref<2x128xi32, #tpu.memory_space<hbm>>
    tpu.enqueue_dma source(%dma_start3A_201 : memref<2x128xi32, #tpu.memory_space<hbm>>) target(%dma_start3A_197 : memref<2x128xi32, #tpu.memory_space<vmem>>) target_semaphore(%arg18 : memref<!tpu.dma_semaphore, #tpu.memory_space<semaphore_mem>>)
    %mul3A_202 = arith.constant 627 : i32
    %mul3A_203 = arith.muli %arg1, %mul3A_202 : i32
    %mul3A_204 = arith.constant 627 : i32
    %mul3A_205 = arith.muli %arg1, %mul3A_204 : i32
    "tpu.region"() ({
      %run_scoped3A = tpu.sem_alloc : memref<!tpu.dma_semaphore, #tpu.memory_space<semaphore_mem>>
      %dma_start3A_215 = arith.constant 0 : i32
      %dma_start3A_216 = tpu.memref_slice %arg12[%mul3A_205, %dma_start3A_215] : memref<10032x128xf32, #tpu.memory_space<vmem_shared>> -> memref<627x128xf32, #tpu.memory_space<vmem_shared>>
      %dma_start3A_217 = arith.constant 0 : i32
      %dma_start3A_218 = tpu.memref_slice %arg4[%mul3A_203, %dma_start3A_217] : memref<10032x128xf32, #tpu.memory_space<hbm>> -> memref<627x128xf32, #tpu.memory_space<hbm>>
      tpu.enqueue_dma source(%dma_start3A_218 : memref<627x128xf32, #tpu.memory_space<hbm>>) target(%dma_start3A_216 : memref<627x128xf32, #tpu.memory_space<vmem_shared>>) target_semaphore(%run_scoped3A : memref<!tpu.dma_semaphore, #tpu.memory_space<semaphore_mem>>)
      %dma_wait3A_219 = arith.constant 0 : i32
      %dma_wait3A_220 = tpu.memref_slice %arg12[%mul3A_205, %dma_wait3A_219] : memref<10032x128xf32, #tpu.memory_space<vmem_shared>> -> memref<627x128xf32, #tpu.memory_space<vmem_shared>>
      %dma_wait3A_221 = arith.constant 0 : i32
      %dma_wait3A_222 = tpu.memref_slice %arg4[%mul3A_203, %dma_wait3A_221] : memref<10032x128xf32, #tpu.memory_space<hbm>> -> memref<627x128xf32, #tpu.memory_space<hbm>>
      tpu.wait_dma2 semaphore(%run_scoped3A : memref<!tpu.dma_semaphore, #tpu.memory_space<semaphore_mem>>) src(%dma_wait3A_222 : memref<627x128xf32, #tpu.memory_space<hbm>>) dst(%dma_wait3A_220 : memref<627x128xf32, #tpu.memory_space<vmem_shared>>)
      tpu.yield
    }) : () -> ()
    %barrier3A = arith.constant 0 : index
    tpu.barrier barrier_id(%barrier3A)
    %scan3A = arith.constant 0 : i32
    %scan3A_206 = arith.constant 27 : i32
    %scan3A_207 = arith.addi %scan3A, %scan3A_206 : i32
    %scan3A_208 = arith.constant 1 : i32
    scf.for %scan3A_215 = %scan3A to %scan3A_207 step %scan3A_208  : i32 {
      %rem3A = arith.constant 2 : i32
      %rem3A_216 = arith.remsi %scan3A_215, %rem3A : i32
      %mul3A_217 = arith.constant 3 : i32
      %mul3A_218 = arith.muli %scan3A_215, %mul3A_217 : i32
      %add3A_219 = arith.constant 0 : i32
      %add3A_220 = arith.addi %mul3A_218, %add3A_219 : i32
      %dma_wait3A_221 = arith.constant 0 : i32
      %dma_wait3A_222 = arith.constant 0 : i32
      %dma_wait3A_223 = tpu.memref_slice %arg6[%rem3A_216, %dma_wait3A_221, %dma_wait3A_222] : memref<2x2x128xi32, #tpu.memory_space<vmem>> -> memref<1x1x128xi32, #tpu.memory_space<vmem>>
      %dma_wait3A_224 = tpu.memref_squeeze %dma_wait3A_223 : memref<1x1x128xi32, #tpu.memory_space<vmem>> -> memref<128xi32, #tpu.memory_space<vmem>>
      %dma_wait3A_225 = arith.constant 0 : i32
      %dma_wait3A_226 = arith.constant 0 : i32
      %dma_wait3A_227 = tpu.memref_slice %arg2[%dma_wait3A_225, %dma_wait3A_226] : memref<10000x128xf32, #tpu.memory_space<hbm>> -> memref<10000x128xf32, #tpu.memory_space<hbm>>
      tpu.wait_indirect_dma semaphore(%arg13 : memref<!tpu.dma_semaphore, #tpu.memory_space<semaphore_mem>>) src(%dma_wait3A_227 : memref<10000x128xf32, #tpu.memory_space<hbm>>) dst(%arg9 : memref<128x128xf32, #tpu.memory_space<vmem>>)
      %run_scoped3A = arith.constant 1 : i32
      "tpu.region"() ({
        %run_scoped3A_270 = tpu.sem_alloc : memref<!tpu.dma_semaphore, #tpu.memory_space<semaphore_mem>>
        %dma_start3A_271 = arith.constant 0 : i32
        %dma_start3A_272 = tpu.memref_slice %arg6[%rem3A_216, %run_scoped3A, %dma_start3A_271] : memref<2x2x128xi32, #tpu.memory_space<vmem>> -> memref<1x1x128xi32, #tpu.memory_space<vmem>>
        %dma_start3A_273 = tpu.memref_squeeze %dma_start3A_272 : memref<1x1x128xi32, #tpu.memory_space<vmem>> -> memref<128xi32, #tpu.memory_space<vmem>>
        %dma_start3A_274 = arith.constant 0 : i32
        %dma_start3A_275 = arith.constant 0 : i32
        %dma_start3A_276 = tpu.memref_slice %arg12[%dma_start3A_274, %dma_start3A_275] : memref<10032x128xf32, #tpu.memory_space<vmem_shared>> -> memref<10032x128xf32, #tpu.memory_space<vmem_shared>>
        tpu.enqueue_indirect_dma source(%arg9 : memref<128x128xf32, #tpu.memory_space<vmem>>) target(%dma_start3A_276 : memref<10032x128xf32, #tpu.memory_space<vmem_shared>>) offsets(%dma_start3A_273 : memref<128xi32, #tpu.memory_space<vmem>>) semaphore(%run_scoped3A_270 : memref<!tpu.dma_semaphore, #tpu.memory_space<semaphore_mem>>) {add = true}
        %dma_wait3A_277 = arith.constant 0 : i32
        %dma_wait3A_278 = tpu.memref_slice %arg6[%rem3A_216, %run_scoped3A, %dma_wait3A_277] : memref<2x2x128xi32, #tpu.memory_space<vmem>> -> memref<1x1x128xi32, #tpu.memory_space<vmem>>
        %dma_wait3A_279 = tpu.memref_squeeze %dma_wait3A_278 : memref<1x1x128xi32, #tpu.memory_space<vmem>> -> memref<128xi32, #tpu.memory_space<vmem>>
        %dma_wait3A_280 = arith.constant 0 : i32
        %dma_wait3A_281 = arith.constant 0 : i32
        %dma_wait3A_282 = tpu.memref_slice %arg12[%dma_wait3A_280, %dma_wait3A_281] : memref<10032x128xf32, #tpu.memory_space<vmem_shared>> -> memref<10032x128xf32, #tpu.memory_space<vmem_shared>>
        tpu.wait_indirect_dma semaphore(%run_scoped3A_270 : memref<!tpu.dma_semaphore, #tpu.memory_space<semaphore_mem>>) src(%arg9 : memref<128x128xf32, #tpu.memory_space<vmem>>) dst(%dma_wait3A_282 : memref<10032x128xf32, #tpu.memory_space<vmem_shared>>)
        tpu.yield
      }) : () -> ()
      %add3A_228 = arith.constant 3 : i32
      %add3A_229 = arith.addi %add3A_220, %add3A_228 : i32
      %lt3A = arith.constant 81 : i32
      %lt3A_230 = arith.cmpi slt, %add3A_229, %lt3A : i32
      %convert_element_type3A = arith.extui %lt3A_230 : i1 to i32
      %cond3A = arith.constant 0 : i32
      %cond3A_231 = arith.cmpi ne, %convert_element_type3A, %cond3A : i32
      scf.if %cond3A_231 {
        %sub3A = arith.constant 1 : i32
        %sub3A_270 = arith.subi %sub3A, %rem3A_216 : i32
        %dma_wait3A_271 = arith.constant 0 : i32
        %dma_wait3A_272 = arith.constant 0 : i32
        %dma_wait3A_273 = tpu.memref_slice %arg6[%sub3A_270, %dma_wait3A_271, %dma_wait3A_272] : memref<2x2x128xi32, #tpu.memory_space<vmem>> -> memref<1x2x128xi32, #tpu.memory_space<vmem>>
        %dma_wait3A_274 = tpu.memref_squeeze %dma_wait3A_273 : memref<1x2x128xi32, #tpu.memory_space<vmem>> -> memref<2x128xi32, #tpu.memory_space<vmem>>
        %dma_wait3A_275 = arith.constant 0 : i32
        %dma_wait3A_276 = arith.constant 0 : i32
        %dma_wait3A_277 = tpu.memref_slice %arg3[%mul3A_2, %dma_wait3A_275, %dma_wait3A_276] : memref<2592x2x128xi32, #tpu.memory_space<hbm>> -> memref<1x2x128xi32, #tpu.memory_space<hbm>>
        %dma_wait3A_278 = tpu.memref_squeeze %dma_wait3A_277 : memref<1x2x128xi32, #tpu.memory_space<hbm>> -> memref<2x128xi32, #tpu.memory_space<hbm>>
        %dma_wait3A_279 = arith.constant 0 : i32
        %dma_wait3A_280 = arith.constant 0 : i32
        %dma_wait3A_281 = tpu.memref_slice %arg6[%sub3A_270, %dma_wait3A_279, %dma_wait3A_280] : memref<2x2x128xi32, #tpu.memory_space<vmem>> -> memref<1x2x128xi32, #tpu.memory_space<vmem>>
        %dma_wait3A_282 = tpu.memref_squeeze %dma_wait3A_281 : memref<1x2x128xi32, #tpu.memory_space<vmem>> -> memref<2x128xi32, #tpu.memory_space<vmem>>
        %dma_wait3A_283 = arith.constant 0 : i32
        %dma_wait3A_284 = arith.constant 0 : i32
        %dma_wait3A_285 = tpu.memref_slice %arg3[%mul3A_2, %dma_wait3A_283, %dma_wait3A_284] : memref<2592x2x128xi32, #tpu.memory_space<hbm>> -> memref<1x2x128xi32, #tpu.memory_space<hbm>>
        %dma_wait3A_286 = tpu.memref_squeeze %dma_wait3A_285 : memref<1x2x128xi32, #tpu.memory_space<hbm>> -> memref<2x128xi32, #tpu.memory_space<hbm>>
        tpu.wait_dma2 semaphore(%arg16 : memref<!tpu.dma_semaphore, #tpu.memory_space<semaphore_mem>>) src(%dma_wait3A_286 : memref<2x128xi32, #tpu.memory_space<hbm>>) dst(%dma_wait3A_282 : memref<2x128xi32, #tpu.memory_space<vmem>>)
        %add3A_287 = arith.addi %mul3A_2, %add3A_220 : i32
        %add3A_288 = arith.constant 3 : i32
        %add3A_289 = arith.addi %add3A_287, %add3A_288 : i32
        %sub3A_290 = arith.constant 1 : i32
        %sub3A_291 = arith.subi %sub3A_290, %rem3A_216 : i32
        %dma_start3A_292 = arith.constant 0 : i32
        %dma_start3A_293 = arith.constant 0 : i32
        %dma_start3A_294 = tpu.memref_slice %arg6[%sub3A_291, %dma_start3A_292, %dma_start3A_293] : memref<2x2x128xi32, #tpu.memory_space<vmem>> -> memref<1x1x128xi32, #tpu.memory_space<vmem>>
        %dma_start3A_295 = tpu.memref_squeeze %dma_start3A_294 : memref<1x1x128xi32, #tpu.memory_space<vmem>> -> memref<128xi32, #tpu.memory_space<vmem>>
        %dma_start3A_296 = arith.constant 0 : i32
        %dma_start3A_297 = arith.constant 0 : i32
        %dma_start3A_298 = tpu.memref_slice %arg2[%dma_start3A_296, %dma_start3A_297] : memref<10000x128xf32, #tpu.memory_space<hbm>> -> memref<10000x128xf32, #tpu.memory_space<hbm>>
        tpu.enqueue_indirect_dma source(%dma_start3A_298 : memref<10000x128xf32, #tpu.memory_space<hbm>>) target(%arg9 : memref<128x128xf32, #tpu.memory_space<vmem>>) offsets(%dma_start3A_295 : memref<128xi32, #tpu.memory_space<vmem>>) semaphore(%arg13 : memref<!tpu.dma_semaphore, #tpu.memory_space<semaphore_mem>>)
        %add3A_299 = arith.constant 6 : i32
        %add3A_300 = arith.addi %add3A_220, %add3A_299 : i32
        %lt3A_301 = arith.constant 81 : i32
        %lt3A_302 = arith.cmpi slt, %add3A_300, %lt3A_301 : i32
        %convert_element_type3A_303 = arith.extui %lt3A_302 : i1 to i32
        %cond3A_304 = arith.constant 0 : i32
        %cond3A_305 = arith.cmpi ne, %convert_element_type3A_303, %cond3A_304 : i32
        scf.if %cond3A_305 {
          %add3A_306 = arith.addi %mul3A_2, %add3A_220 : i32
          %add3A_307 = arith.constant 6 : i32
          %add3A_308 = arith.addi %add3A_306, %add3A_307 : i32
          %dma_start3A_309 = arith.constant 0 : i32
          %dma_start3A_310 = arith.constant 0 : i32
          %dma_start3A_311 = tpu.memref_slice %arg6[%rem3A_216, %dma_start3A_309, %dma_start3A_310] : memref<2x2x128xi32, #tpu.memory_space<vmem>> -> memref<1x2x128xi32, #tpu.memory_space<vmem>>
          %dma_start3A_312 = tpu.memref_squeeze %dma_start3A_311 : memref<1x2x128xi32, #tpu.memory_space<vmem>> -> memref<2x128xi32, #tpu.memory_space<vmem>>
          %dma_start3A_313 = arith.constant 0 : i32
          %dma_start3A_314 = arith.constant 0 : i32
          %dma_start3A_315 = tpu.memref_slice %arg3[%add3A_308, %dma_start3A_313, %dma_start3A_314] : memref<2592x2x128xi32, #tpu.memory_space<hbm>> -> memref<1x2x128xi32, #tpu.memory_space<hbm>>
          %dma_start3A_316 = tpu.memref_squeeze %dma_start3A_315 : memref<1x2x128xi32, #tpu.memory_space<hbm>> -> memref<2x128xi32, #tpu.memory_space<hbm>>
          %dma_start3A_317 = arith.constant 0 : i32
          %dma_start3A_318 = arith.constant 0 : i32
          %dma_start3A_319 = tpu.memref_slice %arg6[%rem3A_216, %dma_start3A_317, %dma_start3A_318] : memref<2x2x128xi32, #tpu.memory_space<vmem>> -> memref<1x2x128xi32, #tpu.memory_space<vmem>>
          %dma_start3A_320 = tpu.memref_squeeze %dma_start3A_319 : memref<1x2x128xi32, #tpu.memory_space<vmem>> -> memref<2x128xi32, #tpu.memory_space<vmem>>
          %dma_start3A_321 = arith.constant 0 : i32
          %dma_start3A_322 = arith.constant 0 : i32
          %dma_start3A_323 = tpu.memref_slice %arg3[%add3A_308, %dma_start3A_321, %dma_start3A_322] : memref<2592x2x128xi32, #tpu.memory_space<hbm>> -> memref<1x2x128xi32, #tpu.memory_space<hbm>>
          %dma_start3A_324 = tpu.memref_squeeze %dma_start3A_323 : memref<1x2x128xi32, #tpu.memory_space<hbm>> -> memref<2x128xi32, #tpu.memory_space<hbm>>
          tpu.enqueue_dma source(%dma_start3A_324 : memref<2x128xi32, #tpu.memory_space<hbm>>) target(%dma_start3A_320 : memref<2x128xi32, #tpu.memory_space<vmem>>) target_semaphore(%arg16 : memref<!tpu.dma_semaphore, #tpu.memory_space<semaphore_mem>>)
        } else {
        }
      } else {
      }
      %mul3A_232 = arith.constant 3 : i32
      %mul3A_233 = arith.muli %scan3A_215, %mul3A_232 : i32
      %add3A_234 = arith.constant 1 : i32
      %add3A_235 = arith.addi %mul3A_233, %add3A_234 : i32
      %dma_wait3A_236 = arith.constant 0 : i32
      %dma_wait3A_237 = arith.constant 0 : i32
      %dma_wait3A_238 = tpu.memref_slice %arg7[%rem3A_216, %dma_wait3A_236, %dma_wait3A_237] : memref<2x2x128xi32, #tpu.memory_space<vmem>> -> memref<1x1x128xi32, #tpu.memory_space<vmem>>
      %dma_wait3A_239 = tpu.memref_squeeze %dma_wait3A_238 : memref<1x1x128xi32, #tpu.memory_space<vmem>> -> memref<128xi32, #tpu.memory_space<vmem>>
      %dma_wait3A_240 = arith.constant 0 : i32
      %dma_wait3A_241 = arith.constant 0 : i32
      %dma_wait3A_242 = tpu.memref_slice %arg2[%dma_wait3A_240, %dma_wait3A_241] : memref<10000x128xf32, #tpu.memory_space<hbm>> -> memref<10000x128xf32, #tpu.memory_space<hbm>>
      tpu.wait_indirect_dma semaphore(%arg14 : memref<!tpu.dma_semaphore, #tpu.memory_space<semaphore_mem>>) src(%dma_wait3A_242 : memref<10000x128xf32, #tpu.memory_space<hbm>>) dst(%arg10 : memref<128x128xf32, #tpu.memory_space<vmem>>)
      %run_scoped3A_243 = arith.constant 1 : i32
      "tpu.region"() ({
        %run_scoped3A_270 = tpu.sem_alloc : memref<!tpu.dma_semaphore, #tpu.memory_space<semaphore_mem>>
        %dma_start3A_271 = arith.constant 0 : i32
        %dma_start3A_272 = tpu.memref_slice %arg7[%rem3A_216, %run_scoped3A_243, %dma_start3A_271] : memref<2x2x128xi32, #tpu.memory_space<vmem>> -> memref<1x1x128xi32, #tpu.memory_space<vmem>>
        %dma_start3A_273 = tpu.memref_squeeze %dma_start3A_272 : memref<1x1x128xi32, #tpu.memory_space<vmem>> -> memref<128xi32, #tpu.memory_space<vmem>>
        %dma_start3A_274 = arith.constant 0 : i32
        %dma_start3A_275 = arith.constant 0 : i32
        %dma_start3A_276 = tpu.memref_slice %arg12[%dma_start3A_274, %dma_start3A_275] : memref<10032x128xf32, #tpu.memory_space<vmem_shared>> -> memref<10032x128xf32, #tpu.memory_space<vmem_shared>>
        tpu.enqueue_indirect_dma source(%arg10 : memref<128x128xf32, #tpu.memory_space<vmem>>) target(%dma_start3A_276 : memref<10032x128xf32, #tpu.memory_space<vmem_shared>>) offsets(%dma_start3A_273 : memref<128xi32, #tpu.memory_space<vmem>>) semaphore(%run_scoped3A_270 : memref<!tpu.dma_semaphore, #tpu.memory_space<semaphore_mem>>) {add = true}
        %dma_wait3A_277 = arith.constant 0 : i32
        %dma_wait3A_278 = tpu.memref_slice %arg7[%rem3A_216, %run_scoped3A_243, %dma_wait3A_277] : memref<2x2x128xi32, #tpu.memory_space<vmem>> -> memref<1x1x128xi32, #tpu.memory_space<vmem>>
        %dma_wait3A_279 = tpu.memref_squeeze %dma_wait3A_278 : memref<1x1x128xi32, #tpu.memory_space<vmem>> -> memref<128xi32, #tpu.memory_space<vmem>>
        %dma_wait3A_280 = arith.constant 0 : i32
        %dma_wait3A_281 = arith.constant 0 : i32
        %dma_wait3A_282 = tpu.memref_slice %arg12[%dma_wait3A_280, %dma_wait3A_281] : memref<10032x128xf32, #tpu.memory_space<vmem_shared>> -> memref<10032x128xf32, #tpu.memory_space<vmem_shared>>
        tpu.wait_indirect_dma semaphore(%run_scoped3A_270 : memref<!tpu.dma_semaphore, #tpu.memory_space<semaphore_mem>>) src(%arg10 : memref<128x128xf32, #tpu.memory_space<vmem>>) dst(%dma_wait3A_282 : memref<10032x128xf32, #tpu.memory_space<vmem_shared>>)
        tpu.yield
      }) : () -> ()
      %add3A_244 = arith.constant 3 : i32
      %add3A_245 = arith.addi %add3A_235, %add3A_244 : i32
      %lt3A_246 = arith.constant 81 : i32
      %lt3A_247 = arith.cmpi slt, %add3A_245, %lt3A_246 : i32
      %convert_element_type3A_248 = arith.extui %lt3A_247 : i1 to i32
      %cond3A_249 = arith.constant 0 : i32
      %cond3A_250 = arith.cmpi ne, %convert_element_type3A_248, %cond3A_249 : i32
      scf.if %cond3A_250 {
        %sub3A = arith.constant 1 : i32
        %sub3A_270 = arith.subi %sub3A, %rem3A_216 : i32
        %dma_wait3A_271 = arith.constant 0 : i32
        %dma_wait3A_272 = arith.constant 0 : i32
        %dma_wait3A_273 = tpu.memref_slice %arg7[%sub3A_270, %dma_wait3A_271, %dma_wait3A_272] : memref<2x2x128xi32, #tpu.memory_space<vmem>> -> memref<1x2x128xi32, #tpu.memory_space<vmem>>
        %dma_wait3A_274 = tpu.memref_squeeze %dma_wait3A_273 : memref<1x2x128xi32, #tpu.memory_space<vmem>> -> memref<2x128xi32, #tpu.memory_space<vmem>>
        %dma_wait3A_275 = arith.constant 0 : i32
        %dma_wait3A_276 = arith.constant 0 : i32
        %dma_wait3A_277 = tpu.memref_slice %arg3[%mul3A_2, %dma_wait3A_275, %dma_wait3A_276] : memref<2592x2x128xi32, #tpu.memory_space<hbm>> -> memref<1x2x128xi32, #tpu.memory_space<hbm>>
        %dma_wait3A_278 = tpu.memref_squeeze %dma_wait3A_277 : memref<1x2x128xi32, #tpu.memory_space<hbm>> -> memref<2x128xi32, #tpu.memory_space<hbm>>
        %dma_wait3A_279 = arith.constant 0 : i32
        %dma_wait3A_280 = arith.constant 0 : i32
        %dma_wait3A_281 = tpu.memref_slice %arg7[%sub3A_270, %dma_wait3A_279, %dma_wait3A_280] : memref<2x2x128xi32, #tpu.memory_space<vmem>> -> memref<1x2x128xi32, #tpu.memory_space<vmem>>
        %dma_wait3A_282 = tpu.memref_squeeze %dma_wait3A_281 : memref<1x2x128xi32, #tpu.memory_space<vmem>> -> memref<2x128xi32, #tpu.memory_space<vmem>>
        %dma_wait3A_283 = arith.constant 0 : i32
        %dma_wait3A_284 = arith.constant 0 : i32
        %dma_wait3A_285 = tpu.memref_slice %arg3[%mul3A_2, %dma_wait3A_283, %dma_wait3A_284] : memref<2592x2x128xi32, #tpu.memory_space<hbm>> -> memref<1x2x128xi32, #tpu.memory_space<hbm>>
        %dma_wait3A_286 = tpu.memref_squeeze %dma_wait3A_285 : memref<1x2x128xi32, #tpu.memory_space<hbm>> -> memref<2x128xi32, #tpu.memory_space<hbm>>
        tpu.wait_dma2 semaphore(%arg17 : memref<!tpu.dma_semaphore, #tpu.memory_space<semaphore_mem>>) src(%dma_wait3A_286 : memref<2x128xi32, #tpu.memory_space<hbm>>) dst(%dma_wait3A_282 : memref<2x128xi32, #tpu.memory_space<vmem>>)
        %add3A_287 = arith.addi %mul3A_2, %add3A_235 : i32
        %add3A_288 = arith.constant 3 : i32
        %add3A_289 = arith.addi %add3A_287, %add3A_288 : i32
        %sub3A_290 = arith.constant 1 : i32
        %sub3A_291 = arith.subi %sub3A_290, %rem3A_216 : i32
        %dma_start3A_292 = arith.constant 0 : i32
        %dma_start3A_293 = arith.constant 0 : i32
        %dma_start3A_294 = tpu.memref_slice %arg7[%sub3A_291, %dma_start3A_292, %dma_start3A_293] : memref<2x2x128xi32, #tpu.memory_space<vmem>> -> memref<1x1x128xi32, #tpu.memory_space<vmem>>
        %dma_start3A_295 = tpu.memref_squeeze %dma_start3A_294 : memref<1x1x128xi32, #tpu.memory_space<vmem>> -> memref<128xi32, #tpu.memory_space<vmem>>
        %dma_start3A_296 = arith.constant 0 : i32
        %dma_start3A_297 = arith.constant 0 : i32
        %dma_start3A_298 = tpu.memref_slice %arg2[%dma_start3A_296, %dma_start3A_297] : memref<10000x128xf32, #tpu.memory_space<hbm>> -> memref<10000x128xf32, #tpu.memory_space<hbm>>
        tpu.enqueue_indirect_dma source(%dma_start3A_298 : memref<10000x128xf32, #tpu.memory_space<hbm>>) target(%arg10 : memref<128x128xf32, #tpu.memory_space<vmem>>) offsets(%dma_start3A_295 : memref<128xi32, #tpu.memory_space<vmem>>) semaphore(%arg14 : memref<!tpu.dma_semaphore, #tpu.memory_space<semaphore_mem>>)
        %add3A_299 = arith.constant 6 : i32
        %add3A_300 = arith.addi %add3A_235, %add3A_299 : i32
        %lt3A_301 = arith.constant 81 : i32
        %lt3A_302 = arith.cmpi slt, %add3A_300, %lt3A_301 : i32
        %convert_element_type3A_303 = arith.extui %lt3A_302 : i1 to i32
        %cond3A_304 = arith.constant 0 : i32
        %cond3A_305 = arith.cmpi ne, %convert_element_type3A_303, %cond3A_304 : i32
        scf.if %cond3A_305 {
          %add3A_306 = arith.addi %mul3A_2, %add3A_235 : i32
          %add3A_307 = arith.constant 6 : i32
          %add3A_308 = arith.addi %add3A_306, %add3A_307 : i32
          %dma_start3A_309 = arith.constant 0 : i32
          %dma_start3A_310 = arith.constant 0 : i32
          %dma_start3A_311 = tpu.memref_slice %arg7[%rem3A_216, %dma_start3A_309, %dma_start3A_310] : memref<2x2x128xi32, #tpu.memory_space<vmem>> -> memref<1x2x128xi32, #tpu.memory_space<vmem>>
          %dma_start3A_312 = tpu.memref_squeeze %dma_start3A_311 : memref<1x2x128xi32, #tpu.memory_space<vmem>> -> memref<2x128xi32, #tpu.memory_space<vmem>>
          %dma_start3A_313 = arith.constant 0 : i32
          %dma_start3A_314 = arith.constant 0 : i32
          %dma_start3A_315 = tpu.memref_slice %arg3[%add3A_308, %dma_start3A_313, %dma_start3A_314] : memref<2592x2x128xi32, #tpu.memory_space<hbm>> -> memref<1x2x128xi32, #tpu.memory_space<hbm>>
          %dma_start3A_316 = tpu.memref_squeeze %dma_start3A_315 : memref<1x2x128xi32, #tpu.memory_space<hbm>> -> memref<2x128xi32, #tpu.memory_space<hbm>>
          %dma_start3A_317 = arith.constant 0 : i32
          %dma_start3A_318 = arith.constant 0 : i32
          %dma_start3A_319 = tpu.memref_slice %arg7[%rem3A_216, %dma_start3A_317, %dma_start3A_318] : memref<2x2x128xi32, #tpu.memory_space<vmem>> -> memref<1x2x128xi32, #tpu.memory_space<vmem>>
          %dma_start3A_320 = tpu.memref_squeeze %dma_start3A_319 : memref<1x2x128xi32, #tpu.memory_space<vmem>> -> memref<2x128xi32, #tpu.memory_space<vmem>>
          %dma_start3A_321 = arith.constant 0 : i32
          %dma_start3A_322 = arith.constant 0 : i32
          %dma_start3A_323 = tpu.memref_slice %arg3[%add3A_308, %dma_start3A_321, %dma_start3A_322] : memref<2592x2x128xi32, #tpu.memory_space<hbm>> -> memref<1x2x128xi32, #tpu.memory_space<hbm>>
          %dma_start3A_324 = tpu.memref_squeeze %dma_start3A_323 : memref<1x2x128xi32, #tpu.memory_space<hbm>> -> memref<2x128xi32, #tpu.memory_space<hbm>>
          tpu.enqueue_dma source(%dma_start3A_324 : memref<2x128xi32, #tpu.memory_space<hbm>>) target(%dma_start3A_320 : memref<2x128xi32, #tpu.memory_space<vmem>>) target_semaphore(%arg17 : memref<!tpu.dma_semaphore, #tpu.memory_space<semaphore_mem>>)
        } else {
        }
      } else {
      }
      %mul3A_251 = arith.constant 3 : i32
      %mul3A_252 = arith.muli %scan3A_215, %mul3A_251 : i32
      %add3A_253 = arith.constant 2 : i32
      %add3A_254 = arith.addi %mul3A_252, %add3A_253 : i32
      %dma_wait3A_255 = arith.constant 0 : i32
      %dma_wait3A_256 = arith.constant 0 : i32
      %dma_wait3A_257 = tpu.memref_slice %arg8[%rem3A_216, %dma_wait3A_255, %dma_wait3A_256] : memref<2x2x128xi32, #tpu.memory_space<vmem>> -> memref<1x1x128xi32, #tpu.memory_space<vmem>>
      %dma_wait3A_258 = tpu.memref_squeeze %dma_wait3A_257 : memref<1x1x128xi32, #tpu.memory_space<vmem>> -> memref<128xi32, #tpu.memory_space<vmem>>
      %dma_wait3A_259 = arith.constant 0 : i32
      %dma_wait3A_260 = arith.constant 0 : i32
      %dma_wait3A_261 = tpu.memref_slice %arg2[%dma_wait3A_259, %dma_wait3A_260] : memref<10000x128xf32, #tpu.memory_space<hbm>> -> memref<10000x128xf32, #tpu.memory_space<hbm>>
      tpu.wait_indirect_dma semaphore(%arg15 : memref<!tpu.dma_semaphore, #tpu.memory_space<semaphore_mem>>) src(%dma_wait3A_261 : memref<10000x128xf32, #tpu.memory_space<hbm>>) dst(%arg11 : memref<128x128xf32, #tpu.memory_space<vmem>>)
      %run_scoped3A_262 = arith.constant 1 : i32
      "tpu.region"() ({
        %run_scoped3A_270 = tpu.sem_alloc : memref<!tpu.dma_semaphore, #tpu.memory_space<semaphore_mem>>
        %dma_start3A_271 = arith.constant 0 : i32
        %dma_start3A_272 = tpu.memref_slice %arg8[%rem3A_216, %run_scoped3A_262, %dma_start3A_271] : memref<2x2x128xi32, #tpu.memory_space<vmem>> -> memref<1x1x128xi32, #tpu.memory_space<vmem>>
        %dma_start3A_273 = tpu.memref_squeeze %dma_start3A_272 : memref<1x1x128xi32, #tpu.memory_space<vmem>> -> memref<128xi32, #tpu.memory_space<vmem>>
        %dma_start3A_274 = arith.constant 0 : i32
        %dma_start3A_275 = arith.constant 0 : i32
        %dma_start3A_276 = tpu.memref_slice %arg12[%dma_start3A_274, %dma_start3A_275] : memref<10032x128xf32, #tpu.memory_space<vmem_shared>> -> memref<10032x128xf32, #tpu.memory_space<vmem_shared>>
        tpu.enqueue_indirect_dma source(%arg11 : memref<128x128xf32, #tpu.memory_space<vmem>>) target(%dma_start3A_276 : memref<10032x128xf32, #tpu.memory_space<vmem_shared>>) offsets(%dma_start3A_273 : memref<128xi32, #tpu.memory_space<vmem>>) semaphore(%run_scoped3A_270 : memref<!tpu.dma_semaphore, #tpu.memory_space<semaphore_mem>>) {add = true}
        %dma_wait3A_277 = arith.constant 0 : i32
        %dma_wait3A_278 = tpu.memref_slice %arg8[%rem3A_216, %run_scoped3A_262, %dma_wait3A_277] : memref<2x2x128xi32, #tpu.memory_space<vmem>> -> memref<1x1x128xi32, #tpu.memory_space<vmem>>
        %dma_wait3A_279 = tpu.memref_squeeze %dma_wait3A_278 : memref<1x1x128xi32, #tpu.memory_space<vmem>> -> memref<128xi32, #tpu.memory_space<vmem>>
        %dma_wait3A_280 = arith.constant 0 : i32
        %dma_wait3A_281 = arith.constant 0 : i32
        %dma_wait3A_282 = tpu.memref_slice %arg12[%dma_wait3A_280, %dma_wait3A_281] : memref<10032x128xf32, #tpu.memory_space<vmem_shared>> -> memref<10032x128xf32, #tpu.memory_space<vmem_shared>>
        tpu.wait_indirect_dma semaphore(%run_scoped3A_270 : memref<!tpu.dma_semaphore, #tpu.memory_space<semaphore_mem>>) src(%arg11 : memref<128x128xf32, #tpu.memory_space<vmem>>) dst(%dma_wait3A_282 : memref<10032x128xf32, #tpu.memory_space<vmem_shared>>)
        tpu.yield
      }) : () -> ()
      %add3A_263 = arith.constant 3 : i32
      %add3A_264 = arith.addi %add3A_254, %add3A_263 : i32
      %lt3A_265 = arith.constant 81 : i32
      %lt3A_266 = arith.cmpi slt, %add3A_264, %lt3A_265 : i32
      %convert_element_type3A_267 = arith.extui %lt3A_266 : i1 to i32
      %cond3A_268 = arith.constant 0 : i32
      %cond3A_269 = arith.cmpi ne, %convert_element_type3A_267, %cond3A_268 : i32
      scf.if %cond3A_269 {
        %sub3A = arith.constant 1 : i32
        %sub3A_270 = arith.subi %sub3A, %rem3A_216 : i32
        %dma_wait3A_271 = arith.constant 0 : i32
        %dma_wait3A_272 = arith.constant 0 : i32
        %dma_wait3A_273 = tpu.memref_slice %arg8[%sub3A_270, %dma_wait3A_271, %dma_wait3A_272] : memref<2x2x128xi32, #tpu.memory_space<vmem>> -> memref<1x2x128xi32, #tpu.memory_space<vmem>>
        %dma_wait3A_274 = tpu.memref_squeeze %dma_wait3A_273 : memref<1x2x128xi32, #tpu.memory_space<vmem>> -> memref<2x128xi32, #tpu.memory_space<vmem>>
        %dma_wait3A_275 = arith.constant 0 : i32
        %dma_wait3A_276 = arith.constant 0 : i32
        %dma_wait3A_277 = tpu.memref_slice %arg3[%mul3A_2, %dma_wait3A_275, %dma_wait3A_276] : memref<2592x2x128xi32, #tpu.memory_space<hbm>> -> memref<1x2x128xi32, #tpu.memory_space<hbm>>
        %dma_wait3A_278 = tpu.memref_squeeze %dma_wait3A_277 : memref<1x2x128xi32, #tpu.memory_space<hbm>> -> memref<2x128xi32, #tpu.memory_space<hbm>>
        %dma_wait3A_279 = arith.constant 0 : i32
        %dma_wait3A_280 = arith.constant 0 : i32
        %dma_wait3A_281 = tpu.memref_slice %arg8[%sub3A_270, %dma_wait3A_279, %dma_wait3A_280] : memref<2x2x128xi32, #tpu.memory_space<vmem>> -> memref<1x2x128xi32, #tpu.memory_space<vmem>>
        %dma_wait3A_282 = tpu.memref_squeeze %dma_wait3A_281 : memref<1x2x128xi32, #tpu.memory_space<vmem>> -> memref<2x128xi32, #tpu.memory_space<vmem>>
        %dma_wait3A_283 = arith.constant 0 : i32
        %dma_wait3A_284 = arith.constant 0 : i32
        %dma_wait3A_285 = tpu.memref_slice %arg3[%mul3A_2, %dma_wait3A_283, %dma_wait3A_284] : memref<2592x2x128xi32, #tpu.memory_space<hbm>> -> memref<1x2x128xi32, #tpu.memory_space<hbm>>
        %dma_wait3A_286 = tpu.memref_squeeze %dma_wait3A_285 : memref<1x2x128xi32, #tpu.memory_space<hbm>> -> memref<2x128xi32, #tpu.memory_space<hbm>>
        tpu.wait_dma2 semaphore(%arg18 : memref<!tpu.dma_semaphore, #tpu.memory_space<semaphore_mem>>) src(%dma_wait3A_286 : memref<2x128xi32, #tpu.memory_space<hbm>>) dst(%dma_wait3A_282 : memref<2x128xi32, #tpu.memory_space<vmem>>)
        %add3A_287 = arith.addi %mul3A_2, %add3A_254 : i32
        %add3A_288 = arith.constant 3 : i32
        %add3A_289 = arith.addi %add3A_287, %add3A_288 : i32
        %sub3A_290 = arith.constant 1 : i32
        %sub3A_291 = arith.subi %sub3A_290, %rem3A_216 : i32
        %dma_start3A_292 = arith.constant 0 : i32
        %dma_start3A_293 = arith.constant 0 : i32
        %dma_start3A_294 = tpu.memref_slice %arg8[%sub3A_291, %dma_start3A_292, %dma_start3A_293] : memref<2x2x128xi32, #tpu.memory_space<vmem>> -> memref<1x1x128xi32, #tpu.memory_space<vmem>>
        %dma_start3A_295 = tpu.memref_squeeze %dma_start3A_294 : memref<1x1x128xi32, #tpu.memory_space<vmem>> -> memref<128xi32, #tpu.memory_space<vmem>>
        %dma_start3A_296 = arith.constant 0 : i32
        %dma_start3A_297 = arith.constant 0 : i32
        %dma_start3A_298 = tpu.memref_slice %arg2[%dma_start3A_296, %dma_start3A_297] : memref<10000x128xf32, #tpu.memory_space<hbm>> -> memref<10000x128xf32, #tpu.memory_space<hbm>>
        tpu.enqueue_indirect_dma source(%dma_start3A_298 : memref<10000x128xf32, #tpu.memory_space<hbm>>) target(%arg11 : memref<128x128xf32, #tpu.memory_space<vmem>>) offsets(%dma_start3A_295 : memref<128xi32, #tpu.memory_space<vmem>>) semaphore(%arg15 : memref<!tpu.dma_semaphore, #tpu.memory_space<semaphore_mem>>)
        %add3A_299 = arith.constant 6 : i32
        %add3A_300 = arith.addi %add3A_254, %add3A_299 : i32
        %lt3A_301 = arith.constant 81 : i32
        %lt3A_302 = arith.cmpi slt, %add3A_300, %lt3A_301 : i32
        %convert_element_type3A_303 = arith.extui %lt3A_302 : i1 to i32
        %cond3A_304 = arith.constant 0 : i32
        %cond3A_305 = arith.cmpi ne, %convert_element_type3A_303, %cond3A_304 : i32
        scf.if %cond3A_305 {
          %add3A_306 = arith.addi %mul3A_2, %add3A_254 : i32
          %add3A_307 = arith.constant 6 : i32
          %add3A_308 = arith.addi %add3A_306, %add3A_307 : i32
          %dma_start3A_309 = arith.constant 0 : i32
          %dma_start3A_310 = arith.constant 0 : i32
          %dma_start3A_311 = tpu.memref_slice %arg8[%rem3A_216, %dma_start3A_309, %dma_start3A_310] : memref<2x2x128xi32, #tpu.memory_space<vmem>> -> memref<1x2x128xi32, #tpu.memory_space<vmem>>
          %dma_start3A_312 = tpu.memref_squeeze %dma_start3A_311 : memref<1x2x128xi32, #tpu.memory_space<vmem>> -> memref<2x128xi32, #tpu.memory_space<vmem>>
          %dma_start3A_313 = arith.constant 0 : i32
          %dma_start3A_314 = arith.constant 0 : i32
          %dma_start3A_315 = tpu.memref_slice %arg3[%add3A_308, %dma_start3A_313, %dma_start3A_314] : memref<2592x2x128xi32, #tpu.memory_space<hbm>> -> memref<1x2x128xi32, #tpu.memory_space<hbm>>
          %dma_start3A_316 = tpu.memref_squeeze %dma_start3A_315 : memref<1x2x128xi32, #tpu.memory_space<hbm>> -> memref<2x128xi32, #tpu.memory_space<hbm>>
          %dma_start3A_317 = arith.constant 0 : i32
          %dma_start3A_318 = arith.constant 0 : i32
          %dma_start3A_319 = tpu.memref_slice %arg8[%rem3A_216, %dma_start3A_317, %dma_start3A_318] : memref<2x2x128xi32, #tpu.memory_space<vmem>> -> memref<1x2x128xi32, #tpu.memory_space<vmem>>
          %dma_start3A_320 = tpu.memref_squeeze %dma_start3A_319 : memref<1x2x128xi32, #tpu.memory_space<vmem>> -> memref<2x128xi32, #tpu.memory_space<vmem>>
          %dma_start3A_321 = arith.constant 0 : i32
          %dma_start3A_322 = arith.constant 0 : i32
          %dma_start3A_323 = tpu.memref_slice %arg3[%add3A_308, %dma_start3A_321, %dma_start3A_322] : memref<2592x2x128xi32, #tpu.memory_space<hbm>> -> memref<1x2x128xi32, #tpu.memory_space<hbm>>
          %dma_start3A_324 = tpu.memref_squeeze %dma_start3A_323 : memref<1x2x128xi32, #tpu.memory_space<hbm>> -> memref<2x128xi32, #tpu.memory_space<hbm>>
          tpu.enqueue_dma source(%dma_start3A_324 : memref<2x128xi32, #tpu.memory_space<hbm>>) target(%dma_start3A_320 : memref<2x128xi32, #tpu.memory_space<vmem>>) target_semaphore(%arg18 : memref<!tpu.dma_semaphore, #tpu.memory_space<semaphore_mem>>)
        } else {
        }
      } else {
      }
    }
    %scan3A_209 = arith.constant 27 : i32
    %barrier3A_210 = arith.constant 0 : index
    tpu.barrier barrier_id(%barrier3A_210)
    %mul3A_211 = arith.constant 625 : i32
    %mul3A_212 = arith.muli %arg1, %mul3A_211 : i32
    %mul3A_213 = arith.constant 625 : i32
    %mul3A_214 = arith.muli %arg1, %mul3A_213 : i32
    "tpu.region"() ({
      %run_scoped3A = tpu.sem_alloc : memref<!tpu.dma_semaphore, #tpu.memory_space<semaphore_mem>>
      %dma_start3A_215 = arith.constant 0 : i32
      %dma_start3A_216 = tpu.memref_slice %arg5[%arg0, %mul3A_214, %dma_start3A_215] : memref<2x10000x128xf32, #tpu.memory_space<hbm>> -> memref<1x625x128xf32, #tpu.memory_space<hbm>>
      %dma_start3A_217 = tpu.memref_squeeze %dma_start3A_216 : memref<1x625x128xf32, #tpu.memory_space<hbm>> -> memref<625x128xf32, #tpu.memory_space<hbm>>
      %dma_start3A_218 = arith.constant 0 : i32
      %dma_start3A_219 = tpu.memref_slice %arg12[%mul3A_212, %dma_start3A_218] : memref<10032x128xf32, #tpu.memory_space<vmem_shared>> -> memref<625x128xf32, #tpu.memory_space<vmem_shared>>
      tpu.enqueue_dma source(%dma_start3A_219 : memref<625x128xf32, #tpu.memory_space<vmem_shared>>) target(%dma_start3A_217 : memref<625x128xf32, #tpu.memory_space<hbm>>) target_semaphore(%run_scoped3A : memref<!tpu.dma_semaphore, #tpu.memory_space<semaphore_mem>>)
      %dma_wait3A_220 = arith.constant 0 : i32
      %dma_wait3A_221 = tpu.memref_slice %arg5[%arg0, %mul3A_214, %dma_wait3A_220] : memref<2x10000x128xf32, #tpu.memory_space<hbm>> -> memref<1x625x128xf32, #tpu.memory_space<hbm>>
      %dma_wait3A_222 = tpu.memref_squeeze %dma_wait3A_221 : memref<1x625x128xf32, #tpu.memory_space<hbm>> -> memref<625x128xf32, #tpu.memory_space<hbm>>
      %dma_wait3A_223 = arith.constant 0 : i32
      %dma_wait3A_224 = tpu.memref_slice %arg12[%mul3A_212, %dma_wait3A_223] : memref<10032x128xf32, #tpu.memory_space<vmem_shared>> -> memref<625x128xf32, #tpu.memory_space<vmem_shared>>
      tpu.wait_dma2 semaphore(%run_scoped3A : memref<!tpu.dma_semaphore, #tpu.memory_space<semaphore_mem>>) src(%dma_wait3A_224 : memref<625x128xf32, #tpu.memory_space<vmem_shared>>) dst(%dma_wait3A_222 : memref<625x128xf32, #tpu.memory_space<hbm>>)
      tpu.yield
    }) : () -> ()
    return
  }
}

#map = affine_map<(d0, d1) -> (0, 0)>
#map1 = affine_map<(d0, d1) -> (0, 0, 0)>
module attributes {stable_mosaic.version = 14 : i64} {
  func.func @k(%arg0: i32, %arg1: i32, %arg2: memref<10000x64xf32, #tpu.memory_space<hbm>>, %arg3: memref<2592x2x128xi32, #tpu.memory_space<hbm>>, %arg4: memref<10032x64xf32, #tpu.memory_space<hbm>>, %arg5: memref<2x10000x64xf32, #tpu.memory_space<hbm>>, %arg6: memref<2x2x128xi32, #tpu.memory_space<vmem>>, %arg7: memref<2x2x128xi32, #tpu.memory_space<vmem>>, %arg8: memref<2x2x128xi32, #tpu.memory_space<vmem>>, %arg9: memref<128x64xf32, #tpu.memory_space<vmem>>, %arg10: memref<128x64xf32, #tpu.memory_space<vmem>>, %arg11: memref<128x64xf32, #tpu.memory_space<vmem>>, %arg12: memref<10032x64xf32, #tpu.memory_space<vmem_shared>>, %arg13: memref<!tpu.dma_semaphore, #tpu.memory_space<semaphore_mem>>, %arg14: memref<!tpu.dma_semaphore, #tpu.memory_space<semaphore_mem>>, %arg15: memref<!tpu.dma_semaphore, #tpu.memory_space<semaphore_mem>>, %arg16: memref<!tpu.dma_semaphore, #tpu.memory_space<semaphore_mem>>, %arg17: memref<!tpu.dma_semaphore, #tpu.memory_space<semaphore_mem>>, %arg18: memref<!tpu.dma_semaphore, #tpu.memory_space<semaphore_mem>>) attributes {dimension_semantics = [#tpu.dimension_semantics<core_parallel>, #tpu.dimension_semantics<subcore_parallel>], iteration_bounds = array<i64: 2, 16>, scalar_prefetch = 0 : i64, scratch_operands = 13 : i64, tpu.core_type = #tpu.core_type<sc_vector_subcore>, window_params = [{transform_indices = #map}, {transform_indices = #map1}, {transform_indices = #map}, {transform_indices = #map1}]} {
    %mul3A = arith.constant 16 : i32
    %mul3A_0 = arith.muli %arg0, %mul3A : i32
    %add3A = arith.addi %mul3A_0, %arg1 : i32
    %mul3A_1 = arith.constant 81 : i32
    %mul3A_2 = arith.muli %add3A, %mul3A_1 : i32
    %add3A_3 = arith.constant 0 : i32
    %add3A_4 = arith.addi %mul3A_2, %add3A_3 : i32
    %dma_start3A = arith.constant 0 : i32
    %dma_start3A_5 = arith.constant 0 : i32
    %dma_start3A_6 = arith.constant 0 : i32
    %dma_start3A_7 = tpu.memref_slice %arg6[%dma_start3A, %dma_start3A_5, %dma_start3A_6] : memref<2x2x128xi32, #tpu.memory_space<vmem>> -> memref<1x2x128xi32, #tpu.memory_space<vmem>>
    %dma_start3A_8 = tpu.memref_squeeze %dma_start3A_7 : memref<1x2x128xi32, #tpu.memory_space<vmem>> -> memref<2x128xi32, #tpu.memory_space<vmem>>
    %dma_start3A_9 = arith.constant 0 : i32
    %dma_start3A_10 = arith.constant 0 : i32
    %dma_start3A_11 = tpu.memref_slice %arg3[%add3A_4, %dma_start3A_9, %dma_start3A_10] : memref<2592x2x128xi32, #tpu.memory_space<hbm>> -> memref<1x2x128xi32, #tpu.memory_space<hbm>>
    %dma_start3A_12 = tpu.memref_squeeze %dma_start3A_11 : memref<1x2x128xi32, #tpu.memory_space<hbm>> -> memref<2x128xi32, #tpu.memory_space<hbm>>
    %dma_start3A_13 = arith.constant 0 : i32
    %dma_start3A_14 = arith.constant 0 : i32
    %dma_start3A_15 = tpu.memref_slice %arg6[%dma_start3A, %dma_start3A_13, %dma_start3A_14] : memref<2x2x128xi32, #tpu.memory_space<vmem>> -> memref<1x2x128xi32, #tpu.memory_space<vmem>>
    %dma_start3A_16 = tpu.memref_squeeze %dma_start3A_15 : memref<1x2x128xi32, #tpu.memory_space<vmem>> -> memref<2x128xi32, #tpu.memory_space<vmem>>
    %dma_start3A_17 = arith.constant 0 : i32
    %dma_start3A_18 = arith.constant 0 : i32
    %dma_start3A_19 = tpu.memref_slice %arg3[%add3A_4, %dma_start3A_17, %dma_start3A_18] : memref<2592x2x128xi32, #tpu.memory_space<hbm>> -> memref<1x2x128xi32, #tpu.memory_space<hbm>>
    %dma_start3A_20 = tpu.memref_squeeze %dma_start3A_19 : memref<1x2x128xi32, #tpu.memory_space<hbm>> -> memref<2x128xi32, #tpu.memory_space<hbm>>
    tpu.enqueue_dma source(%dma_start3A_20 : memref<2x128xi32, #tpu.memory_space<hbm>>) target(%dma_start3A_16 : memref<2x128xi32, #tpu.memory_space<vmem>>) target_semaphore(%arg16 : memref<!tpu.dma_semaphore, #tpu.memory_space<semaphore_mem>>)
    %add3A_21 = arith.constant 1 : i32
    %add3A_22 = arith.addi %mul3A_2, %add3A_21 : i32
    %dma_start3A_23 = arith.constant 0 : i32
    %dma_start3A_24 = arith.constant 0 : i32
    %dma_start3A_25 = arith.constant 0 : i32
    %dma_start3A_26 = tpu.memref_slice %arg7[%dma_start3A_23, %dma_start3A_24, %dma_start3A_25] : memref<2x2x128xi32, #tpu.memory_space<vmem>> -> memref<1x2x128xi32, #tpu.memory_space<vmem>>
    %dma_start3A_27 = tpu.memref_squeeze %dma_start3A_26 : memref<1x2x128xi32, #tpu.memory_space<vmem>> -> memref<2x128xi32, #tpu.memory_space<vmem>>
    %dma_start3A_28 = arith.constant 0 : i32
    %dma_start3A_29 = arith.constant 0 : i32
    %dma_start3A_30 = tpu.memref_slice %arg3[%add3A_22, %dma_start3A_28, %dma_start3A_29] : memref<2592x2x128xi32, #tpu.memory_space<hbm>> -> memref<1x2x128xi32, #tpu.memory_space<hbm>>
    %dma_start3A_31 = tpu.memref_squeeze %dma_start3A_30 : memref<1x2x128xi32, #tpu.memory_space<hbm>> -> memref<2x128xi32, #tpu.memory_space<hbm>>
    %dma_start3A_32 = arith.constant 0 : i32
    %dma_start3A_33 = arith.constant 0 : i32
    %dma_start3A_34 = tpu.memref_slice %arg7[%dma_start3A_23, %dma_start3A_32, %dma_start3A_33] : memref<2x2x128xi32, #tpu.memory_space<vmem>> -> memref<1x2x128xi32, #tpu.memory_space<vmem>>
    %dma_start3A_35 = tpu.memref_squeeze %dma_start3A_34 : memref<1x2x128xi32, #tpu.memory_space<vmem>> -> memref<2x128xi32, #tpu.memory_space<vmem>>
    %dma_start3A_36 = arith.constant 0 : i32
    %dma_start3A_37 = arith.constant 0 : i32
    %dma_start3A_38 = tpu.memref_slice %arg3[%add3A_22, %dma_start3A_36, %dma_start3A_37] : memref<2592x2x128xi32, #tpu.memory_space<hbm>> -> memref<1x2x128xi32, #tpu.memory_space<hbm>>
    %dma_start3A_39 = tpu.memref_squeeze %dma_start3A_38 : memref<1x2x128xi32, #tpu.memory_space<hbm>> -> memref<2x128xi32, #tpu.memory_space<hbm>>
    tpu.enqueue_dma source(%dma_start3A_39 : memref<2x128xi32, #tpu.memory_space<hbm>>) target(%dma_start3A_35 : memref<2x128xi32, #tpu.memory_space<vmem>>) target_semaphore(%arg17 : memref<!tpu.dma_semaphore, #tpu.memory_space<semaphore_mem>>)
    %add3A_40 = arith.constant 2 : i32
    %add3A_41 = arith.addi %mul3A_2, %add3A_40 : i32
    %dma_start3A_42 = arith.constant 0 : i32
    %dma_start3A_43 = arith.constant 0 : i32
    %dma_start3A_44 = arith.constant 0 : i32
    %dma_start3A_45 = tpu.memref_slice %arg8[%dma_start3A_42, %dma_start3A_43, %dma_start3A_44] : memref<2x2x128xi32, #tpu.memory_space<vmem>> -> memref<1x2x128xi32, #tpu.memory_space<vmem>>
    %dma_start3A_46 = tpu.memref_squeeze %dma_start3A_45 : memref<1x2x128xi32, #tpu.memory_space<vmem>> -> memref<2x128xi32, #tpu.memory_space<vmem>>
    %dma_start3A_47 = arith.constant 0 : i32
    %dma_start3A_48 = arith.constant 0 : i32
    %dma_start3A_49 = tpu.memref_slice %arg3[%add3A_41, %dma_start3A_47, %dma_start3A_48] : memref<2592x2x128xi32, #tpu.memory_space<hbm>> -> memref<1x2x128xi32, #tpu.memory_space<hbm>>
    %dma_start3A_50 = tpu.memref_squeeze %dma_start3A_49 : memref<1x2x128xi32, #tpu.memory_space<hbm>> -> memref<2x128xi32, #tpu.memory_space<hbm>>
    %dma_start3A_51 = arith.constant 0 : i32
    %dma_start3A_52 = arith.constant 0 : i32
    %dma_start3A_53 = tpu.memref_slice %arg8[%dma_start3A_42, %dma_start3A_51, %dma_start3A_52] : memref<2x2x128xi32, #tpu.memory_space<vmem>> -> memref<1x2x128xi32, #tpu.memory_space<vmem>>
    %dma_start3A_54 = tpu.memref_squeeze %dma_start3A_53 : memref<1x2x128xi32, #tpu.memory_space<vmem>> -> memref<2x128xi32, #tpu.memory_space<vmem>>
    %dma_start3A_55 = arith.constant 0 : i32
    %dma_start3A_56 = arith.constant 0 : i32
    %dma_start3A_57 = tpu.memref_slice %arg3[%add3A_41, %dma_start3A_55, %dma_start3A_56] : memref<2592x2x128xi32, #tpu.memory_space<hbm>> -> memref<1x2x128xi32, #tpu.memory_space<hbm>>
    %dma_start3A_58 = tpu.memref_squeeze %dma_start3A_57 : memref<1x2x128xi32, #tpu.memory_space<hbm>> -> memref<2x128xi32, #tpu.memory_space<hbm>>
    tpu.enqueue_dma source(%dma_start3A_58 : memref<2x128xi32, #tpu.memory_space<hbm>>) target(%dma_start3A_54 : memref<2x128xi32, #tpu.memory_space<vmem>>) target_semaphore(%arg18 : memref<!tpu.dma_semaphore, #tpu.memory_space<semaphore_mem>>)
    %dma_wait3A = arith.constant 0 : i32
    %dma_wait3A_59 = arith.constant 0 : i32
    %dma_wait3A_60 = arith.constant 0 : i32
    %dma_wait3A_61 = tpu.memref_slice %arg6[%dma_wait3A, %dma_wait3A_59, %dma_wait3A_60] : memref<2x2x128xi32, #tpu.memory_space<vmem>> -> memref<1x2x128xi32, #tpu.memory_space<vmem>>
    %dma_wait3A_62 = tpu.memref_squeeze %dma_wait3A_61 : memref<1x2x128xi32, #tpu.memory_space<vmem>> -> memref<2x128xi32, #tpu.memory_space<vmem>>
    %dma_wait3A_63 = arith.constant 0 : i32
    %dma_wait3A_64 = arith.constant 0 : i32
    %dma_wait3A_65 = tpu.memref_slice %arg3[%mul3A_2, %dma_wait3A_63, %dma_wait3A_64] : memref<2592x2x128xi32, #tpu.memory_space<hbm>> -> memref<1x2x128xi32, #tpu.memory_space<hbm>>
    %dma_wait3A_66 = tpu.memref_squeeze %dma_wait3A_65 : memref<1x2x128xi32, #tpu.memory_space<hbm>> -> memref<2x128xi32, #tpu.memory_space<hbm>>
    %dma_wait3A_67 = arith.constant 0 : i32
    %dma_wait3A_68 = arith.constant 0 : i32
    %dma_wait3A_69 = tpu.memref_slice %arg6[%dma_wait3A, %dma_wait3A_67, %dma_wait3A_68] : memref<2x2x128xi32, #tpu.memory_space<vmem>> -> memref<1x2x128xi32, #tpu.memory_space<vmem>>
    %dma_wait3A_70 = tpu.memref_squeeze %dma_wait3A_69 : memref<1x2x128xi32, #tpu.memory_space<vmem>> -> memref<2x128xi32, #tpu.memory_space<vmem>>
    %dma_wait3A_71 = arith.constant 0 : i32
    %dma_wait3A_72 = arith.constant 0 : i32
    %dma_wait3A_73 = tpu.memref_slice %arg3[%mul3A_2, %dma_wait3A_71, %dma_wait3A_72] : memref<2592x2x128xi32, #tpu.memory_space<hbm>> -> memref<1x2x128xi32, #tpu.memory_space<hbm>>
    %dma_wait3A_74 = tpu.memref_squeeze %dma_wait3A_73 : memref<1x2x128xi32, #tpu.memory_space<hbm>> -> memref<2x128xi32, #tpu.memory_space<hbm>>
    tpu.wait_dma2 semaphore(%arg16 : memref<!tpu.dma_semaphore, #tpu.memory_space<semaphore_mem>>) src(%dma_wait3A_74 : memref<2x128xi32, #tpu.memory_space<hbm>>) dst(%dma_wait3A_70 : memref<2x128xi32, #tpu.memory_space<vmem>>)
    %add3A_75 = arith.constant 0 : i32
    %add3A_76 = arith.addi %mul3A_2, %add3A_75 : i32
    %dma_start3A_77 = arith.constant 0 : i32
    %dma_start3A_78 = arith.constant 0 : i32
    %dma_start3A_79 = arith.constant 0 : i32
    %dma_start3A_80 = tpu.memref_slice %arg6[%dma_start3A_77, %dma_start3A_78, %dma_start3A_79] : memref<2x2x128xi32, #tpu.memory_space<vmem>> -> memref<1x1x128xi32, #tpu.memory_space<vmem>>
    %dma_start3A_81 = tpu.memref_squeeze %dma_start3A_80 : memref<1x1x128xi32, #tpu.memory_space<vmem>> -> memref<128xi32, #tpu.memory_space<vmem>>
    %dma_start3A_82 = arith.constant 0 : i32
    %dma_start3A_83 = arith.constant 0 : i32
    %dma_start3A_84 = tpu.memref_slice %arg2[%dma_start3A_82, %dma_start3A_83] : memref<10000x64xf32, #tpu.memory_space<hbm>> -> memref<10000x64xf32, #tpu.memory_space<hbm>>
    tpu.enqueue_indirect_dma source(%dma_start3A_84 : memref<10000x64xf32, #tpu.memory_space<hbm>>) target(%arg9 : memref<128x64xf32, #tpu.memory_space<vmem>>) offsets(%dma_start3A_81 : memref<128xi32, #tpu.memory_space<vmem>>) semaphore(%arg13 : memref<!tpu.dma_semaphore, #tpu.memory_space<semaphore_mem>>)
    %add3A_85 = arith.constant 0 : i32
    %add3A_86 = arith.addi %mul3A_2, %add3A_85 : i32
    %add3A_87 = arith.constant 3 : i32
    %add3A_88 = arith.addi %add3A_86, %add3A_87 : i32
    %dma_start3A_89 = arith.constant 1 : i32
    %dma_start3A_90 = arith.constant 0 : i32
    %dma_start3A_91 = arith.constant 0 : i32
    %dma_start3A_92 = tpu.memref_slice %arg6[%dma_start3A_89, %dma_start3A_90, %dma_start3A_91] : memref<2x2x128xi32, #tpu.memory_space<vmem>> -> memref<1x2x128xi32, #tpu.memory_space<vmem>>
    %dma_start3A_93 = tpu.memref_squeeze %dma_start3A_92 : memref<1x2x128xi32, #tpu.memory_space<vmem>> -> memref<2x128xi32, #tpu.memory_space<vmem>>
    %dma_start3A_94 = arith.constant 0 : i32
    %dma_start3A_95 = arith.constant 0 : i32
    %dma_start3A_96 = tpu.memref_slice %arg3[%add3A_88, %dma_start3A_94, %dma_start3A_95] : memref<2592x2x128xi32, #tpu.memory_space<hbm>> -> memref<1x2x128xi32, #tpu.memory_space<hbm>>
    %dma_start3A_97 = tpu.memref_squeeze %dma_start3A_96 : memref<1x2x128xi32, #tpu.memory_space<hbm>> -> memref<2x128xi32, #tpu.memory_space<hbm>>
    %dma_start3A_98 = arith.constant 0 : i32
    %dma_start3A_99 = arith.constant 0 : i32
    %dma_start3A_100 = tpu.memref_slice %arg6[%dma_start3A_89, %dma_start3A_98, %dma_start3A_99] : memref<2x2x128xi32, #tpu.memory_space<vmem>> -> memref<1x2x128xi32, #tpu.memory_space<vmem>>
    %dma_start3A_101 = tpu.memref_squeeze %dma_start3A_100 : memref<1x2x128xi32, #tpu.memory_space<vmem>> -> memref<2x128xi32, #tpu.memory_space<vmem>>
    %dma_start3A_102 = arith.constant 0 : i32
    %dma_start3A_103 = arith.constant 0 : i32
    %dma_start3A_104 = tpu.memref_slice %arg3[%add3A_88, %dma_start3A_102, %dma_start3A_103] : memref<2592x2x128xi32, #tpu.memory_space<hbm>> -> memref<1x2x128xi32, #tpu.memory_space<hbm>>
    %dma_start3A_105 = tpu.memref_squeeze %dma_start3A_104 : memref<1x2x128xi32, #tpu.memory_space<hbm>> -> memref<2x128xi32, #tpu.memory_space<hbm>>
    tpu.enqueue_dma source(%dma_start3A_105 : memref<2x128xi32, #tpu.memory_space<hbm>>) target(%dma_start3A_101 : memref<2x128xi32, #tpu.memory_space<vmem>>) target_semaphore(%arg16 : memref<!tpu.dma_semaphore, #tpu.memory_space<semaphore_mem>>)
    %dma_wait3A_106 = arith.constant 0 : i32
    %dma_wait3A_107 = arith.constant 0 : i32
    %dma_wait3A_108 = arith.constant 0 : i32
    %dma_wait3A_109 = tpu.memref_slice %arg7[%dma_wait3A_106, %dma_wait3A_107, %dma_wait3A_108] : memref<2x2x128xi32, #tpu.memory_space<vmem>> -> memref<1x2x128xi32, #tpu.memory_space<vmem>>
    %dma_wait3A_110 = tpu.memref_squeeze %dma_wait3A_109 : memref<1x2x128xi32, #tpu.memory_space<vmem>> -> memref<2x128xi32, #tpu.memory_space<vmem>>
    %dma_wait3A_111 = arith.constant 0 : i32
    %dma_wait3A_112 = arith.constant 0 : i32
    %dma_wait3A_113 = tpu.memref_slice %arg3[%mul3A_2, %dma_wait3A_111, %dma_wait3A_112] : memref<2592x2x128xi32, #tpu.memory_space<hbm>> -> memref<1x2x128xi32, #tpu.memory_space<hbm>>
    %dma_wait3A_114 = tpu.memref_squeeze %dma_wait3A_113 : memref<1x2x128xi32, #tpu.memory_space<hbm>> -> memref<2x128xi32, #tpu.memory_space<hbm>>
    %dma_wait3A_115 = arith.constant 0 : i32
    %dma_wait3A_116 = arith.constant 0 : i32
    %dma_wait3A_117 = tpu.memref_slice %arg7[%dma_wait3A_106, %dma_wait3A_115, %dma_wait3A_116] : memref<2x2x128xi32, #tpu.memory_space<vmem>> -> memref<1x2x128xi32, #tpu.memory_space<vmem>>
    %dma_wait3A_118 = tpu.memref_squeeze %dma_wait3A_117 : memref<1x2x128xi32, #tpu.memory_space<vmem>> -> memref<2x128xi32, #tpu.memory_space<vmem>>
    %dma_wait3A_119 = arith.constant 0 : i32
    %dma_wait3A_120 = arith.constant 0 : i32
    %dma_wait3A_121 = tpu.memref_slice %arg3[%mul3A_2, %dma_wait3A_119, %dma_wait3A_120] : memref<2592x2x128xi32, #tpu.memory_space<hbm>> -> memref<1x2x128xi32, #tpu.memory_space<hbm>>
    %dma_wait3A_122 = tpu.memref_squeeze %dma_wait3A_121 : memref<1x2x128xi32, #tpu.memory_space<hbm>> -> memref<2x128xi32, #tpu.memory_space<hbm>>
    tpu.wait_dma2 semaphore(%arg17 : memref<!tpu.dma_semaphore, #tpu.memory_space<semaphore_mem>>) src(%dma_wait3A_122 : memref<2x128xi32, #tpu.memory_space<hbm>>) dst(%dma_wait3A_118 : memref<2x128xi32, #tpu.memory_space<vmem>>)
    %add3A_123 = arith.constant 1 : i32
    %add3A_124 = arith.addi %mul3A_2, %add3A_123 : i32
    %dma_start3A_125 = arith.constant 0 : i32
    %dma_start3A_126 = arith.constant 0 : i32
    %dma_start3A_127 = arith.constant 0 : i32
    %dma_start3A_128 = tpu.memref_slice %arg7[%dma_start3A_125, %dma_start3A_126, %dma_start3A_127] : memref<2x2x128xi32, #tpu.memory_space<vmem>> -> memref<1x1x128xi32, #tpu.memory_space<vmem>>
    %dma_start3A_129 = tpu.memref_squeeze %dma_start3A_128 : memref<1x1x128xi32, #tpu.memory_space<vmem>> -> memref<128xi32, #tpu.memory_space<vmem>>
    %dma_start3A_130 = arith.constant 0 : i32
    %dma_start3A_131 = arith.constant 0 : i32
    %dma_start3A_132 = tpu.memref_slice %arg2[%dma_start3A_130, %dma_start3A_131] : memref<10000x64xf32, #tpu.memory_space<hbm>> -> memref<10000x64xf32, #tpu.memory_space<hbm>>
    tpu.enqueue_indirect_dma source(%dma_start3A_132 : memref<10000x64xf32, #tpu.memory_space<hbm>>) target(%arg10 : memref<128x64xf32, #tpu.memory_space<vmem>>) offsets(%dma_start3A_129 : memref<128xi32, #tpu.memory_space<vmem>>) semaphore(%arg14 : memref<!tpu.dma_semaphore, #tpu.memory_space<semaphore_mem>>)
    %add3A_133 = arith.constant 1 : i32
    %add3A_134 = arith.addi %mul3A_2, %add3A_133 : i32
    %add3A_135 = arith.constant 3 : i32
    %add3A_136 = arith.addi %add3A_134, %add3A_135 : i32
    %dma_start3A_137 = arith.constant 1 : i32
    %dma_start3A_138 = arith.constant 0 : i32
    %dma_start3A_139 = arith.constant 0 : i32
    %dma_start3A_140 = tpu.memref_slice %arg7[%dma_start3A_137, %dma_start3A_138, %dma_start3A_139] : memref<2x2x128xi32, #tpu.memory_space<vmem>> -> memref<1x2x128xi32, #tpu.memory_space<vmem>>
    %dma_start3A_141 = tpu.memref_squeeze %dma_start3A_140 : memref<1x2x128xi32, #tpu.memory_space<vmem>> -> memref<2x128xi32, #tpu.memory_space<vmem>>
    %dma_start3A_142 = arith.constant 0 : i32
    %dma_start3A_143 = arith.constant 0 : i32
    %dma_start3A_144 = tpu.memref_slice %arg3[%add3A_136, %dma_start3A_142, %dma_start3A_143] : memref<2592x2x128xi32, #tpu.memory_space<hbm>> -> memref<1x2x128xi32, #tpu.memory_space<hbm>>
    %dma_start3A_145 = tpu.memref_squeeze %dma_start3A_144 : memref<1x2x128xi32, #tpu.memory_space<hbm>> -> memref<2x128xi32, #tpu.memory_space<hbm>>
    %dma_start3A_146 = arith.constant 0 : i32
    %dma_start3A_147 = arith.constant 0 : i32
    %dma_start3A_148 = tpu.memref_slice %arg7[%dma_start3A_137, %dma_start3A_146, %dma_start3A_147] : memref<2x2x128xi32, #tpu.memory_space<vmem>> -> memref<1x2x128xi32, #tpu.memory_space<vmem>>
    %dma_start3A_149 = tpu.memref_squeeze %dma_start3A_148 : memref<1x2x128xi32, #tpu.memory_space<vmem>> -> memref<2x128xi32, #tpu.memory_space<vmem>>
    %dma_start3A_150 = arith.constant 0 : i32
    %dma_start3A_151 = arith.constant 0 : i32
    %dma_start3A_152 = tpu.memref_slice %arg3[%add3A_136, %dma_start3A_150, %dma_start3A_151] : memref<2592x2x128xi32, #tpu.memory_space<hbm>> -> memref<1x2x128xi32, #tpu.memory_space<hbm>>
    %dma_start3A_153 = tpu.memref_squeeze %dma_start3A_152 : memref<1x2x128xi32, #tpu.memory_space<hbm>> -> memref<2x128xi32, #tpu.memory_space<hbm>>
    tpu.enqueue_dma source(%dma_start3A_153 : memref<2x128xi32, #tpu.memory_space<hbm>>) target(%dma_start3A_149 : memref<2x128xi32, #tpu.memory_space<vmem>>) target_semaphore(%arg17 : memref<!tpu.dma_semaphore, #tpu.memory_space<semaphore_mem>>)
    %dma_wait3A_154 = arith.constant 0 : i32
    %dma_wait3A_155 = arith.constant 0 : i32
    %dma_wait3A_156 = arith.constant 0 : i32
    %dma_wait3A_157 = tpu.memref_slice %arg8[%dma_wait3A_154, %dma_wait3A_155, %dma_wait3A_156] : memref<2x2x128xi32, #tpu.memory_space<vmem>> -> memref<1x2x128xi32, #tpu.memory_space<vmem>>
    %dma_wait3A_158 = tpu.memref_squeeze %dma_wait3A_157 : memref<1x2x128xi32, #tpu.memory_space<vmem>> -> memref<2x128xi32, #tpu.memory_space<vmem>>
    %dma_wait3A_159 = arith.constant 0 : i32
    %dma_wait3A_160 = arith.constant 0 : i32
    %dma_wait3A_161 = tpu.memref_slice %arg3[%mul3A_2, %dma_wait3A_159, %dma_wait3A_160] : memref<2592x2x128xi32, #tpu.memory_space<hbm>> -> memref<1x2x128xi32, #tpu.memory_space<hbm>>
    %dma_wait3A_162 = tpu.memref_squeeze %dma_wait3A_161 : memref<1x2x128xi32, #tpu.memory_space<hbm>> -> memref<2x128xi32, #tpu.memory_space<hbm>>
    %dma_wait3A_163 = arith.constant 0 : i32
    %dma_wait3A_164 = arith.constant 0 : i32
    %dma_wait3A_165 = tpu.memref_slice %arg8[%dma_wait3A_154, %dma_wait3A_163, %dma_wait3A_164] : memref<2x2x128xi32, #tpu.memory_space<vmem>> -> memref<1x2x128xi32, #tpu.memory_space<vmem>>
    %dma_wait3A_166 = tpu.memref_squeeze %dma_wait3A_165 : memref<1x2x128xi32, #tpu.memory_space<vmem>> -> memref<2x128xi32, #tpu.memory_space<vmem>>
    %dma_wait3A_167 = arith.constant 0 : i32
    %dma_wait3A_168 = arith.constant 0 : i32
    %dma_wait3A_169 = tpu.memref_slice %arg3[%mul3A_2, %dma_wait3A_167, %dma_wait3A_168] : memref<2592x2x128xi32, #tpu.memory_space<hbm>> -> memref<1x2x128xi32, #tpu.memory_space<hbm>>
    %dma_wait3A_170 = tpu.memref_squeeze %dma_wait3A_169 : memref<1x2x128xi32, #tpu.memory_space<hbm>> -> memref<2x128xi32, #tpu.memory_space<hbm>>
    tpu.wait_dma2 semaphore(%arg18 : memref<!tpu.dma_semaphore, #tpu.memory_space<semaphore_mem>>) src(%dma_wait3A_170 : memref<2x128xi32, #tpu.memory_space<hbm>>) dst(%dma_wait3A_166 : memref<2x128xi32, #tpu.memory_space<vmem>>)
    %add3A_171 = arith.constant 2 : i32
    %add3A_172 = arith.addi %mul3A_2, %add3A_171 : i32
    %dma_start3A_173 = arith.constant 0 : i32
    %dma_start3A_174 = arith.constant 0 : i32
    %dma_start3A_175 = arith.constant 0 : i32
    %dma_start3A_176 = tpu.memref_slice %arg8[%dma_start3A_173, %dma_start3A_174, %dma_start3A_175] : memref<2x2x128xi32, #tpu.memory_space<vmem>> -> memref<1x1x128xi32, #tpu.memory_space<vmem>>
    %dma_start3A_177 = tpu.memref_squeeze %dma_start3A_176 : memref<1x1x128xi32, #tpu.memory_space<vmem>> -> memref<128xi32, #tpu.memory_space<vmem>>
    %dma_start3A_178 = arith.constant 0 : i32
    %dma_start3A_179 = arith.constant 0 : i32
    %dma_start3A_180 = tpu.memref_slice %arg2[%dma_start3A_178, %dma_start3A_179] : memref<10000x64xf32, #tpu.memory_space<hbm>> -> memref<10000x64xf32, #tpu.memory_space<hbm>>
    tpu.enqueue_indirect_dma source(%dma_start3A_180 : memref<10000x64xf32, #tpu.memory_space<hbm>>) target(%arg11 : memref<128x64xf32, #tpu.memory_space<vmem>>) offsets(%dma_start3A_177 : memref<128xi32, #tpu.memory_space<vmem>>) semaphore(%arg15 : memref<!tpu.dma_semaphore, #tpu.memory_space<semaphore_mem>>)
    %add3A_181 = arith.constant 2 : i32
    %add3A_182 = arith.addi %mul3A_2, %add3A_181 : i32
    %add3A_183 = arith.constant 3 : i32
    %add3A_184 = arith.addi %add3A_182, %add3A_183 : i32
    %dma_start3A_185 = arith.constant 1 : i32
    %dma_start3A_186 = arith.constant 0 : i32
    %dma_start3A_187 = arith.constant 0 : i32
    %dma_start3A_188 = tpu.memref_slice %arg8[%dma_start3A_185, %dma_start3A_186, %dma_start3A_187] : memref<2x2x128xi32, #tpu.memory_space<vmem>> -> memref<1x2x128xi32, #tpu.memory_space<vmem>>
    %dma_start3A_189 = tpu.memref_squeeze %dma_start3A_188 : memref<1x2x128xi32, #tpu.memory_space<vmem>> -> memref<2x128xi32, #tpu.memory_space<vmem>>
    %dma_start3A_190 = arith.constant 0 : i32
    %dma_start3A_191 = arith.constant 0 : i32
    %dma_start3A_192 = tpu.memref_slice %arg3[%add3A_184, %dma_start3A_190, %dma_start3A_191] : memref<2592x2x128xi32, #tpu.memory_space<hbm>> -> memref<1x2x128xi32, #tpu.memory_space<hbm>>
    %dma_start3A_193 = tpu.memref_squeeze %dma_start3A_192 : memref<1x2x128xi32, #tpu.memory_space<hbm>> -> memref<2x128xi32, #tpu.memory_space<hbm>>
    %dma_start3A_194 = arith.constant 0 : i32
    %dma_start3A_195 = arith.constant 0 : i32
    %dma_start3A_196 = tpu.memref_slice %arg8[%dma_start3A_185, %dma_start3A_194, %dma_start3A_195] : memref<2x2x128xi32, #tpu.memory_space<vmem>> -> memref<1x2x128xi32, #tpu.memory_space<vmem>>
    %dma_start3A_197 = tpu.memref_squeeze %dma_start3A_196 : memref<1x2x128xi32, #tpu.memory_space<vmem>> -> memref<2x128xi32, #tpu.memory_space<vmem>>
    %dma_start3A_198 = arith.constant 0 : i32
    %dma_start3A_199 = arith.constant 0 : i32
    %dma_start3A_200 = tpu.memref_slice %arg3[%add3A_184, %dma_start3A_198, %dma_start3A_199] : memref<2592x2x128xi32, #tpu.memory_space<hbm>> -> memref<1x2x128xi32, #tpu.memory_space<hbm>>
    %dma_start3A_201 = tpu.memref_squeeze %dma_start3A_200 : memref<1x2x128xi32, #tpu.memory_space<hbm>> -> memref<2x128xi32, #tpu.memory_space<hbm>>
    tpu.enqueue_dma source(%dma_start3A_201 : memref<2x128xi32, #tpu.memory_space<hbm>>) target(%dma_start3A_197 : memref<2x128xi32, #tpu.memory_space<vmem>>) target_semaphore(%arg18 : memref<!tpu.dma_semaphore, #tpu.memory_space<semaphore_mem>>)
    %mul3A_202 = arith.constant 627 : i32
    %mul3A_203 = arith.muli %arg1, %mul3A_202 : i32
    %mul3A_204 = arith.constant 627 : i32
    %mul3A_205 = arith.muli %arg1, %mul3A_204 : i32
    "tpu.region"() ({
      %run_scoped3A = tpu.sem_alloc : memref<!tpu.dma_semaphore, #tpu.memory_space<semaphore_mem>>
      %dma_start3A_215 = arith.constant 0 : i32
      %dma_start3A_216 = tpu.memref_slice %arg12[%mul3A_205, %dma_start3A_215] : memref<10032x64xf32, #tpu.memory_space<vmem_shared>> -> memref<627x64xf32, #tpu.memory_space<vmem_shared>>
      %dma_start3A_217 = arith.constant 0 : i32
      %dma_start3A_218 = tpu.memref_slice %arg4[%mul3A_203, %dma_start3A_217] : memref<10032x64xf32, #tpu.memory_space<hbm>> -> memref<627x64xf32, #tpu.memory_space<hbm>>
      tpu.enqueue_dma source(%dma_start3A_218 : memref<627x64xf32, #tpu.memory_space<hbm>>) target(%dma_start3A_216 : memref<627x64xf32, #tpu.memory_space<vmem_shared>>) target_semaphore(%run_scoped3A : memref<!tpu.dma_semaphore, #tpu.memory_space<semaphore_mem>>)
      %dma_wait3A_219 = arith.constant 0 : i32
      %dma_wait3A_220 = tpu.memref_slice %arg12[%mul3A_205, %dma_wait3A_219] : memref<10032x64xf32, #tpu.memory_space<vmem_shared>> -> memref<627x64xf32, #tpu.memory_space<vmem_shared>>
      %dma_wait3A_221 = arith.constant 0 : i32
      %dma_wait3A_222 = tpu.memref_slice %arg4[%mul3A_203, %dma_wait3A_221] : memref<10032x64xf32, #tpu.memory_space<hbm>> -> memref<627x64xf32, #tpu.memory_space<hbm>>
      tpu.wait_dma2 semaphore(%run_scoped3A : memref<!tpu.dma_semaphore, #tpu.memory_space<semaphore_mem>>) src(%dma_wait3A_222 : memref<627x64xf32, #tpu.memory_space<hbm>>) dst(%dma_wait3A_220 : memref<627x64xf32, #tpu.memory_space<vmem_shared>>)
      tpu.yield
    }) : () -> ()
    %barrier3A = arith.constant 0 : index
    tpu.barrier barrier_id(%barrier3A)
    %scan3A = arith.constant 0 : i32
    %scan3A_206 = arith.constant 27 : i32
    %scan3A_207 = arith.addi %scan3A, %scan3A_206 : i32
    %scan3A_208 = arith.constant 1 : i32
    scf.for %scan3A_215 = %scan3A to %scan3A_207 step %scan3A_208  : i32 {
      %rem3A = arith.constant 2 : i32
      %rem3A_216 = arith.remsi %scan3A_215, %rem3A : i32
      %mul3A_217 = arith.constant 3 : i32
      %mul3A_218 = arith.muli %scan3A_215, %mul3A_217 : i32
      %add3A_219 = arith.constant 0 : i32
      %add3A_220 = arith.addi %mul3A_218, %add3A_219 : i32
      %dma_wait3A_221 = arith.constant 0 : i32
      %dma_wait3A_222 = arith.constant 0 : i32
      %dma_wait3A_223 = tpu.memref_slice %arg6[%rem3A_216, %dma_wait3A_221, %dma_wait3A_222] : memref<2x2x128xi32, #tpu.memory_space<vmem>> -> memref<1x1x128xi32, #tpu.memory_space<vmem>>
      %dma_wait3A_224 = tpu.memref_squeeze %dma_wait3A_223 : memref<1x1x128xi32, #tpu.memory_space<vmem>> -> memref<128xi32, #tpu.memory_space<vmem>>
      %dma_wait3A_225 = arith.constant 0 : i32
      %dma_wait3A_226 = arith.constant 0 : i32
      %dma_wait3A_227 = tpu.memref_slice %arg2[%dma_wait3A_225, %dma_wait3A_226] : memref<10000x64xf32, #tpu.memory_space<hbm>> -> memref<10000x64xf32, #tpu.memory_space<hbm>>
      tpu.wait_indirect_dma semaphore(%arg13 : memref<!tpu.dma_semaphore, #tpu.memory_space<semaphore_mem>>) src(%dma_wait3A_227 : memref<10000x64xf32, #tpu.memory_space<hbm>>) dst(%arg9 : memref<128x64xf32, #tpu.memory_space<vmem>>)
      %run_scoped3A = arith.constant 1 : i32
      "tpu.region"() ({
        %run_scoped3A_270 = tpu.sem_alloc : memref<!tpu.dma_semaphore, #tpu.memory_space<semaphore_mem>>
        %dma_start3A_271 = arith.constant 0 : i32
        %dma_start3A_272 = tpu.memref_slice %arg6[%rem3A_216, %run_scoped3A, %dma_start3A_271] : memref<2x2x128xi32, #tpu.memory_space<vmem>> -> memref<1x1x128xi32, #tpu.memory_space<vmem>>
        %dma_start3A_273 = tpu.memref_squeeze %dma_start3A_272 : memref<1x1x128xi32, #tpu.memory_space<vmem>> -> memref<128xi32, #tpu.memory_space<vmem>>
        %dma_start3A_274 = arith.constant 0 : i32
        %dma_start3A_275 = arith.constant 0 : i32
        %dma_start3A_276 = tpu.memref_slice %arg12[%dma_start3A_274, %dma_start3A_275] : memref<10032x64xf32, #tpu.memory_space<vmem_shared>> -> memref<10032x64xf32, #tpu.memory_space<vmem_shared>>
        tpu.enqueue_indirect_dma source(%arg9 : memref<128x64xf32, #tpu.memory_space<vmem>>) target(%dma_start3A_276 : memref<10032x64xf32, #tpu.memory_space<vmem_shared>>) offsets(%dma_start3A_273 : memref<128xi32, #tpu.memory_space<vmem>>) semaphore(%run_scoped3A_270 : memref<!tpu.dma_semaphore, #tpu.memory_space<semaphore_mem>>) {add = true}
        %dma_wait3A_277 = arith.constant 0 : i32
        %dma_wait3A_278 = tpu.memref_slice %arg6[%rem3A_216, %run_scoped3A, %dma_wait3A_277] : memref<2x2x128xi32, #tpu.memory_space<vmem>> -> memref<1x1x128xi32, #tpu.memory_space<vmem>>
        %dma_wait3A_279 = tpu.memref_squeeze %dma_wait3A_278 : memref<1x1x128xi32, #tpu.memory_space<vmem>> -> memref<128xi32, #tpu.memory_space<vmem>>
        %dma_wait3A_280 = arith.constant 0 : i32
        %dma_wait3A_281 = arith.constant 0 : i32
        %dma_wait3A_282 = tpu.memref_slice %arg12[%dma_wait3A_280, %dma_wait3A_281] : memref<10032x64xf32, #tpu.memory_space<vmem_shared>> -> memref<10032x64xf32, #tpu.memory_space<vmem_shared>>
        tpu.wait_indirect_dma semaphore(%run_scoped3A_270 : memref<!tpu.dma_semaphore, #tpu.memory_space<semaphore_mem>>) src(%arg9 : memref<128x64xf32, #tpu.memory_space<vmem>>) dst(%dma_wait3A_282 : memref<10032x64xf32, #tpu.memory_space<vmem_shared>>)
        tpu.yield
      }) : () -> ()
      %add3A_228 = arith.constant 3 : i32
      %add3A_229 = arith.addi %add3A_220, %add3A_228 : i32
      %lt3A = arith.constant 81 : i32
      %lt3A_230 = arith.cmpi slt, %add3A_229, %lt3A : i32
      %convert_element_type3A = arith.extui %lt3A_230 : i1 to i32
      %cond3A = arith.constant 0 : i32
      %cond3A_231 = arith.cmpi ne, %convert_element_type3A, %cond3A : i32
      scf.if %cond3A_231 {
        %sub3A = arith.constant 1 : i32
        %sub3A_270 = arith.subi %sub3A, %rem3A_216 : i32
        %dma_wait3A_271 = arith.constant 0 : i32
        %dma_wait3A_272 = arith.constant 0 : i32
        %dma_wait3A_273 = tpu.memref_slice %arg6[%sub3A_270, %dma_wait3A_271, %dma_wait3A_272] : memref<2x2x128xi32, #tpu.memory_space<vmem>> -> memref<1x2x128xi32, #tpu.memory_space<vmem>>
        %dma_wait3A_274 = tpu.memref_squeeze %dma_wait3A_273 : memref<1x2x128xi32, #tpu.memory_space<vmem>> -> memref<2x128xi32, #tpu.memory_space<vmem>>
        %dma_wait3A_275 = arith.constant 0 : i32
        %dma_wait3A_276 = arith.constant 0 : i32
        %dma_wait3A_277 = tpu.memref_slice %arg3[%mul3A_2, %dma_wait3A_275, %dma_wait3A_276] : memref<2592x2x128xi32, #tpu.memory_space<hbm>> -> memref<1x2x128xi32, #tpu.memory_space<hbm>>
        %dma_wait3A_278 = tpu.memref_squeeze %dma_wait3A_277 : memref<1x2x128xi32, #tpu.memory_space<hbm>> -> memref<2x128xi32, #tpu.memory_space<hbm>>
        %dma_wait3A_279 = arith.constant 0 : i32
        %dma_wait3A_280 = arith.constant 0 : i32
        %dma_wait3A_281 = tpu.memref_slice %arg6[%sub3A_270, %dma_wait3A_279, %dma_wait3A_280] : memref<2x2x128xi32, #tpu.memory_space<vmem>> -> memref<1x2x128xi32, #tpu.memory_space<vmem>>
        %dma_wait3A_282 = tpu.memref_squeeze %dma_wait3A_281 : memref<1x2x128xi32, #tpu.memory_space<vmem>> -> memref<2x128xi32, #tpu.memory_space<vmem>>
        %dma_wait3A_283 = arith.constant 0 : i32
        %dma_wait3A_284 = arith.constant 0 : i32
        %dma_wait3A_285 = tpu.memref_slice %arg3[%mul3A_2, %dma_wait3A_283, %dma_wait3A_284] : memref<2592x2x128xi32, #tpu.memory_space<hbm>> -> memref<1x2x128xi32, #tpu.memory_space<hbm>>
        %dma_wait3A_286 = tpu.memref_squeeze %dma_wait3A_285 : memref<1x2x128xi32, #tpu.memory_space<hbm>> -> memref<2x128xi32, #tpu.memory_space<hbm>>
        tpu.wait_dma2 semaphore(%arg16 : memref<!tpu.dma_semaphore, #tpu.memory_space<semaphore_mem>>) src(%dma_wait3A_286 : memref<2x128xi32, #tpu.memory_space<hbm>>) dst(%dma_wait3A_282 : memref<2x128xi32, #tpu.memory_space<vmem>>)
        %add3A_287 = arith.addi %mul3A_2, %add3A_220 : i32
        %add3A_288 = arith.constant 3 : i32
        %add3A_289 = arith.addi %add3A_287, %add3A_288 : i32
        %sub3A_290 = arith.constant 1 : i32
        %sub3A_291 = arith.subi %sub3A_290, %rem3A_216 : i32
        %dma_start3A_292 = arith.constant 0 : i32
        %dma_start3A_293 = arith.constant 0 : i32
        %dma_start3A_294 = tpu.memref_slice %arg6[%sub3A_291, %dma_start3A_292, %dma_start3A_293] : memref<2x2x128xi32, #tpu.memory_space<vmem>> -> memref<1x1x128xi32, #tpu.memory_space<vmem>>
        %dma_start3A_295 = tpu.memref_squeeze %dma_start3A_294 : memref<1x1x128xi32, #tpu.memory_space<vmem>> -> memref<128xi32, #tpu.memory_space<vmem>>
        %dma_start3A_296 = arith.constant 0 : i32
        %dma_start3A_297 = arith.constant 0 : i32
        %dma_start3A_298 = tpu.memref_slice %arg2[%dma_start3A_296, %dma_start3A_297] : memref<10000x64xf32, #tpu.memory_space<hbm>> -> memref<10000x64xf32, #tpu.memory_space<hbm>>
        tpu.enqueue_indirect_dma source(%dma_start3A_298 : memref<10000x64xf32, #tpu.memory_space<hbm>>) target(%arg9 : memref<128x64xf32, #tpu.memory_space<vmem>>) offsets(%dma_start3A_295 : memref<128xi32, #tpu.memory_space<vmem>>) semaphore(%arg13 : memref<!tpu.dma_semaphore, #tpu.memory_space<semaphore_mem>>)
        %add3A_299 = arith.constant 6 : i32
        %add3A_300 = arith.addi %add3A_220, %add3A_299 : i32
        %lt3A_301 = arith.constant 81 : i32
        %lt3A_302 = arith.cmpi slt, %add3A_300, %lt3A_301 : i32
        %convert_element_type3A_303 = arith.extui %lt3A_302 : i1 to i32
        %cond3A_304 = arith.constant 0 : i32
        %cond3A_305 = arith.cmpi ne, %convert_element_type3A_303, %cond3A_304 : i32
        scf.if %cond3A_305 {
          %add3A_306 = arith.addi %mul3A_2, %add3A_220 : i32
          %add3A_307 = arith.constant 6 : i32
          %add3A_308 = arith.addi %add3A_306, %add3A_307 : i32
          %dma_start3A_309 = arith.constant 0 : i32
          %dma_start3A_310 = arith.constant 0 : i32
          %dma_start3A_311 = tpu.memref_slice %arg6[%rem3A_216, %dma_start3A_309, %dma_start3A_310] : memref<2x2x128xi32, #tpu.memory_space<vmem>> -> memref<1x2x128xi32, #tpu.memory_space<vmem>>
          %dma_start3A_312 = tpu.memref_squeeze %dma_start3A_311 : memref<1x2x128xi32, #tpu.memory_space<vmem>> -> memref<2x128xi32, #tpu.memory_space<vmem>>
          %dma_start3A_313 = arith.constant 0 : i32
          %dma_start3A_314 = arith.constant 0 : i32
          %dma_start3A_315 = tpu.memref_slice %arg3[%add3A_308, %dma_start3A_313, %dma_start3A_314] : memref<2592x2x128xi32, #tpu.memory_space<hbm>> -> memref<1x2x128xi32, #tpu.memory_space<hbm>>
          %dma_start3A_316 = tpu.memref_squeeze %dma_start3A_315 : memref<1x2x128xi32, #tpu.memory_space<hbm>> -> memref<2x128xi32, #tpu.memory_space<hbm>>
          %dma_start3A_317 = arith.constant 0 : i32
          %dma_start3A_318 = arith.constant 0 : i32
          %dma_start3A_319 = tpu.memref_slice %arg6[%rem3A_216, %dma_start3A_317, %dma_start3A_318] : memref<2x2x128xi32, #tpu.memory_space<vmem>> -> memref<1x2x128xi32, #tpu.memory_space<vmem>>
          %dma_start3A_320 = tpu.memref_squeeze %dma_start3A_319 : memref<1x2x128xi32, #tpu.memory_space<vmem>> -> memref<2x128xi32, #tpu.memory_space<vmem>>
          %dma_start3A_321 = arith.constant 0 : i32
          %dma_start3A_322 = arith.constant 0 : i32
          %dma_start3A_323 = tpu.memref_slice %arg3[%add3A_308, %dma_start3A_321, %dma_start3A_322] : memref<2592x2x128xi32, #tpu.memory_space<hbm>> -> memref<1x2x128xi32, #tpu.memory_space<hbm>>
          %dma_start3A_324 = tpu.memref_squeeze %dma_start3A_323 : memref<1x2x128xi32, #tpu.memory_space<hbm>> -> memref<2x128xi32, #tpu.memory_space<hbm>>
          tpu.enqueue_dma source(%dma_start3A_324 : memref<2x128xi32, #tpu.memory_space<hbm>>) target(%dma_start3A_320 : memref<2x128xi32, #tpu.memory_space<vmem>>) target_semaphore(%arg16 : memref<!tpu.dma_semaphore, #tpu.memory_space<semaphore_mem>>)
        } else {
        }
      } else {
      }
      %mul3A_232 = arith.constant 3 : i32
      %mul3A_233 = arith.muli %scan3A_215, %mul3A_232 : i32
      %add3A_234 = arith.constant 1 : i32
      %add3A_235 = arith.addi %mul3A_233, %add3A_234 : i32
      %dma_wait3A_236 = arith.constant 0 : i32
      %dma_wait3A_237 = arith.constant 0 : i32
      %dma_wait3A_238 = tpu.memref_slice %arg7[%rem3A_216, %dma_wait3A_236, %dma_wait3A_237] : memref<2x2x128xi32, #tpu.memory_space<vmem>> -> memref<1x1x128xi32, #tpu.memory_space<vmem>>
      %dma_wait3A_239 = tpu.memref_squeeze %dma_wait3A_238 : memref<1x1x128xi32, #tpu.memory_space<vmem>> -> memref<128xi32, #tpu.memory_space<vmem>>
      %dma_wait3A_240 = arith.constant 0 : i32
      %dma_wait3A_241 = arith.constant 0 : i32
      %dma_wait3A_242 = tpu.memref_slice %arg2[%dma_wait3A_240, %dma_wait3A_241] : memref<10000x64xf32, #tpu.memory_space<hbm>> -> memref<10000x64xf32, #tpu.memory_space<hbm>>
      tpu.wait_indirect_dma semaphore(%arg14 : memref<!tpu.dma_semaphore, #tpu.memory_space<semaphore_mem>>) src(%dma_wait3A_242 : memref<10000x64xf32, #tpu.memory_space<hbm>>) dst(%arg10 : memref<128x64xf32, #tpu.memory_space<vmem>>)
      %run_scoped3A_243 = arith.constant 1 : i32
      "tpu.region"() ({
        %run_scoped3A_270 = tpu.sem_alloc : memref<!tpu.dma_semaphore, #tpu.memory_space<semaphore_mem>>
        %dma_start3A_271 = arith.constant 0 : i32
        %dma_start3A_272 = tpu.memref_slice %arg7[%rem3A_216, %run_scoped3A_243, %dma_start3A_271] : memref<2x2x128xi32, #tpu.memory_space<vmem>> -> memref<1x1x128xi32, #tpu.memory_space<vmem>>
        %dma_start3A_273 = tpu.memref_squeeze %dma_start3A_272 : memref<1x1x128xi32, #tpu.memory_space<vmem>> -> memref<128xi32, #tpu.memory_space<vmem>>
        %dma_start3A_274 = arith.constant 0 : i32
        %dma_start3A_275 = arith.constant 0 : i32
        %dma_start3A_276 = tpu.memref_slice %arg12[%dma_start3A_274, %dma_start3A_275] : memref<10032x64xf32, #tpu.memory_space<vmem_shared>> -> memref<10032x64xf32, #tpu.memory_space<vmem_shared>>
        tpu.enqueue_indirect_dma source(%arg10 : memref<128x64xf32, #tpu.memory_space<vmem>>) target(%dma_start3A_276 : memref<10032x64xf32, #tpu.memory_space<vmem_shared>>) offsets(%dma_start3A_273 : memref<128xi32, #tpu.memory_space<vmem>>) semaphore(%run_scoped3A_270 : memref<!tpu.dma_semaphore, #tpu.memory_space<semaphore_mem>>) {add = true}
        %dma_wait3A_277 = arith.constant 0 : i32
        %dma_wait3A_278 = tpu.memref_slice %arg7[%rem3A_216, %run_scoped3A_243, %dma_wait3A_277] : memref<2x2x128xi32, #tpu.memory_space<vmem>> -> memref<1x1x128xi32, #tpu.memory_space<vmem>>
        %dma_wait3A_279 = tpu.memref_squeeze %dma_wait3A_278 : memref<1x1x128xi32, #tpu.memory_space<vmem>> -> memref<128xi32, #tpu.memory_space<vmem>>
        %dma_wait3A_280 = arith.constant 0 : i32
        %dma_wait3A_281 = arith.constant 0 : i32
        %dma_wait3A_282 = tpu.memref_slice %arg12[%dma_wait3A_280, %dma_wait3A_281] : memref<10032x64xf32, #tpu.memory_space<vmem_shared>> -> memref<10032x64xf32, #tpu.memory_space<vmem_shared>>
        tpu.wait_indirect_dma semaphore(%run_scoped3A_270 : memref<!tpu.dma_semaphore, #tpu.memory_space<semaphore_mem>>) src(%arg10 : memref<128x64xf32, #tpu.memory_space<vmem>>) dst(%dma_wait3A_282 : memref<10032x64xf32, #tpu.memory_space<vmem_shared>>)
        tpu.yield
      }) : () -> ()
      %add3A_244 = arith.constant 3 : i32
      %add3A_245 = arith.addi %add3A_235, %add3A_244 : i32
      %lt3A_246 = arith.constant 81 : i32
      %lt3A_247 = arith.cmpi slt, %add3A_245, %lt3A_246 : i32
      %convert_element_type3A_248 = arith.extui %lt3A_247 : i1 to i32
      %cond3A_249 = arith.constant 0 : i32
      %cond3A_250 = arith.cmpi ne, %convert_element_type3A_248, %cond3A_249 : i32
      scf.if %cond3A_250 {
        %sub3A = arith.constant 1 : i32
        %sub3A_270 = arith.subi %sub3A, %rem3A_216 : i32
        %dma_wait3A_271 = arith.constant 0 : i32
        %dma_wait3A_272 = arith.constant 0 : i32
        %dma_wait3A_273 = tpu.memref_slice %arg7[%sub3A_270, %dma_wait3A_271, %dma_wait3A_272] : memref<2x2x128xi32, #tpu.memory_space<vmem>> -> memref<1x2x128xi32, #tpu.memory_space<vmem>>
        %dma_wait3A_274 = tpu.memref_squeeze %dma_wait3A_273 : memref<1x2x128xi32, #tpu.memory_space<vmem>> -> memref<2x128xi32, #tpu.memory_space<vmem>>
        %dma_wait3A_275 = arith.constant 0 : i32
        %dma_wait3A_276 = arith.constant 0 : i32
        %dma_wait3A_277 = tpu.memref_slice %arg3[%mul3A_2, %dma_wait3A_275, %dma_wait3A_276] : memref<2592x2x128xi32, #tpu.memory_space<hbm>> -> memref<1x2x128xi32, #tpu.memory_space<hbm>>
        %dma_wait3A_278 = tpu.memref_squeeze %dma_wait3A_277 : memref<1x2x128xi32, #tpu.memory_space<hbm>> -> memref<2x128xi32, #tpu.memory_space<hbm>>
        %dma_wait3A_279 = arith.constant 0 : i32
        %dma_wait3A_280 = arith.constant 0 : i32
        %dma_wait3A_281 = tpu.memref_slice %arg7[%sub3A_270, %dma_wait3A_279, %dma_wait3A_280] : memref<2x2x128xi32, #tpu.memory_space<vmem>> -> memref<1x2x128xi32, #tpu.memory_space<vmem>>
        %dma_wait3A_282 = tpu.memref_squeeze %dma_wait3A_281 : memref<1x2x128xi32, #tpu.memory_space<vmem>> -> memref<2x128xi32, #tpu.memory_space<vmem>>
        %dma_wait3A_283 = arith.constant 0 : i32
        %dma_wait3A_284 = arith.constant 0 : i32
        %dma_wait3A_285 = tpu.memref_slice %arg3[%mul3A_2, %dma_wait3A_283, %dma_wait3A_284] : memref<2592x2x128xi32, #tpu.memory_space<hbm>> -> memref<1x2x128xi32, #tpu.memory_space<hbm>>
        %dma_wait3A_286 = tpu.memref_squeeze %dma_wait3A_285 : memref<1x2x128xi32, #tpu.memory_space<hbm>> -> memref<2x128xi32, #tpu.memory_space<hbm>>
        tpu.wait_dma2 semaphore(%arg17 : memref<!tpu.dma_semaphore, #tpu.memory_space<semaphore_mem>>) src(%dma_wait3A_286 : memref<2x128xi32, #tpu.memory_space<hbm>>) dst(%dma_wait3A_282 : memref<2x128xi32, #tpu.memory_space<vmem>>)
        %add3A_287 = arith.addi %mul3A_2, %add3A_235 : i32
        %add3A_288 = arith.constant 3 : i32
        %add3A_289 = arith.addi %add3A_287, %add3A_288 : i32
        %sub3A_290 = arith.constant 1 : i32
        %sub3A_291 = arith.subi %sub3A_290, %rem3A_216 : i32
        %dma_start3A_292 = arith.constant 0 : i32
        %dma_start3A_293 = arith.constant 0 : i32
        %dma_start3A_294 = tpu.memref_slice %arg7[%sub3A_291, %dma_start3A_292, %dma_start3A_293] : memref<2x2x128xi32, #tpu.memory_space<vmem>> -> memref<1x1x128xi32, #tpu.memory_space<vmem>>
        %dma_start3A_295 = tpu.memref_squeeze %dma_start3A_294 : memref<1x1x128xi32, #tpu.memory_space<vmem>> -> memref<128xi32, #tpu.memory_space<vmem>>
        %dma_start3A_296 = arith.constant 0 : i32
        %dma_start3A_297 = arith.constant 0 : i32
        %dma_start3A_298 = tpu.memref_slice %arg2[%dma_start3A_296, %dma_start3A_297] : memref<10000x64xf32, #tpu.memory_space<hbm>> -> memref<10000x64xf32, #tpu.memory_space<hbm>>
        tpu.enqueue_indirect_dma source(%dma_start3A_298 : memref<10000x64xf32, #tpu.memory_space<hbm>>) target(%arg10 : memref<128x64xf32, #tpu.memory_space<vmem>>) offsets(%dma_start3A_295 : memref<128xi32, #tpu.memory_space<vmem>>) semaphore(%arg14 : memref<!tpu.dma_semaphore, #tpu.memory_space<semaphore_mem>>)
        %add3A_299 = arith.constant 6 : i32
        %add3A_300 = arith.addi %add3A_235, %add3A_299 : i32
        %lt3A_301 = arith.constant 81 : i32
        %lt3A_302 = arith.cmpi slt, %add3A_300, %lt3A_301 : i32
        %convert_element_type3A_303 = arith.extui %lt3A_302 : i1 to i32
        %cond3A_304 = arith.constant 0 : i32
        %cond3A_305 = arith.cmpi ne, %convert_element_type3A_303, %cond3A_304 : i32
        scf.if %cond3A_305 {
          %add3A_306 = arith.addi %mul3A_2, %add3A_235 : i32
          %add3A_307 = arith.constant 6 : i32
          %add3A_308 = arith.addi %add3A_306, %add3A_307 : i32
          %dma_start3A_309 = arith.constant 0 : i32
          %dma_start3A_310 = arith.constant 0 : i32
          %dma_start3A_311 = tpu.memref_slice %arg7[%rem3A_216, %dma_start3A_309, %dma_start3A_310] : memref<2x2x128xi32, #tpu.memory_space<vmem>> -> memref<1x2x128xi32, #tpu.memory_space<vmem>>
          %dma_start3A_312 = tpu.memref_squeeze %dma_start3A_311 : memref<1x2x128xi32, #tpu.memory_space<vmem>> -> memref<2x128xi32, #tpu.memory_space<vmem>>
          %dma_start3A_313 = arith.constant 0 : i32
          %dma_start3A_314 = arith.constant 0 : i32
          %dma_start3A_315 = tpu.memref_slice %arg3[%add3A_308, %dma_start3A_313, %dma_start3A_314] : memref<2592x2x128xi32, #tpu.memory_space<hbm>> -> memref<1x2x128xi32, #tpu.memory_space<hbm>>
          %dma_start3A_316 = tpu.memref_squeeze %dma_start3A_315 : memref<1x2x128xi32, #tpu.memory_space<hbm>> -> memref<2x128xi32, #tpu.memory_space<hbm>>
          %dma_start3A_317 = arith.constant 0 : i32
          %dma_start3A_318 = arith.constant 0 : i32
          %dma_start3A_319 = tpu.memref_slice %arg7[%rem3A_216, %dma_start3A_317, %dma_start3A_318] : memref<2x2x128xi32, #tpu.memory_space<vmem>> -> memref<1x2x128xi32, #tpu.memory_space<vmem>>
          %dma_start3A_320 = tpu.memref_squeeze %dma_start3A_319 : memref<1x2x128xi32, #tpu.memory_space<vmem>> -> memref<2x128xi32, #tpu.memory_space<vmem>>
          %dma_start3A_321 = arith.constant 0 : i32
          %dma_start3A_322 = arith.constant 0 : i32
          %dma_start3A_323 = tpu.memref_slice %arg3[%add3A_308, %dma_start3A_321, %dma_start3A_322] : memref<2592x2x128xi32, #tpu.memory_space<hbm>> -> memref<1x2x128xi32, #tpu.memory_space<hbm>>
          %dma_start3A_324 = tpu.memref_squeeze %dma_start3A_323 : memref<1x2x128xi32, #tpu.memory_space<hbm>> -> memref<2x128xi32, #tpu.memory_space<hbm>>
          tpu.enqueue_dma source(%dma_start3A_324 : memref<2x128xi32, #tpu.memory_space<hbm>>) target(%dma_start3A_320 : memref<2x128xi32, #tpu.memory_space<vmem>>) target_semaphore(%arg17 : memref<!tpu.dma_semaphore, #tpu.memory_space<semaphore_mem>>)
        } else {
        }
      } else {
      }
      %mul3A_251 = arith.constant 3 : i32
      %mul3A_252 = arith.muli %scan3A_215, %mul3A_251 : i32
      %add3A_253 = arith.constant 2 : i32
      %add3A_254 = arith.addi %mul3A_252, %add3A_253 : i32
      %dma_wait3A_255 = arith.constant 0 : i32
      %dma_wait3A_256 = arith.constant 0 : i32
      %dma_wait3A_257 = tpu.memref_slice %arg8[%rem3A_216, %dma_wait3A_255, %dma_wait3A_256] : memref<2x2x128xi32, #tpu.memory_space<vmem>> -> memref<1x1x128xi32, #tpu.memory_space<vmem>>
      %dma_wait3A_258 = tpu.memref_squeeze %dma_wait3A_257 : memref<1x1x128xi32, #tpu.memory_space<vmem>> -> memref<128xi32, #tpu.memory_space<vmem>>
      %dma_wait3A_259 = arith.constant 0 : i32
      %dma_wait3A_260 = arith.constant 0 : i32
      %dma_wait3A_261 = tpu.memref_slice %arg2[%dma_wait3A_259, %dma_wait3A_260] : memref<10000x64xf32, #tpu.memory_space<hbm>> -> memref<10000x64xf32, #tpu.memory_space<hbm>>
      tpu.wait_indirect_dma semaphore(%arg15 : memref<!tpu.dma_semaphore, #tpu.memory_space<semaphore_mem>>) src(%dma_wait3A_261 : memref<10000x64xf32, #tpu.memory_space<hbm>>) dst(%arg11 : memref<128x64xf32, #tpu.memory_space<vmem>>)
      %run_scoped3A_262 = arith.constant 1 : i32
      "tpu.region"() ({
        %run_scoped3A_270 = tpu.sem_alloc : memref<!tpu.dma_semaphore, #tpu.memory_space<semaphore_mem>>
        %dma_start3A_271 = arith.constant 0 : i32
        %dma_start3A_272 = tpu.memref_slice %arg8[%rem3A_216, %run_scoped3A_262, %dma_start3A_271] : memref<2x2x128xi32, #tpu.memory_space<vmem>> -> memref<1x1x128xi32, #tpu.memory_space<vmem>>
        %dma_start3A_273 = tpu.memref_squeeze %dma_start3A_272 : memref<1x1x128xi32, #tpu.memory_space<vmem>> -> memref<128xi32, #tpu.memory_space<vmem>>
        %dma_start3A_274 = arith.constant 0 : i32
        %dma_start3A_275 = arith.constant 0 : i32
        %dma_start3A_276 = tpu.memref_slice %arg12[%dma_start3A_274, %dma_start3A_275] : memref<10032x64xf32, #tpu.memory_space<vmem_shared>> -> memref<10032x64xf32, #tpu.memory_space<vmem_shared>>
        tpu.enqueue_indirect_dma source(%arg11 : memref<128x64xf32, #tpu.memory_space<vmem>>) target(%dma_start3A_276 : memref<10032x64xf32, #tpu.memory_space<vmem_shared>>) offsets(%dma_start3A_273 : memref<128xi32, #tpu.memory_space<vmem>>) semaphore(%run_scoped3A_270 : memref<!tpu.dma_semaphore, #tpu.memory_space<semaphore_mem>>) {add = true}
        %dma_wait3A_277 = arith.constant 0 : i32
        %dma_wait3A_278 = tpu.memref_slice %arg8[%rem3A_216, %run_scoped3A_262, %dma_wait3A_277] : memref<2x2x128xi32, #tpu.memory_space<vmem>> -> memref<1x1x128xi32, #tpu.memory_space<vmem>>
        %dma_wait3A_279 = tpu.memref_squeeze %dma_wait3A_278 : memref<1x1x128xi32, #tpu.memory_space<vmem>> -> memref<128xi32, #tpu.memory_space<vmem>>
        %dma_wait3A_280 = arith.constant 0 : i32
        %dma_wait3A_281 = arith.constant 0 : i32
        %dma_wait3A_282 = tpu.memref_slice %arg12[%dma_wait3A_280, %dma_wait3A_281] : memref<10032x64xf32, #tpu.memory_space<vmem_shared>> -> memref<10032x64xf32, #tpu.memory_space<vmem_shared>>
        tpu.wait_indirect_dma semaphore(%run_scoped3A_270 : memref<!tpu.dma_semaphore, #tpu.memory_space<semaphore_mem>>) src(%arg11 : memref<128x64xf32, #tpu.memory_space<vmem>>) dst(%dma_wait3A_282 : memref<10032x64xf32, #tpu.memory_space<vmem_shared>>)
        tpu.yield
      }) : () -> ()
      %add3A_263 = arith.constant 3 : i32
      %add3A_264 = arith.addi %add3A_254, %add3A_263 : i32
      %lt3A_265 = arith.constant 81 : i32
      %lt3A_266 = arith.cmpi slt, %add3A_264, %lt3A_265 : i32
      %convert_element_type3A_267 = arith.extui %lt3A_266 : i1 to i32
      %cond3A_268 = arith.constant 0 : i32
      %cond3A_269 = arith.cmpi ne, %convert_element_type3A_267, %cond3A_268 : i32
      scf.if %cond3A_269 {
        %sub3A = arith.constant 1 : i32
        %sub3A_270 = arith.subi %sub3A, %rem3A_216 : i32
        %dma_wait3A_271 = arith.constant 0 : i32
        %dma_wait3A_272 = arith.constant 0 : i32
        %dma_wait3A_273 = tpu.memref_slice %arg8[%sub3A_270, %dma_wait3A_271, %dma_wait3A_272] : memref<2x2x128xi32, #tpu.memory_space<vmem>> -> memref<1x2x128xi32, #tpu.memory_space<vmem>>
        %dma_wait3A_274 = tpu.memref_squeeze %dma_wait3A_273 : memref<1x2x128xi32, #tpu.memory_space<vmem>> -> memref<2x128xi32, #tpu.memory_space<vmem>>
        %dma_wait3A_275 = arith.constant 0 : i32
        %dma_wait3A_276 = arith.constant 0 : i32
        %dma_wait3A_277 = tpu.memref_slice %arg3[%mul3A_2, %dma_wait3A_275, %dma_wait3A_276] : memref<2592x2x128xi32, #tpu.memory_space<hbm>> -> memref<1x2x128xi32, #tpu.memory_space<hbm>>
        %dma_wait3A_278 = tpu.memref_squeeze %dma_wait3A_277 : memref<1x2x128xi32, #tpu.memory_space<hbm>> -> memref<2x128xi32, #tpu.memory_space<hbm>>
        %dma_wait3A_279 = arith.constant 0 : i32
        %dma_wait3A_280 = arith.constant 0 : i32
        %dma_wait3A_281 = tpu.memref_slice %arg8[%sub3A_270, %dma_wait3A_279, %dma_wait3A_280] : memref<2x2x128xi32, #tpu.memory_space<vmem>> -> memref<1x2x128xi32, #tpu.memory_space<vmem>>
        %dma_wait3A_282 = tpu.memref_squeeze %dma_wait3A_281 : memref<1x2x128xi32, #tpu.memory_space<vmem>> -> memref<2x128xi32, #tpu.memory_space<vmem>>
        %dma_wait3A_283 = arith.constant 0 : i32
        %dma_wait3A_284 = arith.constant 0 : i32
        %dma_wait3A_285 = tpu.memref_slice %arg3[%mul3A_2, %dma_wait3A_283, %dma_wait3A_284] : memref<2592x2x128xi32, #tpu.memory_space<hbm>> -> memref<1x2x128xi32, #tpu.memory_space<hbm>>
        %dma_wait3A_286 = tpu.memref_squeeze %dma_wait3A_285 : memref<1x2x128xi32, #tpu.memory_space<hbm>> -> memref<2x128xi32, #tpu.memory_space<hbm>>
        tpu.wait_dma2 semaphore(%arg18 : memref<!tpu.dma_semaphore, #tpu.memory_space<semaphore_mem>>) src(%dma_wait3A_286 : memref<2x128xi32, #tpu.memory_space<hbm>>) dst(%dma_wait3A_282 : memref<2x128xi32, #tpu.memory_space<vmem>>)
        %add3A_287 = arith.addi %mul3A_2, %add3A_254 : i32
        %add3A_288 = arith.constant 3 : i32
        %add3A_289 = arith.addi %add3A_287, %add3A_288 : i32
        %sub3A_290 = arith.constant 1 : i32
        %sub3A_291 = arith.subi %sub3A_290, %rem3A_216 : i32
        %dma_start3A_292 = arith.constant 0 : i32
        %dma_start3A_293 = arith.constant 0 : i32
        %dma_start3A_294 = tpu.memref_slice %arg8[%sub3A_291, %dma_start3A_292, %dma_start3A_293] : memref<2x2x128xi32, #tpu.memory_space<vmem>> -> memref<1x1x128xi32, #tpu.memory_space<vmem>>
        %dma_start3A_295 = tpu.memref_squeeze %dma_start3A_294 : memref<1x1x128xi32, #tpu.memory_space<vmem>> -> memref<128xi32, #tpu.memory_space<vmem>>
        %dma_start3A_296 = arith.constant 0 : i32
        %dma_start3A_297 = arith.constant 0 : i32
        %dma_start3A_298 = tpu.memref_slice %arg2[%dma_start3A_296, %dma_start3A_297] : memref<10000x64xf32, #tpu.memory_space<hbm>> -> memref<10000x64xf32, #tpu.memory_space<hbm>>
        tpu.enqueue_indirect_dma source(%dma_start3A_298 : memref<10000x64xf32, #tpu.memory_space<hbm>>) target(%arg11 : memref<128x64xf32, #tpu.memory_space<vmem>>) offsets(%dma_start3A_295 : memref<128xi32, #tpu.memory_space<vmem>>) semaphore(%arg15 : memref<!tpu.dma_semaphore, #tpu.memory_space<semaphore_mem>>)
        %add3A_299 = arith.constant 6 : i32
        %add3A_300 = arith.addi %add3A_254, %add3A_299 : i32
        %lt3A_301 = arith.constant 81 : i32
        %lt3A_302 = arith.cmpi slt, %add3A_300, %lt3A_301 : i32
        %convert_element_type3A_303 = arith.extui %lt3A_302 : i1 to i32
        %cond3A_304 = arith.constant 0 : i32
        %cond3A_305 = arith.cmpi ne, %convert_element_type3A_303, %cond3A_304 : i32
        scf.if %cond3A_305 {
          %add3A_306 = arith.addi %mul3A_2, %add3A_254 : i32
          %add3A_307 = arith.constant 6 : i32
          %add3A_308 = arith.addi %add3A_306, %add3A_307 : i32
          %dma_start3A_309 = arith.constant 0 : i32
          %dma_start3A_310 = arith.constant 0 : i32
          %dma_start3A_311 = tpu.memref_slice %arg8[%rem3A_216, %dma_start3A_309, %dma_start3A_310] : memref<2x2x128xi32, #tpu.memory_space<vmem>> -> memref<1x2x128xi32, #tpu.memory_space<vmem>>
          %dma_start3A_312 = tpu.memref_squeeze %dma_start3A_311 : memref<1x2x128xi32, #tpu.memory_space<vmem>> -> memref<2x128xi32, #tpu.memory_space<vmem>>
          %dma_start3A_313 = arith.constant 0 : i32
          %dma_start3A_314 = arith.constant 0 : i32
          %dma_start3A_315 = tpu.memref_slice %arg3[%add3A_308, %dma_start3A_313, %dma_start3A_314] : memref<2592x2x128xi32, #tpu.memory_space<hbm>> -> memref<1x2x128xi32, #tpu.memory_space<hbm>>
          %dma_start3A_316 = tpu.memref_squeeze %dma_start3A_315 : memref<1x2x128xi32, #tpu.memory_space<hbm>> -> memref<2x128xi32, #tpu.memory_space<hbm>>
          %dma_start3A_317 = arith.constant 0 : i32
          %dma_start3A_318 = arith.constant 0 : i32
          %dma_start3A_319 = tpu.memref_slice %arg8[%rem3A_216, %dma_start3A_317, %dma_start3A_318] : memref<2x2x128xi32, #tpu.memory_space<vmem>> -> memref<1x2x128xi32, #tpu.memory_space<vmem>>
          %dma_start3A_320 = tpu.memref_squeeze %dma_start3A_319 : memref<1x2x128xi32, #tpu.memory_space<vmem>> -> memref<2x128xi32, #tpu.memory_space<vmem>>
          %dma_start3A_321 = arith.constant 0 : i32
          %dma_start3A_322 = arith.constant 0 : i32
          %dma_start3A_323 = tpu.memref_slice %arg3[%add3A_308, %dma_start3A_321, %dma_start3A_322] : memref<2592x2x128xi32, #tpu.memory_space<hbm>> -> memref<1x2x128xi32, #tpu.memory_space<hbm>>
          %dma_start3A_324 = tpu.memref_squeeze %dma_start3A_323 : memref<1x2x128xi32, #tpu.memory_space<hbm>> -> memref<2x128xi32, #tpu.memory_space<hbm>>
          tpu.enqueue_dma source(%dma_start3A_324 : memref<2x128xi32, #tpu.memory_space<hbm>>) target(%dma_start3A_320 : memref<2x128xi32, #tpu.memory_space<vmem>>) target_semaphore(%arg18 : memref<!tpu.dma_semaphore, #tpu.memory_space<semaphore_mem>>)
        } else {
        }
      } else {
      }
    }
    %scan3A_209 = arith.constant 27 : i32
    %barrier3A_210 = arith.constant 0 : index
    tpu.barrier barrier_id(%barrier3A_210)
    %mul3A_211 = arith.constant 625 : i32
    %mul3A_212 = arith.muli %arg1, %mul3A_211 : i32
    %mul3A_213 = arith.constant 625 : i32
    %mul3A_214 = arith.muli %arg1, %mul3A_213 : i32
    "tpu.region"() ({
      %run_scoped3A = tpu.sem_alloc : memref<!tpu.dma_semaphore, #tpu.memory_space<semaphore_mem>>
      %dma_start3A_215 = arith.constant 0 : i32
      %dma_start3A_216 = tpu.memref_slice %arg5[%arg0, %mul3A_214, %dma_start3A_215] : memref<2x10000x64xf32, #tpu.memory_space<hbm>> -> memref<1x625x64xf32, #tpu.memory_space<hbm>>
      %dma_start3A_217 = tpu.memref_squeeze %dma_start3A_216 : memref<1x625x64xf32, #tpu.memory_space<hbm>> -> memref<625x64xf32, #tpu.memory_space<hbm>>
      %dma_start3A_218 = arith.constant 0 : i32
      %dma_start3A_219 = tpu.memref_slice %arg12[%mul3A_212, %dma_start3A_218] : memref<10032x64xf32, #tpu.memory_space<vmem_shared>> -> memref<625x64xf32, #tpu.memory_space<vmem_shared>>
      tpu.enqueue_dma source(%dma_start3A_219 : memref<625x64xf32, #tpu.memory_space<vmem_shared>>) target(%dma_start3A_217 : memref<625x64xf32, #tpu.memory_space<hbm>>) target_semaphore(%run_scoped3A : memref<!tpu.dma_semaphore, #tpu.memory_space<semaphore_mem>>)
      %dma_wait3A_220 = arith.constant 0 : i32
      %dma_wait3A_221 = tpu.memref_slice %arg5[%arg0, %mul3A_214, %dma_wait3A_220] : memref<2x10000x64xf32, #tpu.memory_space<hbm>> -> memref<1x625x64xf32, #tpu.memory_space<hbm>>
      %dma_wait3A_222 = tpu.memref_squeeze %dma_wait3A_221 : memref<1x625x64xf32, #tpu.memory_space<hbm>> -> memref<625x64xf32, #tpu.memory_space<hbm>>
      %dma_wait3A_223 = arith.constant 0 : i32
      %dma_wait3A_224 = tpu.memref_slice %arg12[%mul3A_212, %dma_wait3A_223] : memref<10032x64xf32, #tpu.memory_space<vmem_shared>> -> memref<625x64xf32, #tpu.memory_space<vmem_shared>>
      tpu.wait_dma2 semaphore(%run_scoped3A : memref<!tpu.dma_semaphore, #tpu.memory_space<semaphore_mem>>) src(%dma_wait3A_224 : memref<625x64xf32, #tpu.memory_space<vmem_shared>>) dst(%dma_wait3A_222 : memref<625x64xf32, #tpu.memory_space<hbm>>)
      tpu.yield
    }) : () -> ()
    return
  }
}

#map = affine_map<(d0, d1) -> (0, 0)>
#map1 = affine_map<(d0, d1) -> (0, 0, 0)>
module attributes {stable_mosaic.version = 14 : i64} {
  func.func @k(%arg0: i32, %arg1: i32, %arg2: memref<10000x64xf32, #tpu.memory_space<hbm>>, %arg3: memref<2592x2x128xi32, #tpu.memory_space<hbm>>, %arg4: memref<10032x64xf32, #tpu.memory_space<hbm>>, %arg5: memref<2x10000x64xf32, #tpu.memory_space<hbm>>, %arg6: memref<2x2x128xi32, #tpu.memory_space<vmem>>, %arg7: memref<2x2x128xi32, #tpu.memory_space<vmem>>, %arg8: memref<2x2x128xi32, #tpu.memory_space<vmem>>, %arg9: memref<128x64xf32, #tpu.memory_space<vmem>>, %arg10: memref<128x64xf32, #tpu.memory_space<vmem>>, %arg11: memref<128x64xf32, #tpu.memory_space<vmem>>, %arg12: memref<10032x64xf32, #tpu.memory_space<vmem_shared>>, %arg13: memref<!tpu.dma_semaphore, #tpu.memory_space<semaphore_mem>>, %arg14: memref<!tpu.dma_semaphore, #tpu.memory_space<semaphore_mem>>, %arg15: memref<!tpu.dma_semaphore, #tpu.memory_space<semaphore_mem>>, %arg16: memref<!tpu.dma_semaphore, #tpu.memory_space<semaphore_mem>>, %arg17: memref<!tpu.dma_semaphore, #tpu.memory_space<semaphore_mem>>, %arg18: memref<!tpu.dma_semaphore, #tpu.memory_space<semaphore_mem>>) attributes {dimension_semantics = [#tpu.dimension_semantics<core_parallel>, #tpu.dimension_semantics<subcore_parallel>], iteration_bounds = array<i64: 2, 16>, scalar_prefetch = 0 : i64, scratch_operands = 13 : i64, tpu.core_type = #tpu.core_type<sc_vector_subcore>, window_params = [{transform_indices = #map}, {transform_indices = #map1}, {transform_indices = #map}, {transform_indices = #map1}]} {
    %mul3A = arith.constant 16 : i32
    %mul3A_0 = arith.muli %arg0, %mul3A : i32
    %add3A = arith.addi %mul3A_0, %arg1 : i32
    %mul3A_1 = arith.constant 81 : i32
    %mul3A_2 = arith.muli %add3A, %mul3A_1 : i32
    %add3A_3 = arith.constant 0 : i32
    %add3A_4 = arith.addi %mul3A_2, %add3A_3 : i32
    %dma_start3A = arith.constant 0 : i32
    %dma_start3A_5 = arith.constant 0 : i32
    %dma_start3A_6 = arith.constant 0 : i32
    %dma_start3A_7 = tpu.memref_slice %arg6[%dma_start3A, %dma_start3A_5, %dma_start3A_6] : memref<2x2x128xi32, #tpu.memory_space<vmem>> -> memref<1x2x128xi32, #tpu.memory_space<vmem>>
    %dma_start3A_8 = tpu.memref_squeeze %dma_start3A_7 : memref<1x2x128xi32, #tpu.memory_space<vmem>> -> memref<2x128xi32, #tpu.memory_space<vmem>>
    %dma_start3A_9 = arith.constant 0 : i32
    %dma_start3A_10 = arith.constant 0 : i32
    %dma_start3A_11 = tpu.memref_slice %arg3[%add3A_4, %dma_start3A_9, %dma_start3A_10] : memref<2592x2x128xi32, #tpu.memory_space<hbm>> -> memref<1x2x128xi32, #tpu.memory_space<hbm>>
    %dma_start3A_12 = tpu.memref_squeeze %dma_start3A_11 : memref<1x2x128xi32, #tpu.memory_space<hbm>> -> memref<2x128xi32, #tpu.memory_space<hbm>>
    %dma_start3A_13 = arith.constant 0 : i32
    %dma_start3A_14 = arith.constant 0 : i32
    %dma_start3A_15 = tpu.memref_slice %arg6[%dma_start3A, %dma_start3A_13, %dma_start3A_14] : memref<2x2x128xi32, #tpu.memory_space<vmem>> -> memref<1x2x128xi32, #tpu.memory_space<vmem>>
    %dma_start3A_16 = tpu.memref_squeeze %dma_start3A_15 : memref<1x2x128xi32, #tpu.memory_space<vmem>> -> memref<2x128xi32, #tpu.memory_space<vmem>>
    %dma_start3A_17 = arith.constant 0 : i32
    %dma_start3A_18 = arith.constant 0 : i32
    %dma_start3A_19 = tpu.memref_slice %arg3[%add3A_4, %dma_start3A_17, %dma_start3A_18] : memref<2592x2x128xi32, #tpu.memory_space<hbm>> -> memref<1x2x128xi32, #tpu.memory_space<hbm>>
    %dma_start3A_20 = tpu.memref_squeeze %dma_start3A_19 : memref<1x2x128xi32, #tpu.memory_space<hbm>> -> memref<2x128xi32, #tpu.memory_space<hbm>>
    tpu.enqueue_dma source(%dma_start3A_20 : memref<2x128xi32, #tpu.memory_space<hbm>>) target(%dma_start3A_16 : memref<2x128xi32, #tpu.memory_space<vmem>>) target_semaphore(%arg16 : memref<!tpu.dma_semaphore, #tpu.memory_space<semaphore_mem>>)
    %add3A_21 = arith.constant 1 : i32
    %add3A_22 = arith.addi %mul3A_2, %add3A_21 : i32
    %dma_start3A_23 = arith.constant 0 : i32
    %dma_start3A_24 = arith.constant 0 : i32
    %dma_start3A_25 = arith.constant 0 : i32
    %dma_start3A_26 = tpu.memref_slice %arg7[%dma_start3A_23, %dma_start3A_24, %dma_start3A_25] : memref<2x2x128xi32, #tpu.memory_space<vmem>> -> memref<1x2x128xi32, #tpu.memory_space<vmem>>
    %dma_start3A_27 = tpu.memref_squeeze %dma_start3A_26 : memref<1x2x128xi32, #tpu.memory_space<vmem>> -> memref<2x128xi32, #tpu.memory_space<vmem>>
    %dma_start3A_28 = arith.constant 0 : i32
    %dma_start3A_29 = arith.constant 0 : i32
    %dma_start3A_30 = tpu.memref_slice %arg3[%add3A_22, %dma_start3A_28, %dma_start3A_29] : memref<2592x2x128xi32, #tpu.memory_space<hbm>> -> memref<1x2x128xi32, #tpu.memory_space<hbm>>
    %dma_start3A_31 = tpu.memref_squeeze %dma_start3A_30 : memref<1x2x128xi32, #tpu.memory_space<hbm>> -> memref<2x128xi32, #tpu.memory_space<hbm>>
    %dma_start3A_32 = arith.constant 0 : i32
    %dma_start3A_33 = arith.constant 0 : i32
    %dma_start3A_34 = tpu.memref_slice %arg7[%dma_start3A_23, %dma_start3A_32, %dma_start3A_33] : memref<2x2x128xi32, #tpu.memory_space<vmem>> -> memref<1x2x128xi32, #tpu.memory_space<vmem>>
    %dma_start3A_35 = tpu.memref_squeeze %dma_start3A_34 : memref<1x2x128xi32, #tpu.memory_space<vmem>> -> memref<2x128xi32, #tpu.memory_space<vmem>>
    %dma_start3A_36 = arith.constant 0 : i32
    %dma_start3A_37 = arith.constant 0 : i32
    %dma_start3A_38 = tpu.memref_slice %arg3[%add3A_22, %dma_start3A_36, %dma_start3A_37] : memref<2592x2x128xi32, #tpu.memory_space<hbm>> -> memref<1x2x128xi32, #tpu.memory_space<hbm>>
    %dma_start3A_39 = tpu.memref_squeeze %dma_start3A_38 : memref<1x2x128xi32, #tpu.memory_space<hbm>> -> memref<2x128xi32, #tpu.memory_space<hbm>>
    tpu.enqueue_dma source(%dma_start3A_39 : memref<2x128xi32, #tpu.memory_space<hbm>>) target(%dma_start3A_35 : memref<2x128xi32, #tpu.memory_space<vmem>>) target_semaphore(%arg17 : memref<!tpu.dma_semaphore, #tpu.memory_space<semaphore_mem>>)
    %add3A_40 = arith.constant 2 : i32
    %add3A_41 = arith.addi %mul3A_2, %add3A_40 : i32
    %dma_start3A_42 = arith.constant 0 : i32
    %dma_start3A_43 = arith.constant 0 : i32
    %dma_start3A_44 = arith.constant 0 : i32
    %dma_start3A_45 = tpu.memref_slice %arg8[%dma_start3A_42, %dma_start3A_43, %dma_start3A_44] : memref<2x2x128xi32, #tpu.memory_space<vmem>> -> memref<1x2x128xi32, #tpu.memory_space<vmem>>
    %dma_start3A_46 = tpu.memref_squeeze %dma_start3A_45 : memref<1x2x128xi32, #tpu.memory_space<vmem>> -> memref<2x128xi32, #tpu.memory_space<vmem>>
    %dma_start3A_47 = arith.constant 0 : i32
    %dma_start3A_48 = arith.constant 0 : i32
    %dma_start3A_49 = tpu.memref_slice %arg3[%add3A_41, %dma_start3A_47, %dma_start3A_48] : memref<2592x2x128xi32, #tpu.memory_space<hbm>> -> memref<1x2x128xi32, #tpu.memory_space<hbm>>
    %dma_start3A_50 = tpu.memref_squeeze %dma_start3A_49 : memref<1x2x128xi32, #tpu.memory_space<hbm>> -> memref<2x128xi32, #tpu.memory_space<hbm>>
    %dma_start3A_51 = arith.constant 0 : i32
    %dma_start3A_52 = arith.constant 0 : i32
    %dma_start3A_53 = tpu.memref_slice %arg8[%dma_start3A_42, %dma_start3A_51, %dma_start3A_52] : memref<2x2x128xi32, #tpu.memory_space<vmem>> -> memref<1x2x128xi32, #tpu.memory_space<vmem>>
    %dma_start3A_54 = tpu.memref_squeeze %dma_start3A_53 : memref<1x2x128xi32, #tpu.memory_space<vmem>> -> memref<2x128xi32, #tpu.memory_space<vmem>>
    %dma_start3A_55 = arith.constant 0 : i32
    %dma_start3A_56 = arith.constant 0 : i32
    %dma_start3A_57 = tpu.memref_slice %arg3[%add3A_41, %dma_start3A_55, %dma_start3A_56] : memref<2592x2x128xi32, #tpu.memory_space<hbm>> -> memref<1x2x128xi32, #tpu.memory_space<hbm>>
    %dma_start3A_58 = tpu.memref_squeeze %dma_start3A_57 : memref<1x2x128xi32, #tpu.memory_space<hbm>> -> memref<2x128xi32, #tpu.memory_space<hbm>>
    tpu.enqueue_dma source(%dma_start3A_58 : memref<2x128xi32, #tpu.memory_space<hbm>>) target(%dma_start3A_54 : memref<2x128xi32, #tpu.memory_space<vmem>>) target_semaphore(%arg18 : memref<!tpu.dma_semaphore, #tpu.memory_space<semaphore_mem>>)
    %dma_wait3A = arith.constant 0 : i32
    %dma_wait3A_59 = arith.constant 0 : i32
    %dma_wait3A_60 = arith.constant 0 : i32
    %dma_wait3A_61 = tpu.memref_slice %arg6[%dma_wait3A, %dma_wait3A_59, %dma_wait3A_60] : memref<2x2x128xi32, #tpu.memory_space<vmem>> -> memref<1x2x128xi32, #tpu.memory_space<vmem>>
    %dma_wait3A_62 = tpu.memref_squeeze %dma_wait3A_61 : memref<1x2x128xi32, #tpu.memory_space<vmem>> -> memref<2x128xi32, #tpu.memory_space<vmem>>
    %dma_wait3A_63 = arith.constant 0 : i32
    %dma_wait3A_64 = arith.constant 0 : i32
    %dma_wait3A_65 = tpu.memref_slice %arg3[%mul3A_2, %dma_wait3A_63, %dma_wait3A_64] : memref<2592x2x128xi32, #tpu.memory_space<hbm>> -> memref<1x2x128xi32, #tpu.memory_space<hbm>>
    %dma_wait3A_66 = tpu.memref_squeeze %dma_wait3A_65 : memref<1x2x128xi32, #tpu.memory_space<hbm>> -> memref<2x128xi32, #tpu.memory_space<hbm>>
    %dma_wait3A_67 = arith.constant 0 : i32
    %dma_wait3A_68 = arith.constant 0 : i32
    %dma_wait3A_69 = tpu.memref_slice %arg6[%dma_wait3A, %dma_wait3A_67, %dma_wait3A_68] : memref<2x2x128xi32, #tpu.memory_space<vmem>> -> memref<1x2x128xi32, #tpu.memory_space<vmem>>
    %dma_wait3A_70 = tpu.memref_squeeze %dma_wait3A_69 : memref<1x2x128xi32, #tpu.memory_space<vmem>> -> memref<2x128xi32, #tpu.memory_space<vmem>>
    %dma_wait3A_71 = arith.constant 0 : i32
    %dma_wait3A_72 = arith.constant 0 : i32
    %dma_wait3A_73 = tpu.memref_slice %arg3[%mul3A_2, %dma_wait3A_71, %dma_wait3A_72] : memref<2592x2x128xi32, #tpu.memory_space<hbm>> -> memref<1x2x128xi32, #tpu.memory_space<hbm>>
    %dma_wait3A_74 = tpu.memref_squeeze %dma_wait3A_73 : memref<1x2x128xi32, #tpu.memory_space<hbm>> -> memref<2x128xi32, #tpu.memory_space<hbm>>
    tpu.wait_dma2 semaphore(%arg16 : memref<!tpu.dma_semaphore, #tpu.memory_space<semaphore_mem>>) src(%dma_wait3A_74 : memref<2x128xi32, #tpu.memory_space<hbm>>) dst(%dma_wait3A_70 : memref<2x128xi32, #tpu.memory_space<vmem>>)
    %add3A_75 = arith.constant 0 : i32
    %add3A_76 = arith.addi %mul3A_2, %add3A_75 : i32
    %dma_start3A_77 = arith.constant 0 : i32
    %dma_start3A_78 = arith.constant 0 : i32
    %dma_start3A_79 = arith.constant 0 : i32
    %dma_start3A_80 = tpu.memref_slice %arg6[%dma_start3A_77, %dma_start3A_78, %dma_start3A_79] : memref<2x2x128xi32, #tpu.memory_space<vmem>> -> memref<1x1x128xi32, #tpu.memory_space<vmem>>
    %dma_start3A_81 = tpu.memref_squeeze %dma_start3A_80 : memref<1x1x128xi32, #tpu.memory_space<vmem>> -> memref<128xi32, #tpu.memory_space<vmem>>
    %dma_start3A_82 = arith.constant 0 : i32
    %dma_start3A_83 = arith.constant 0 : i32
    %dma_start3A_84 = tpu.memref_slice %arg2[%dma_start3A_82, %dma_start3A_83] : memref<10000x64xf32, #tpu.memory_space<hbm>> -> memref<10000x64xf32, #tpu.memory_space<hbm>>
    tpu.enqueue_indirect_dma source(%dma_start3A_84 : memref<10000x64xf32, #tpu.memory_space<hbm>>) target(%arg9 : memref<128x64xf32, #tpu.memory_space<vmem>>) offsets(%dma_start3A_81 : memref<128xi32, #tpu.memory_space<vmem>>) semaphore(%arg13 : memref<!tpu.dma_semaphore, #tpu.memory_space<semaphore_mem>>)
    %add3A_85 = arith.constant 0 : i32
    %add3A_86 = arith.addi %mul3A_2, %add3A_85 : i32
    %add3A_87 = arith.constant 3 : i32
    %add3A_88 = arith.addi %add3A_86, %add3A_87 : i32
    %dma_start3A_89 = arith.constant 1 : i32
    %dma_start3A_90 = arith.constant 0 : i32
    %dma_start3A_91 = arith.constant 0 : i32
    %dma_start3A_92 = tpu.memref_slice %arg6[%dma_start3A_89, %dma_start3A_90, %dma_start3A_91] : memref<2x2x128xi32, #tpu.memory_space<vmem>> -> memref<1x2x128xi32, #tpu.memory_space<vmem>>
    %dma_start3A_93 = tpu.memref_squeeze %dma_start3A_92 : memref<1x2x128xi32, #tpu.memory_space<vmem>> -> memref<2x128xi32, #tpu.memory_space<vmem>>
    %dma_start3A_94 = arith.constant 0 : i32
    %dma_start3A_95 = arith.constant 0 : i32
    %dma_start3A_96 = tpu.memref_slice %arg3[%add3A_88, %dma_start3A_94, %dma_start3A_95] : memref<2592x2x128xi32, #tpu.memory_space<hbm>> -> memref<1x2x128xi32, #tpu.memory_space<hbm>>
    %dma_start3A_97 = tpu.memref_squeeze %dma_start3A_96 : memref<1x2x128xi32, #tpu.memory_space<hbm>> -> memref<2x128xi32, #tpu.memory_space<hbm>>
    %dma_start3A_98 = arith.constant 0 : i32
    %dma_start3A_99 = arith.constant 0 : i32
    %dma_start3A_100 = tpu.memref_slice %arg6[%dma_start3A_89, %dma_start3A_98, %dma_start3A_99] : memref<2x2x128xi32, #tpu.memory_space<vmem>> -> memref<1x2x128xi32, #tpu.memory_space<vmem>>
    %dma_start3A_101 = tpu.memref_squeeze %dma_start3A_100 : memref<1x2x128xi32, #tpu.memory_space<vmem>> -> memref<2x128xi32, #tpu.memory_space<vmem>>
    %dma_start3A_102 = arith.constant 0 : i32
    %dma_start3A_103 = arith.constant 0 : i32
    %dma_start3A_104 = tpu.memref_slice %arg3[%add3A_88, %dma_start3A_102, %dma_start3A_103] : memref<2592x2x128xi32, #tpu.memory_space<hbm>> -> memref<1x2x128xi32, #tpu.memory_space<hbm>>
    %dma_start3A_105 = tpu.memref_squeeze %dma_start3A_104 : memref<1x2x128xi32, #tpu.memory_space<hbm>> -> memref<2x128xi32, #tpu.memory_space<hbm>>
    tpu.enqueue_dma source(%dma_start3A_105 : memref<2x128xi32, #tpu.memory_space<hbm>>) target(%dma_start3A_101 : memref<2x128xi32, #tpu.memory_space<vmem>>) target_semaphore(%arg16 : memref<!tpu.dma_semaphore, #tpu.memory_space<semaphore_mem>>)
    %dma_wait3A_106 = arith.constant 0 : i32
    %dma_wait3A_107 = arith.constant 0 : i32
    %dma_wait3A_108 = arith.constant 0 : i32
    %dma_wait3A_109 = tpu.memref_slice %arg7[%dma_wait3A_106, %dma_wait3A_107, %dma_wait3A_108] : memref<2x2x128xi32, #tpu.memory_space<vmem>> -> memref<1x2x128xi32, #tpu.memory_space<vmem>>
    %dma_wait3A_110 = tpu.memref_squeeze %dma_wait3A_109 : memref<1x2x128xi32, #tpu.memory_space<vmem>> -> memref<2x128xi32, #tpu.memory_space<vmem>>
    %dma_wait3A_111 = arith.constant 0 : i32
    %dma_wait3A_112 = arith.constant 0 : i32
    %dma_wait3A_113 = tpu.memref_slice %arg3[%mul3A_2, %dma_wait3A_111, %dma_wait3A_112] : memref<2592x2x128xi32, #tpu.memory_space<hbm>> -> memref<1x2x128xi32, #tpu.memory_space<hbm>>
    %dma_wait3A_114 = tpu.memref_squeeze %dma_wait3A_113 : memref<1x2x128xi32, #tpu.memory_space<hbm>> -> memref<2x128xi32, #tpu.memory_space<hbm>>
    %dma_wait3A_115 = arith.constant 0 : i32
    %dma_wait3A_116 = arith.constant 0 : i32
    %dma_wait3A_117 = tpu.memref_slice %arg7[%dma_wait3A_106, %dma_wait3A_115, %dma_wait3A_116] : memref<2x2x128xi32, #tpu.memory_space<vmem>> -> memref<1x2x128xi32, #tpu.memory_space<vmem>>
    %dma_wait3A_118 = tpu.memref_squeeze %dma_wait3A_117 : memref<1x2x128xi32, #tpu.memory_space<vmem>> -> memref<2x128xi32, #tpu.memory_space<vmem>>
    %dma_wait3A_119 = arith.constant 0 : i32
    %dma_wait3A_120 = arith.constant 0 : i32
    %dma_wait3A_121 = tpu.memref_slice %arg3[%mul3A_2, %dma_wait3A_119, %dma_wait3A_120] : memref<2592x2x128xi32, #tpu.memory_space<hbm>> -> memref<1x2x128xi32, #tpu.memory_space<hbm>>
    %dma_wait3A_122 = tpu.memref_squeeze %dma_wait3A_121 : memref<1x2x128xi32, #tpu.memory_space<hbm>> -> memref<2x128xi32, #tpu.memory_space<hbm>>
    tpu.wait_dma2 semaphore(%arg17 : memref<!tpu.dma_semaphore, #tpu.memory_space<semaphore_mem>>) src(%dma_wait3A_122 : memref<2x128xi32, #tpu.memory_space<hbm>>) dst(%dma_wait3A_118 : memref<2x128xi32, #tpu.memory_space<vmem>>)
    %add3A_123 = arith.constant 1 : i32
    %add3A_124 = arith.addi %mul3A_2, %add3A_123 : i32
    %dma_start3A_125 = arith.constant 0 : i32
    %dma_start3A_126 = arith.constant 0 : i32
    %dma_start3A_127 = arith.constant 0 : i32
    %dma_start3A_128 = tpu.memref_slice %arg7[%dma_start3A_125, %dma_start3A_126, %dma_start3A_127] : memref<2x2x128xi32, #tpu.memory_space<vmem>> -> memref<1x1x128xi32, #tpu.memory_space<vmem>>
    %dma_start3A_129 = tpu.memref_squeeze %dma_start3A_128 : memref<1x1x128xi32, #tpu.memory_space<vmem>> -> memref<128xi32, #tpu.memory_space<vmem>>
    %dma_start3A_130 = arith.constant 0 : i32
    %dma_start3A_131 = arith.constant 0 : i32
    %dma_start3A_132 = tpu.memref_slice %arg2[%dma_start3A_130, %dma_start3A_131] : memref<10000x64xf32, #tpu.memory_space<hbm>> -> memref<10000x64xf32, #tpu.memory_space<hbm>>
    tpu.enqueue_indirect_dma source(%dma_start3A_132 : memref<10000x64xf32, #tpu.memory_space<hbm>>) target(%arg10 : memref<128x64xf32, #tpu.memory_space<vmem>>) offsets(%dma_start3A_129 : memref<128xi32, #tpu.memory_space<vmem>>) semaphore(%arg14 : memref<!tpu.dma_semaphore, #tpu.memory_space<semaphore_mem>>)
    %add3A_133 = arith.constant 1 : i32
    %add3A_134 = arith.addi %mul3A_2, %add3A_133 : i32
    %add3A_135 = arith.constant 3 : i32
    %add3A_136 = arith.addi %add3A_134, %add3A_135 : i32
    %dma_start3A_137 = arith.constant 1 : i32
    %dma_start3A_138 = arith.constant 0 : i32
    %dma_start3A_139 = arith.constant 0 : i32
    %dma_start3A_140 = tpu.memref_slice %arg7[%dma_start3A_137, %dma_start3A_138, %dma_start3A_139] : memref<2x2x128xi32, #tpu.memory_space<vmem>> -> memref<1x2x128xi32, #tpu.memory_space<vmem>>
    %dma_start3A_141 = tpu.memref_squeeze %dma_start3A_140 : memref<1x2x128xi32, #tpu.memory_space<vmem>> -> memref<2x128xi32, #tpu.memory_space<vmem>>
    %dma_start3A_142 = arith.constant 0 : i32
    %dma_start3A_143 = arith.constant 0 : i32
    %dma_start3A_144 = tpu.memref_slice %arg3[%add3A_136, %dma_start3A_142, %dma_start3A_143] : memref<2592x2x128xi32, #tpu.memory_space<hbm>> -> memref<1x2x128xi32, #tpu.memory_space<hbm>>
    %dma_start3A_145 = tpu.memref_squeeze %dma_start3A_144 : memref<1x2x128xi32, #tpu.memory_space<hbm>> -> memref<2x128xi32, #tpu.memory_space<hbm>>
    %dma_start3A_146 = arith.constant 0 : i32
    %dma_start3A_147 = arith.constant 0 : i32
    %dma_start3A_148 = tpu.memref_slice %arg7[%dma_start3A_137, %dma_start3A_146, %dma_start3A_147] : memref<2x2x128xi32, #tpu.memory_space<vmem>> -> memref<1x2x128xi32, #tpu.memory_space<vmem>>
    %dma_start3A_149 = tpu.memref_squeeze %dma_start3A_148 : memref<1x2x128xi32, #tpu.memory_space<vmem>> -> memref<2x128xi32, #tpu.memory_space<vmem>>
    %dma_start3A_150 = arith.constant 0 : i32
    %dma_start3A_151 = arith.constant 0 : i32
    %dma_start3A_152 = tpu.memref_slice %arg3[%add3A_136, %dma_start3A_150, %dma_start3A_151] : memref<2592x2x128xi32, #tpu.memory_space<hbm>> -> memref<1x2x128xi32, #tpu.memory_space<hbm>>
    %dma_start3A_153 = tpu.memref_squeeze %dma_start3A_152 : memref<1x2x128xi32, #tpu.memory_space<hbm>> -> memref<2x128xi32, #tpu.memory_space<hbm>>
    tpu.enqueue_dma source(%dma_start3A_153 : memref<2x128xi32, #tpu.memory_space<hbm>>) target(%dma_start3A_149 : memref<2x128xi32, #tpu.memory_space<vmem>>) target_semaphore(%arg17 : memref<!tpu.dma_semaphore, #tpu.memory_space<semaphore_mem>>)
    %dma_wait3A_154 = arith.constant 0 : i32
    %dma_wait3A_155 = arith.constant 0 : i32
    %dma_wait3A_156 = arith.constant 0 : i32
    %dma_wait3A_157 = tpu.memref_slice %arg8[%dma_wait3A_154, %dma_wait3A_155, %dma_wait3A_156] : memref<2x2x128xi32, #tpu.memory_space<vmem>> -> memref<1x2x128xi32, #tpu.memory_space<vmem>>
    %dma_wait3A_158 = tpu.memref_squeeze %dma_wait3A_157 : memref<1x2x128xi32, #tpu.memory_space<vmem>> -> memref<2x128xi32, #tpu.memory_space<vmem>>
    %dma_wait3A_159 = arith.constant 0 : i32
    %dma_wait3A_160 = arith.constant 0 : i32
    %dma_wait3A_161 = tpu.memref_slice %arg3[%mul3A_2, %dma_wait3A_159, %dma_wait3A_160] : memref<2592x2x128xi32, #tpu.memory_space<hbm>> -> memref<1x2x128xi32, #tpu.memory_space<hbm>>
    %dma_wait3A_162 = tpu.memref_squeeze %dma_wait3A_161 : memref<1x2x128xi32, #tpu.memory_space<hbm>> -> memref<2x128xi32, #tpu.memory_space<hbm>>
    %dma_wait3A_163 = arith.constant 0 : i32
    %dma_wait3A_164 = arith.constant 0 : i32
    %dma_wait3A_165 = tpu.memref_slice %arg8[%dma_wait3A_154, %dma_wait3A_163, %dma_wait3A_164] : memref<2x2x128xi32, #tpu.memory_space<vmem>> -> memref<1x2x128xi32, #tpu.memory_space<vmem>>
    %dma_wait3A_166 = tpu.memref_squeeze %dma_wait3A_165 : memref<1x2x128xi32, #tpu.memory_space<vmem>> -> memref<2x128xi32, #tpu.memory_space<vmem>>
    %dma_wait3A_167 = arith.constant 0 : i32
    %dma_wait3A_168 = arith.constant 0 : i32
    %dma_wait3A_169 = tpu.memref_slice %arg3[%mul3A_2, %dma_wait3A_167, %dma_wait3A_168] : memref<2592x2x128xi32, #tpu.memory_space<hbm>> -> memref<1x2x128xi32, #tpu.memory_space<hbm>>
    %dma_wait3A_170 = tpu.memref_squeeze %dma_wait3A_169 : memref<1x2x128xi32, #tpu.memory_space<hbm>> -> memref<2x128xi32, #tpu.memory_space<hbm>>
    tpu.wait_dma2 semaphore(%arg18 : memref<!tpu.dma_semaphore, #tpu.memory_space<semaphore_mem>>) src(%dma_wait3A_170 : memref<2x128xi32, #tpu.memory_space<hbm>>) dst(%dma_wait3A_166 : memref<2x128xi32, #tpu.memory_space<vmem>>)
    %add3A_171 = arith.constant 2 : i32
    %add3A_172 = arith.addi %mul3A_2, %add3A_171 : i32
    %dma_start3A_173 = arith.constant 0 : i32
    %dma_start3A_174 = arith.constant 0 : i32
    %dma_start3A_175 = arith.constant 0 : i32
    %dma_start3A_176 = tpu.memref_slice %arg8[%dma_start3A_173, %dma_start3A_174, %dma_start3A_175] : memref<2x2x128xi32, #tpu.memory_space<vmem>> -> memref<1x1x128xi32, #tpu.memory_space<vmem>>
    %dma_start3A_177 = tpu.memref_squeeze %dma_start3A_176 : memref<1x1x128xi32, #tpu.memory_space<vmem>> -> memref<128xi32, #tpu.memory_space<vmem>>
    %dma_start3A_178 = arith.constant 0 : i32
    %dma_start3A_179 = arith.constant 0 : i32
    %dma_start3A_180 = tpu.memref_slice %arg2[%dma_start3A_178, %dma_start3A_179] : memref<10000x64xf32, #tpu.memory_space<hbm>> -> memref<10000x64xf32, #tpu.memory_space<hbm>>
    tpu.enqueue_indirect_dma source(%dma_start3A_180 : memref<10000x64xf32, #tpu.memory_space<hbm>>) target(%arg11 : memref<128x64xf32, #tpu.memory_space<vmem>>) offsets(%dma_start3A_177 : memref<128xi32, #tpu.memory_space<vmem>>) semaphore(%arg15 : memref<!tpu.dma_semaphore, #tpu.memory_space<semaphore_mem>>)
    %add3A_181 = arith.constant 2 : i32
    %add3A_182 = arith.addi %mul3A_2, %add3A_181 : i32
    %add3A_183 = arith.constant 3 : i32
    %add3A_184 = arith.addi %add3A_182, %add3A_183 : i32
    %dma_start3A_185 = arith.constant 1 : i32
    %dma_start3A_186 = arith.constant 0 : i32
    %dma_start3A_187 = arith.constant 0 : i32
    %dma_start3A_188 = tpu.memref_slice %arg8[%dma_start3A_185, %dma_start3A_186, %dma_start3A_187] : memref<2x2x128xi32, #tpu.memory_space<vmem>> -> memref<1x2x128xi32, #tpu.memory_space<vmem>>
    %dma_start3A_189 = tpu.memref_squeeze %dma_start3A_188 : memref<1x2x128xi32, #tpu.memory_space<vmem>> -> memref<2x128xi32, #tpu.memory_space<vmem>>
    %dma_start3A_190 = arith.constant 0 : i32
    %dma_start3A_191 = arith.constant 0 : i32
    %dma_start3A_192 = tpu.memref_slice %arg3[%add3A_184, %dma_start3A_190, %dma_start3A_191] : memref<2592x2x128xi32, #tpu.memory_space<hbm>> -> memref<1x2x128xi32, #tpu.memory_space<hbm>>
    %dma_start3A_193 = tpu.memref_squeeze %dma_start3A_192 : memref<1x2x128xi32, #tpu.memory_space<hbm>> -> memref<2x128xi32, #tpu.memory_space<hbm>>
    %dma_start3A_194 = arith.constant 0 : i32
    %dma_start3A_195 = arith.constant 0 : i32
    %dma_start3A_196 = tpu.memref_slice %arg8[%dma_start3A_185, %dma_start3A_194, %dma_start3A_195] : memref<2x2x128xi32, #tpu.memory_space<vmem>> -> memref<1x2x128xi32, #tpu.memory_space<vmem>>
    %dma_start3A_197 = tpu.memref_squeeze %dma_start3A_196 : memref<1x2x128xi32, #tpu.memory_space<vmem>> -> memref<2x128xi32, #tpu.memory_space<vmem>>
    %dma_start3A_198 = arith.constant 0 : i32
    %dma_start3A_199 = arith.constant 0 : i32
    %dma_start3A_200 = tpu.memref_slice %arg3[%add3A_184, %dma_start3A_198, %dma_start3A_199] : memref<2592x2x128xi32, #tpu.memory_space<hbm>> -> memref<1x2x128xi32, #tpu.memory_space<hbm>>
    %dma_start3A_201 = tpu.memref_squeeze %dma_start3A_200 : memref<1x2x128xi32, #tpu.memory_space<hbm>> -> memref<2x128xi32, #tpu.memory_space<hbm>>
    tpu.enqueue_dma source(%dma_start3A_201 : memref<2x128xi32, #tpu.memory_space<hbm>>) target(%dma_start3A_197 : memref<2x128xi32, #tpu.memory_space<vmem>>) target_semaphore(%arg18 : memref<!tpu.dma_semaphore, #tpu.memory_space<semaphore_mem>>)
    %mul3A_202 = arith.constant 627 : i32
    %mul3A_203 = arith.muli %arg1, %mul3A_202 : i32
    %mul3A_204 = arith.constant 627 : i32
    %mul3A_205 = arith.muli %arg1, %mul3A_204 : i32
    "tpu.region"() ({
      %run_scoped3A = tpu.sem_alloc : memref<!tpu.dma_semaphore, #tpu.memory_space<semaphore_mem>>
      %dma_start3A_215 = arith.constant 0 : i32
      %dma_start3A_216 = tpu.memref_slice %arg12[%mul3A_205, %dma_start3A_215] : memref<10032x64xf32, #tpu.memory_space<vmem_shared>> -> memref<627x64xf32, #tpu.memory_space<vmem_shared>>
      %dma_start3A_217 = arith.constant 0 : i32
      %dma_start3A_218 = tpu.memref_slice %arg4[%mul3A_203, %dma_start3A_217] : memref<10032x64xf32, #tpu.memory_space<hbm>> -> memref<627x64xf32, #tpu.memory_space<hbm>>
      tpu.enqueue_dma source(%dma_start3A_218 : memref<627x64xf32, #tpu.memory_space<hbm>>) target(%dma_start3A_216 : memref<627x64xf32, #tpu.memory_space<vmem_shared>>) target_semaphore(%run_scoped3A : memref<!tpu.dma_semaphore, #tpu.memory_space<semaphore_mem>>)
      %dma_wait3A_219 = arith.constant 0 : i32
      %dma_wait3A_220 = tpu.memref_slice %arg12[%mul3A_205, %dma_wait3A_219] : memref<10032x64xf32, #tpu.memory_space<vmem_shared>> -> memref<627x64xf32, #tpu.memory_space<vmem_shared>>
      %dma_wait3A_221 = arith.constant 0 : i32
      %dma_wait3A_222 = tpu.memref_slice %arg4[%mul3A_203, %dma_wait3A_221] : memref<10032x64xf32, #tpu.memory_space<hbm>> -> memref<627x64xf32, #tpu.memory_space<hbm>>
      tpu.wait_dma2 semaphore(%run_scoped3A : memref<!tpu.dma_semaphore, #tpu.memory_space<semaphore_mem>>) src(%dma_wait3A_222 : memref<627x64xf32, #tpu.memory_space<hbm>>) dst(%dma_wait3A_220 : memref<627x64xf32, #tpu.memory_space<vmem_shared>>)
      tpu.yield
    }) : () -> ()
    %barrier3A = arith.constant 0 : index
    tpu.barrier barrier_id(%barrier3A)
    %scan3A = arith.constant 0 : i32
    %scan3A_206 = arith.constant 27 : i32
    %scan3A_207 = arith.addi %scan3A, %scan3A_206 : i32
    %scan3A_208 = arith.constant 1 : i32
    scf.for %scan3A_215 = %scan3A to %scan3A_207 step %scan3A_208  : i32 {
      %rem3A = arith.constant 2 : i32
      %rem3A_216 = arith.remsi %scan3A_215, %rem3A : i32
      %mul3A_217 = arith.constant 3 : i32
      %mul3A_218 = arith.muli %scan3A_215, %mul3A_217 : i32
      %add3A_219 = arith.constant 0 : i32
      %add3A_220 = arith.addi %mul3A_218, %add3A_219 : i32
      %dma_wait3A_221 = arith.constant 0 : i32
      %dma_wait3A_222 = arith.constant 0 : i32
      %dma_wait3A_223 = tpu.memref_slice %arg6[%rem3A_216, %dma_wait3A_221, %dma_wait3A_222] : memref<2x2x128xi32, #tpu.memory_space<vmem>> -> memref<1x1x128xi32, #tpu.memory_space<vmem>>
      %dma_wait3A_224 = tpu.memref_squeeze %dma_wait3A_223 : memref<1x1x128xi32, #tpu.memory_space<vmem>> -> memref<128xi32, #tpu.memory_space<vmem>>
      %dma_wait3A_225 = arith.constant 0 : i32
      %dma_wait3A_226 = arith.constant 0 : i32
      %dma_wait3A_227 = tpu.memref_slice %arg2[%dma_wait3A_225, %dma_wait3A_226] : memref<10000x64xf32, #tpu.memory_space<hbm>> -> memref<10000x64xf32, #tpu.memory_space<hbm>>
      tpu.wait_indirect_dma semaphore(%arg13 : memref<!tpu.dma_semaphore, #tpu.memory_space<semaphore_mem>>) src(%dma_wait3A_227 : memref<10000x64xf32, #tpu.memory_space<hbm>>) dst(%arg9 : memref<128x64xf32, #tpu.memory_space<vmem>>)
      %run_scoped3A = arith.constant 1 : i32
      "tpu.region"() ({
        %run_scoped3A_270 = tpu.sem_alloc : memref<!tpu.dma_semaphore, #tpu.memory_space<semaphore_mem>>
        %dma_start3A_271 = arith.constant 0 : i32
        %dma_start3A_272 = tpu.memref_slice %arg6[%rem3A_216, %run_scoped3A, %dma_start3A_271] : memref<2x2x128xi32, #tpu.memory_space<vmem>> -> memref<1x1x128xi32, #tpu.memory_space<vmem>>
        %dma_start3A_273 = tpu.memref_squeeze %dma_start3A_272 : memref<1x1x128xi32, #tpu.memory_space<vmem>> -> memref<128xi32, #tpu.memory_space<vmem>>
        %dma_start3A_274 = arith.constant 0 : i32
        %dma_start3A_275 = arith.constant 0 : i32
        %dma_start3A_276 = tpu.memref_slice %arg12[%dma_start3A_274, %dma_start3A_275] : memref<10032x64xf32, #tpu.memory_space<vmem_shared>> -> memref<10032x64xf32, #tpu.memory_space<vmem_shared>>
        tpu.enqueue_indirect_dma source(%arg9 : memref<128x64xf32, #tpu.memory_space<vmem>>) target(%dma_start3A_276 : memref<10032x64xf32, #tpu.memory_space<vmem_shared>>) offsets(%dma_start3A_273 : memref<128xi32, #tpu.memory_space<vmem>>) semaphore(%run_scoped3A_270 : memref<!tpu.dma_semaphore, #tpu.memory_space<semaphore_mem>>) {add = true}
        %dma_wait3A_277 = arith.constant 0 : i32
        %dma_wait3A_278 = tpu.memref_slice %arg6[%rem3A_216, %run_scoped3A, %dma_wait3A_277] : memref<2x2x128xi32, #tpu.memory_space<vmem>> -> memref<1x1x128xi32, #tpu.memory_space<vmem>>
        %dma_wait3A_279 = tpu.memref_squeeze %dma_wait3A_278 : memref<1x1x128xi32, #tpu.memory_space<vmem>> -> memref<128xi32, #tpu.memory_space<vmem>>
        %dma_wait3A_280 = arith.constant 0 : i32
        %dma_wait3A_281 = arith.constant 0 : i32
        %dma_wait3A_282 = tpu.memref_slice %arg12[%dma_wait3A_280, %dma_wait3A_281] : memref<10032x64xf32, #tpu.memory_space<vmem_shared>> -> memref<10032x64xf32, #tpu.memory_space<vmem_shared>>
        tpu.wait_indirect_dma semaphore(%run_scoped3A_270 : memref<!tpu.dma_semaphore, #tpu.memory_space<semaphore_mem>>) src(%arg9 : memref<128x64xf32, #tpu.memory_space<vmem>>) dst(%dma_wait3A_282 : memref<10032x64xf32, #tpu.memory_space<vmem_shared>>)
        tpu.yield
      }) : () -> ()
      %add3A_228 = arith.constant 3 : i32
      %add3A_229 = arith.addi %add3A_220, %add3A_228 : i32
      %lt3A = arith.constant 81 : i32
      %lt3A_230 = arith.cmpi slt, %add3A_229, %lt3A : i32
      %convert_element_type3A = arith.extui %lt3A_230 : i1 to i32
      %cond3A = arith.constant 0 : i32
      %cond3A_231 = arith.cmpi ne, %convert_element_type3A, %cond3A : i32
      scf.if %cond3A_231 {
        %sub3A = arith.constant 1 : i32
        %sub3A_270 = arith.subi %sub3A, %rem3A_216 : i32
        %dma_wait3A_271 = arith.constant 0 : i32
        %dma_wait3A_272 = arith.constant 0 : i32
        %dma_wait3A_273 = tpu.memref_slice %arg6[%sub3A_270, %dma_wait3A_271, %dma_wait3A_272] : memref<2x2x128xi32, #tpu.memory_space<vmem>> -> memref<1x2x128xi32, #tpu.memory_space<vmem>>
        %dma_wait3A_274 = tpu.memref_squeeze %dma_wait3A_273 : memref<1x2x128xi32, #tpu.memory_space<vmem>> -> memref<2x128xi32, #tpu.memory_space<vmem>>
        %dma_wait3A_275 = arith.constant 0 : i32
        %dma_wait3A_276 = arith.constant 0 : i32
        %dma_wait3A_277 = tpu.memref_slice %arg3[%mul3A_2, %dma_wait3A_275, %dma_wait3A_276] : memref<2592x2x128xi32, #tpu.memory_space<hbm>> -> memref<1x2x128xi32, #tpu.memory_space<hbm>>
        %dma_wait3A_278 = tpu.memref_squeeze %dma_wait3A_277 : memref<1x2x128xi32, #tpu.memory_space<hbm>> -> memref<2x128xi32, #tpu.memory_space<hbm>>
        %dma_wait3A_279 = arith.constant 0 : i32
        %dma_wait3A_280 = arith.constant 0 : i32
        %dma_wait3A_281 = tpu.memref_slice %arg6[%sub3A_270, %dma_wait3A_279, %dma_wait3A_280] : memref<2x2x128xi32, #tpu.memory_space<vmem>> -> memref<1x2x128xi32, #tpu.memory_space<vmem>>
        %dma_wait3A_282 = tpu.memref_squeeze %dma_wait3A_281 : memref<1x2x128xi32, #tpu.memory_space<vmem>> -> memref<2x128xi32, #tpu.memory_space<vmem>>
        %dma_wait3A_283 = arith.constant 0 : i32
        %dma_wait3A_284 = arith.constant 0 : i32
        %dma_wait3A_285 = tpu.memref_slice %arg3[%mul3A_2, %dma_wait3A_283, %dma_wait3A_284] : memref<2592x2x128xi32, #tpu.memory_space<hbm>> -> memref<1x2x128xi32, #tpu.memory_space<hbm>>
        %dma_wait3A_286 = tpu.memref_squeeze %dma_wait3A_285 : memref<1x2x128xi32, #tpu.memory_space<hbm>> -> memref<2x128xi32, #tpu.memory_space<hbm>>
        tpu.wait_dma2 semaphore(%arg16 : memref<!tpu.dma_semaphore, #tpu.memory_space<semaphore_mem>>) src(%dma_wait3A_286 : memref<2x128xi32, #tpu.memory_space<hbm>>) dst(%dma_wait3A_282 : memref<2x128xi32, #tpu.memory_space<vmem>>)
        %add3A_287 = arith.addi %mul3A_2, %add3A_220 : i32
        %add3A_288 = arith.constant 3 : i32
        %add3A_289 = arith.addi %add3A_287, %add3A_288 : i32
        %sub3A_290 = arith.constant 1 : i32
        %sub3A_291 = arith.subi %sub3A_290, %rem3A_216 : i32
        %dma_start3A_292 = arith.constant 0 : i32
        %dma_start3A_293 = arith.constant 0 : i32
        %dma_start3A_294 = tpu.memref_slice %arg6[%sub3A_291, %dma_start3A_292, %dma_start3A_293] : memref<2x2x128xi32, #tpu.memory_space<vmem>> -> memref<1x1x128xi32, #tpu.memory_space<vmem>>
        %dma_start3A_295 = tpu.memref_squeeze %dma_start3A_294 : memref<1x1x128xi32, #tpu.memory_space<vmem>> -> memref<128xi32, #tpu.memory_space<vmem>>
        %dma_start3A_296 = arith.constant 0 : i32
        %dma_start3A_297 = arith.constant 0 : i32
        %dma_start3A_298 = tpu.memref_slice %arg2[%dma_start3A_296, %dma_start3A_297] : memref<10000x64xf32, #tpu.memory_space<hbm>> -> memref<10000x64xf32, #tpu.memory_space<hbm>>
        tpu.enqueue_indirect_dma source(%dma_start3A_298 : memref<10000x64xf32, #tpu.memory_space<hbm>>) target(%arg9 : memref<128x64xf32, #tpu.memory_space<vmem>>) offsets(%dma_start3A_295 : memref<128xi32, #tpu.memory_space<vmem>>) semaphore(%arg13 : memref<!tpu.dma_semaphore, #tpu.memory_space<semaphore_mem>>)
        %add3A_299 = arith.constant 6 : i32
        %add3A_300 = arith.addi %add3A_220, %add3A_299 : i32
        %lt3A_301 = arith.constant 81 : i32
        %lt3A_302 = arith.cmpi slt, %add3A_300, %lt3A_301 : i32
        %convert_element_type3A_303 = arith.extui %lt3A_302 : i1 to i32
        %cond3A_304 = arith.constant 0 : i32
        %cond3A_305 = arith.cmpi ne, %convert_element_type3A_303, %cond3A_304 : i32
        scf.if %cond3A_305 {
          %add3A_306 = arith.addi %mul3A_2, %add3A_220 : i32
          %add3A_307 = arith.constant 6 : i32
          %add3A_308 = arith.addi %add3A_306, %add3A_307 : i32
          %dma_start3A_309 = arith.constant 0 : i32
          %dma_start3A_310 = arith.constant 0 : i32
          %dma_start3A_311 = tpu.memref_slice %arg6[%rem3A_216, %dma_start3A_309, %dma_start3A_310] : memref<2x2x128xi32, #tpu.memory_space<vmem>> -> memref<1x2x128xi32, #tpu.memory_space<vmem>>
          %dma_start3A_312 = tpu.memref_squeeze %dma_start3A_311 : memref<1x2x128xi32, #tpu.memory_space<vmem>> -> memref<2x128xi32, #tpu.memory_space<vmem>>
          %dma_start3A_313 = arith.constant 0 : i32
          %dma_start3A_314 = arith.constant 0 : i32
          %dma_start3A_315 = tpu.memref_slice %arg3[%add3A_308, %dma_start3A_313, %dma_start3A_314] : memref<2592x2x128xi32, #tpu.memory_space<hbm>> -> memref<1x2x128xi32, #tpu.memory_space<hbm>>
          %dma_start3A_316 = tpu.memref_squeeze %dma_start3A_315 : memref<1x2x128xi32, #tpu.memory_space<hbm>> -> memref<2x128xi32, #tpu.memory_space<hbm>>
          %dma_start3A_317 = arith.constant 0 : i32
          %dma_start3A_318 = arith.constant 0 : i32
          %dma_start3A_319 = tpu.memref_slice %arg6[%rem3A_216, %dma_start3A_317, %dma_start3A_318] : memref<2x2x128xi32, #tpu.memory_space<vmem>> -> memref<1x2x128xi32, #tpu.memory_space<vmem>>
          %dma_start3A_320 = tpu.memref_squeeze %dma_start3A_319 : memref<1x2x128xi32, #tpu.memory_space<vmem>> -> memref<2x128xi32, #tpu.memory_space<vmem>>
          %dma_start3A_321 = arith.constant 0 : i32
          %dma_start3A_322 = arith.constant 0 : i32
          %dma_start3A_323 = tpu.memref_slice %arg3[%add3A_308, %dma_start3A_321, %dma_start3A_322] : memref<2592x2x128xi32, #tpu.memory_space<hbm>> -> memref<1x2x128xi32, #tpu.memory_space<hbm>>
          %dma_start3A_324 = tpu.memref_squeeze %dma_start3A_323 : memref<1x2x128xi32, #tpu.memory_space<hbm>> -> memref<2x128xi32, #tpu.memory_space<hbm>>
          tpu.enqueue_dma source(%dma_start3A_324 : memref<2x128xi32, #tpu.memory_space<hbm>>) target(%dma_start3A_320 : memref<2x128xi32, #tpu.memory_space<vmem>>) target_semaphore(%arg16 : memref<!tpu.dma_semaphore, #tpu.memory_space<semaphore_mem>>)
        } else {
        }
      } else {
      }
      %mul3A_232 = arith.constant 3 : i32
      %mul3A_233 = arith.muli %scan3A_215, %mul3A_232 : i32
      %add3A_234 = arith.constant 1 : i32
      %add3A_235 = arith.addi %mul3A_233, %add3A_234 : i32
      %dma_wait3A_236 = arith.constant 0 : i32
      %dma_wait3A_237 = arith.constant 0 : i32
      %dma_wait3A_238 = tpu.memref_slice %arg7[%rem3A_216, %dma_wait3A_236, %dma_wait3A_237] : memref<2x2x128xi32, #tpu.memory_space<vmem>> -> memref<1x1x128xi32, #tpu.memory_space<vmem>>
      %dma_wait3A_239 = tpu.memref_squeeze %dma_wait3A_238 : memref<1x1x128xi32, #tpu.memory_space<vmem>> -> memref<128xi32, #tpu.memory_space<vmem>>
      %dma_wait3A_240 = arith.constant 0 : i32
      %dma_wait3A_241 = arith.constant 0 : i32
      %dma_wait3A_242 = tpu.memref_slice %arg2[%dma_wait3A_240, %dma_wait3A_241] : memref<10000x64xf32, #tpu.memory_space<hbm>> -> memref<10000x64xf32, #tpu.memory_space<hbm>>
      tpu.wait_indirect_dma semaphore(%arg14 : memref<!tpu.dma_semaphore, #tpu.memory_space<semaphore_mem>>) src(%dma_wait3A_242 : memref<10000x64xf32, #tpu.memory_space<hbm>>) dst(%arg10 : memref<128x64xf32, #tpu.memory_space<vmem>>)
      %run_scoped3A_243 = arith.constant 1 : i32
      "tpu.region"() ({
        %run_scoped3A_270 = tpu.sem_alloc : memref<!tpu.dma_semaphore, #tpu.memory_space<semaphore_mem>>
        %dma_start3A_271 = arith.constant 0 : i32
        %dma_start3A_272 = tpu.memref_slice %arg7[%rem3A_216, %run_scoped3A_243, %dma_start3A_271] : memref<2x2x128xi32, #tpu.memory_space<vmem>> -> memref<1x1x128xi32, #tpu.memory_space<vmem>>
        %dma_start3A_273 = tpu.memref_squeeze %dma_start3A_272 : memref<1x1x128xi32, #tpu.memory_space<vmem>> -> memref<128xi32, #tpu.memory_space<vmem>>
        %dma_start3A_274 = arith.constant 0 : i32
        %dma_start3A_275 = arith.constant 0 : i32
        %dma_start3A_276 = tpu.memref_slice %arg12[%dma_start3A_274, %dma_start3A_275] : memref<10032x64xf32, #tpu.memory_space<vmem_shared>> -> memref<10032x64xf32, #tpu.memory_space<vmem_shared>>
        tpu.enqueue_indirect_dma source(%arg10 : memref<128x64xf32, #tpu.memory_space<vmem>>) target(%dma_start3A_276 : memref<10032x64xf32, #tpu.memory_space<vmem_shared>>) offsets(%dma_start3A_273 : memref<128xi32, #tpu.memory_space<vmem>>) semaphore(%run_scoped3A_270 : memref<!tpu.dma_semaphore, #tpu.memory_space<semaphore_mem>>) {add = true}
        %dma_wait3A_277 = arith.constant 0 : i32
        %dma_wait3A_278 = tpu.memref_slice %arg7[%rem3A_216, %run_scoped3A_243, %dma_wait3A_277] : memref<2x2x128xi32, #tpu.memory_space<vmem>> -> memref<1x1x128xi32, #tpu.memory_space<vmem>>
        %dma_wait3A_279 = tpu.memref_squeeze %dma_wait3A_278 : memref<1x1x128xi32, #tpu.memory_space<vmem>> -> memref<128xi32, #tpu.memory_space<vmem>>
        %dma_wait3A_280 = arith.constant 0 : i32
        %dma_wait3A_281 = arith.constant 0 : i32
        %dma_wait3A_282 = tpu.memref_slice %arg12[%dma_wait3A_280, %dma_wait3A_281] : memref<10032x64xf32, #tpu.memory_space<vmem_shared>> -> memref<10032x64xf32, #tpu.memory_space<vmem_shared>>
        tpu.wait_indirect_dma semaphore(%run_scoped3A_270 : memref<!tpu.dma_semaphore, #tpu.memory_space<semaphore_mem>>) src(%arg10 : memref<128x64xf32, #tpu.memory_space<vmem>>) dst(%dma_wait3A_282 : memref<10032x64xf32, #tpu.memory_space<vmem_shared>>)
        tpu.yield
      }) : () -> ()
      %add3A_244 = arith.constant 3 : i32
      %add3A_245 = arith.addi %add3A_235, %add3A_244 : i32
      %lt3A_246 = arith.constant 81 : i32
      %lt3A_247 = arith.cmpi slt, %add3A_245, %lt3A_246 : i32
      %convert_element_type3A_248 = arith.extui %lt3A_247 : i1 to i32
      %cond3A_249 = arith.constant 0 : i32
      %cond3A_250 = arith.cmpi ne, %convert_element_type3A_248, %cond3A_249 : i32
      scf.if %cond3A_250 {
        %sub3A = arith.constant 1 : i32
        %sub3A_270 = arith.subi %sub3A, %rem3A_216 : i32
        %dma_wait3A_271 = arith.constant 0 : i32
        %dma_wait3A_272 = arith.constant 0 : i32
        %dma_wait3A_273 = tpu.memref_slice %arg7[%sub3A_270, %dma_wait3A_271, %dma_wait3A_272] : memref<2x2x128xi32, #tpu.memory_space<vmem>> -> memref<1x2x128xi32, #tpu.memory_space<vmem>>
        %dma_wait3A_274 = tpu.memref_squeeze %dma_wait3A_273 : memref<1x2x128xi32, #tpu.memory_space<vmem>> -> memref<2x128xi32, #tpu.memory_space<vmem>>
        %dma_wait3A_275 = arith.constant 0 : i32
        %dma_wait3A_276 = arith.constant 0 : i32
        %dma_wait3A_277 = tpu.memref_slice %arg3[%mul3A_2, %dma_wait3A_275, %dma_wait3A_276] : memref<2592x2x128xi32, #tpu.memory_space<hbm>> -> memref<1x2x128xi32, #tpu.memory_space<hbm>>
        %dma_wait3A_278 = tpu.memref_squeeze %dma_wait3A_277 : memref<1x2x128xi32, #tpu.memory_space<hbm>> -> memref<2x128xi32, #tpu.memory_space<hbm>>
        %dma_wait3A_279 = arith.constant 0 : i32
        %dma_wait3A_280 = arith.constant 0 : i32
        %dma_wait3A_281 = tpu.memref_slice %arg7[%sub3A_270, %dma_wait3A_279, %dma_wait3A_280] : memref<2x2x128xi32, #tpu.memory_space<vmem>> -> memref<1x2x128xi32, #tpu.memory_space<vmem>>
        %dma_wait3A_282 = tpu.memref_squeeze %dma_wait3A_281 : memref<1x2x128xi32, #tpu.memory_space<vmem>> -> memref<2x128xi32, #tpu.memory_space<vmem>>
        %dma_wait3A_283 = arith.constant 0 : i32
        %dma_wait3A_284 = arith.constant 0 : i32
        %dma_wait3A_285 = tpu.memref_slice %arg3[%mul3A_2, %dma_wait3A_283, %dma_wait3A_284] : memref<2592x2x128xi32, #tpu.memory_space<hbm>> -> memref<1x2x128xi32, #tpu.memory_space<hbm>>
        %dma_wait3A_286 = tpu.memref_squeeze %dma_wait3A_285 : memref<1x2x128xi32, #tpu.memory_space<hbm>> -> memref<2x128xi32, #tpu.memory_space<hbm>>
        tpu.wait_dma2 semaphore(%arg17 : memref<!tpu.dma_semaphore, #tpu.memory_space<semaphore_mem>>) src(%dma_wait3A_286 : memref<2x128xi32, #tpu.memory_space<hbm>>) dst(%dma_wait3A_282 : memref<2x128xi32, #tpu.memory_space<vmem>>)
        %add3A_287 = arith.addi %mul3A_2, %add3A_235 : i32
        %add3A_288 = arith.constant 3 : i32
        %add3A_289 = arith.addi %add3A_287, %add3A_288 : i32
        %sub3A_290 = arith.constant 1 : i32
        %sub3A_291 = arith.subi %sub3A_290, %rem3A_216 : i32
        %dma_start3A_292 = arith.constant 0 : i32
        %dma_start3A_293 = arith.constant 0 : i32
        %dma_start3A_294 = tpu.memref_slice %arg7[%sub3A_291, %dma_start3A_292, %dma_start3A_293] : memref<2x2x128xi32, #tpu.memory_space<vmem>> -> memref<1x1x128xi32, #tpu.memory_space<vmem>>
        %dma_start3A_295 = tpu.memref_squeeze %dma_start3A_294 : memref<1x1x128xi32, #tpu.memory_space<vmem>> -> memref<128xi32, #tpu.memory_space<vmem>>
        %dma_start3A_296 = arith.constant 0 : i32
        %dma_start3A_297 = arith.constant 0 : i32
        %dma_start3A_298 = tpu.memref_slice %arg2[%dma_start3A_296, %dma_start3A_297] : memref<10000x64xf32, #tpu.memory_space<hbm>> -> memref<10000x64xf32, #tpu.memory_space<hbm>>
        tpu.enqueue_indirect_dma source(%dma_start3A_298 : memref<10000x64xf32, #tpu.memory_space<hbm>>) target(%arg10 : memref<128x64xf32, #tpu.memory_space<vmem>>) offsets(%dma_start3A_295 : memref<128xi32, #tpu.memory_space<vmem>>) semaphore(%arg14 : memref<!tpu.dma_semaphore, #tpu.memory_space<semaphore_mem>>)
        %add3A_299 = arith.constant 6 : i32
        %add3A_300 = arith.addi %add3A_235, %add3A_299 : i32
        %lt3A_301 = arith.constant 81 : i32
        %lt3A_302 = arith.cmpi slt, %add3A_300, %lt3A_301 : i32
        %convert_element_type3A_303 = arith.extui %lt3A_302 : i1 to i32
        %cond3A_304 = arith.constant 0 : i32
        %cond3A_305 = arith.cmpi ne, %convert_element_type3A_303, %cond3A_304 : i32
        scf.if %cond3A_305 {
          %add3A_306 = arith.addi %mul3A_2, %add3A_235 : i32
          %add3A_307 = arith.constant 6 : i32
          %add3A_308 = arith.addi %add3A_306, %add3A_307 : i32
          %dma_start3A_309 = arith.constant 0 : i32
          %dma_start3A_310 = arith.constant 0 : i32
          %dma_start3A_311 = tpu.memref_slice %arg7[%rem3A_216, %dma_start3A_309, %dma_start3A_310] : memref<2x2x128xi32, #tpu.memory_space<vmem>> -> memref<1x2x128xi32, #tpu.memory_space<vmem>>
          %dma_start3A_312 = tpu.memref_squeeze %dma_start3A_311 : memref<1x2x128xi32, #tpu.memory_space<vmem>> -> memref<2x128xi32, #tpu.memory_space<vmem>>
          %dma_start3A_313 = arith.constant 0 : i32
          %dma_start3A_314 = arith.constant 0 : i32
          %dma_start3A_315 = tpu.memref_slice %arg3[%add3A_308, %dma_start3A_313, %dma_start3A_314] : memref<2592x2x128xi32, #tpu.memory_space<hbm>> -> memref<1x2x128xi32, #tpu.memory_space<hbm>>
          %dma_start3A_316 = tpu.memref_squeeze %dma_start3A_315 : memref<1x2x128xi32, #tpu.memory_space<hbm>> -> memref<2x128xi32, #tpu.memory_space<hbm>>
          %dma_start3A_317 = arith.constant 0 : i32
          %dma_start3A_318 = arith.constant 0 : i32
          %dma_start3A_319 = tpu.memref_slice %arg7[%rem3A_216, %dma_start3A_317, %dma_start3A_318] : memref<2x2x128xi32, #tpu.memory_space<vmem>> -> memref<1x2x128xi32, #tpu.memory_space<vmem>>
          %dma_start3A_320 = tpu.memref_squeeze %dma_start3A_319 : memref<1x2x128xi32, #tpu.memory_space<vmem>> -> memref<2x128xi32, #tpu.memory_space<vmem>>
          %dma_start3A_321 = arith.constant 0 : i32
          %dma_start3A_322 = arith.constant 0 : i32
          %dma_start3A_323 = tpu.memref_slice %arg3[%add3A_308, %dma_start3A_321, %dma_start3A_322] : memref<2592x2x128xi32, #tpu.memory_space<hbm>> -> memref<1x2x128xi32, #tpu.memory_space<hbm>>
          %dma_start3A_324 = tpu.memref_squeeze %dma_start3A_323 : memref<1x2x128xi32, #tpu.memory_space<hbm>> -> memref<2x128xi32, #tpu.memory_space<hbm>>
          tpu.enqueue_dma source(%dma_start3A_324 : memref<2x128xi32, #tpu.memory_space<hbm>>) target(%dma_start3A_320 : memref<2x128xi32, #tpu.memory_space<vmem>>) target_semaphore(%arg17 : memref<!tpu.dma_semaphore, #tpu.memory_space<semaphore_mem>>)
        } else {
        }
      } else {
      }
      %mul3A_251 = arith.constant 3 : i32
      %mul3A_252 = arith.muli %scan3A_215, %mul3A_251 : i32
      %add3A_253 = arith.constant 2 : i32
      %add3A_254 = arith.addi %mul3A_252, %add3A_253 : i32
      %dma_wait3A_255 = arith.constant 0 : i32
      %dma_wait3A_256 = arith.constant 0 : i32
      %dma_wait3A_257 = tpu.memref_slice %arg8[%rem3A_216, %dma_wait3A_255, %dma_wait3A_256] : memref<2x2x128xi32, #tpu.memory_space<vmem>> -> memref<1x1x128xi32, #tpu.memory_space<vmem>>
      %dma_wait3A_258 = tpu.memref_squeeze %dma_wait3A_257 : memref<1x1x128xi32, #tpu.memory_space<vmem>> -> memref<128xi32, #tpu.memory_space<vmem>>
      %dma_wait3A_259 = arith.constant 0 : i32
      %dma_wait3A_260 = arith.constant 0 : i32
      %dma_wait3A_261 = tpu.memref_slice %arg2[%dma_wait3A_259, %dma_wait3A_260] : memref<10000x64xf32, #tpu.memory_space<hbm>> -> memref<10000x64xf32, #tpu.memory_space<hbm>>
      tpu.wait_indirect_dma semaphore(%arg15 : memref<!tpu.dma_semaphore, #tpu.memory_space<semaphore_mem>>) src(%dma_wait3A_261 : memref<10000x64xf32, #tpu.memory_space<hbm>>) dst(%arg11 : memref<128x64xf32, #tpu.memory_space<vmem>>)
      %run_scoped3A_262 = arith.constant 1 : i32
      "tpu.region"() ({
        %run_scoped3A_270 = tpu.sem_alloc : memref<!tpu.dma_semaphore, #tpu.memory_space<semaphore_mem>>
        %dma_start3A_271 = arith.constant 0 : i32
        %dma_start3A_272 = tpu.memref_slice %arg8[%rem3A_216, %run_scoped3A_262, %dma_start3A_271] : memref<2x2x128xi32, #tpu.memory_space<vmem>> -> memref<1x1x128xi32, #tpu.memory_space<vmem>>
        %dma_start3A_273 = tpu.memref_squeeze %dma_start3A_272 : memref<1x1x128xi32, #tpu.memory_space<vmem>> -> memref<128xi32, #tpu.memory_space<vmem>>
        %dma_start3A_274 = arith.constant 0 : i32
        %dma_start3A_275 = arith.constant 0 : i32
        %dma_start3A_276 = tpu.memref_slice %arg12[%dma_start3A_274, %dma_start3A_275] : memref<10032x64xf32, #tpu.memory_space<vmem_shared>> -> memref<10032x64xf32, #tpu.memory_space<vmem_shared>>
        tpu.enqueue_indirect_dma source(%arg11 : memref<128x64xf32, #tpu.memory_space<vmem>>) target(%dma_start3A_276 : memref<10032x64xf32, #tpu.memory_space<vmem_shared>>) offsets(%dma_start3A_273 : memref<128xi32, #tpu.memory_space<vmem>>) semaphore(%run_scoped3A_270 : memref<!tpu.dma_semaphore, #tpu.memory_space<semaphore_mem>>) {add = true}
        %dma_wait3A_277 = arith.constant 0 : i32
        %dma_wait3A_278 = tpu.memref_slice %arg8[%rem3A_216, %run_scoped3A_262, %dma_wait3A_277] : memref<2x2x128xi32, #tpu.memory_space<vmem>> -> memref<1x1x128xi32, #tpu.memory_space<vmem>>
        %dma_wait3A_279 = tpu.memref_squeeze %dma_wait3A_278 : memref<1x1x128xi32, #tpu.memory_space<vmem>> -> memref<128xi32, #tpu.memory_space<vmem>>
        %dma_wait3A_280 = arith.constant 0 : i32
        %dma_wait3A_281 = arith.constant 0 : i32
        %dma_wait3A_282 = tpu.memref_slice %arg12[%dma_wait3A_280, %dma_wait3A_281] : memref<10032x64xf32, #tpu.memory_space<vmem_shared>> -> memref<10032x64xf32, #tpu.memory_space<vmem_shared>>
        tpu.wait_indirect_dma semaphore(%run_scoped3A_270 : memref<!tpu.dma_semaphore, #tpu.memory_space<semaphore_mem>>) src(%arg11 : memref<128x64xf32, #tpu.memory_space<vmem>>) dst(%dma_wait3A_282 : memref<10032x64xf32, #tpu.memory_space<vmem_shared>>)
        tpu.yield
      }) : () -> ()
      %add3A_263 = arith.constant 3 : i32
      %add3A_264 = arith.addi %add3A_254, %add3A_263 : i32
      %lt3A_265 = arith.constant 81 : i32
      %lt3A_266 = arith.cmpi slt, %add3A_264, %lt3A_265 : i32
      %convert_element_type3A_267 = arith.extui %lt3A_266 : i1 to i32
      %cond3A_268 = arith.constant 0 : i32
      %cond3A_269 = arith.cmpi ne, %convert_element_type3A_267, %cond3A_268 : i32
      scf.if %cond3A_269 {
        %sub3A = arith.constant 1 : i32
        %sub3A_270 = arith.subi %sub3A, %rem3A_216 : i32
        %dma_wait3A_271 = arith.constant 0 : i32
        %dma_wait3A_272 = arith.constant 0 : i32
        %dma_wait3A_273 = tpu.memref_slice %arg8[%sub3A_270, %dma_wait3A_271, %dma_wait3A_272] : memref<2x2x128xi32, #tpu.memory_space<vmem>> -> memref<1x2x128xi32, #tpu.memory_space<vmem>>
        %dma_wait3A_274 = tpu.memref_squeeze %dma_wait3A_273 : memref<1x2x128xi32, #tpu.memory_space<vmem>> -> memref<2x128xi32, #tpu.memory_space<vmem>>
        %dma_wait3A_275 = arith.constant 0 : i32
        %dma_wait3A_276 = arith.constant 0 : i32
        %dma_wait3A_277 = tpu.memref_slice %arg3[%mul3A_2, %dma_wait3A_275, %dma_wait3A_276] : memref<2592x2x128xi32, #tpu.memory_space<hbm>> -> memref<1x2x128xi32, #tpu.memory_space<hbm>>
        %dma_wait3A_278 = tpu.memref_squeeze %dma_wait3A_277 : memref<1x2x128xi32, #tpu.memory_space<hbm>> -> memref<2x128xi32, #tpu.memory_space<hbm>>
        %dma_wait3A_279 = arith.constant 0 : i32
        %dma_wait3A_280 = arith.constant 0 : i32
        %dma_wait3A_281 = tpu.memref_slice %arg8[%sub3A_270, %dma_wait3A_279, %dma_wait3A_280] : memref<2x2x128xi32, #tpu.memory_space<vmem>> -> memref<1x2x128xi32, #tpu.memory_space<vmem>>
        %dma_wait3A_282 = tpu.memref_squeeze %dma_wait3A_281 : memref<1x2x128xi32, #tpu.memory_space<vmem>> -> memref<2x128xi32, #tpu.memory_space<vmem>>
        %dma_wait3A_283 = arith.constant 0 : i32
        %dma_wait3A_284 = arith.constant 0 : i32
        %dma_wait3A_285 = tpu.memref_slice %arg3[%mul3A_2, %dma_wait3A_283, %dma_wait3A_284] : memref<2592x2x128xi32, #tpu.memory_space<hbm>> -> memref<1x2x128xi32, #tpu.memory_space<hbm>>
        %dma_wait3A_286 = tpu.memref_squeeze %dma_wait3A_285 : memref<1x2x128xi32, #tpu.memory_space<hbm>> -> memref<2x128xi32, #tpu.memory_space<hbm>>
        tpu.wait_dma2 semaphore(%arg18 : memref<!tpu.dma_semaphore, #tpu.memory_space<semaphore_mem>>) src(%dma_wait3A_286 : memref<2x128xi32, #tpu.memory_space<hbm>>) dst(%dma_wait3A_282 : memref<2x128xi32, #tpu.memory_space<vmem>>)
        %add3A_287 = arith.addi %mul3A_2, %add3A_254 : i32
        %add3A_288 = arith.constant 3 : i32
        %add3A_289 = arith.addi %add3A_287, %add3A_288 : i32
        %sub3A_290 = arith.constant 1 : i32
        %sub3A_291 = arith.subi %sub3A_290, %rem3A_216 : i32
        %dma_start3A_292 = arith.constant 0 : i32
        %dma_start3A_293 = arith.constant 0 : i32
        %dma_start3A_294 = tpu.memref_slice %arg8[%sub3A_291, %dma_start3A_292, %dma_start3A_293] : memref<2x2x128xi32, #tpu.memory_space<vmem>> -> memref<1x1x128xi32, #tpu.memory_space<vmem>>
        %dma_start3A_295 = tpu.memref_squeeze %dma_start3A_294 : memref<1x1x128xi32, #tpu.memory_space<vmem>> -> memref<128xi32, #tpu.memory_space<vmem>>
        %dma_start3A_296 = arith.constant 0 : i32
        %dma_start3A_297 = arith.constant 0 : i32
        %dma_start3A_298 = tpu.memref_slice %arg2[%dma_start3A_296, %dma_start3A_297] : memref<10000x64xf32, #tpu.memory_space<hbm>> -> memref<10000x64xf32, #tpu.memory_space<hbm>>
        tpu.enqueue_indirect_dma source(%dma_start3A_298 : memref<10000x64xf32, #tpu.memory_space<hbm>>) target(%arg11 : memref<128x64xf32, #tpu.memory_space<vmem>>) offsets(%dma_start3A_295 : memref<128xi32, #tpu.memory_space<vmem>>) semaphore(%arg15 : memref<!tpu.dma_semaphore, #tpu.memory_space<semaphore_mem>>)
        %add3A_299 = arith.constant 6 : i32
        %add3A_300 = arith.addi %add3A_254, %add3A_299 : i32
        %lt3A_301 = arith.constant 81 : i32
        %lt3A_302 = arith.cmpi slt, %add3A_300, %lt3A_301 : i32
        %convert_element_type3A_303 = arith.extui %lt3A_302 : i1 to i32
        %cond3A_304 = arith.constant 0 : i32
        %cond3A_305 = arith.cmpi ne, %convert_element_type3A_303, %cond3A_304 : i32
        scf.if %cond3A_305 {
          %add3A_306 = arith.addi %mul3A_2, %add3A_254 : i32
          %add3A_307 = arith.constant 6 : i32
          %add3A_308 = arith.addi %add3A_306, %add3A_307 : i32
          %dma_start3A_309 = arith.constant 0 : i32
          %dma_start3A_310 = arith.constant 0 : i32
          %dma_start3A_311 = tpu.memref_slice %arg8[%rem3A_216, %dma_start3A_309, %dma_start3A_310] : memref<2x2x128xi32, #tpu.memory_space<vmem>> -> memref<1x2x128xi32, #tpu.memory_space<vmem>>
          %dma_start3A_312 = tpu.memref_squeeze %dma_start3A_311 : memref<1x2x128xi32, #tpu.memory_space<vmem>> -> memref<2x128xi32, #tpu.memory_space<vmem>>
          %dma_start3A_313 = arith.constant 0 : i32
          %dma_start3A_314 = arith.constant 0 : i32
          %dma_start3A_315 = tpu.memref_slice %arg3[%add3A_308, %dma_start3A_313, %dma_start3A_314] : memref<2592x2x128xi32, #tpu.memory_space<hbm>> -> memref<1x2x128xi32, #tpu.memory_space<hbm>>
          %dma_start3A_316 = tpu.memref_squeeze %dma_start3A_315 : memref<1x2x128xi32, #tpu.memory_space<hbm>> -> memref<2x128xi32, #tpu.memory_space<hbm>>
          %dma_start3A_317 = arith.constant 0 : i32
          %dma_start3A_318 = arith.constant 0 : i32
          %dma_start3A_319 = tpu.memref_slice %arg8[%rem3A_216, %dma_start3A_317, %dma_start3A_318] : memref<2x2x128xi32, #tpu.memory_space<vmem>> -> memref<1x2x128xi32, #tpu.memory_space<vmem>>
          %dma_start3A_320 = tpu.memref_squeeze %dma_start3A_319 : memref<1x2x128xi32, #tpu.memory_space<vmem>> -> memref<2x128xi32, #tpu.memory_space<vmem>>
          %dma_start3A_321 = arith.constant 0 : i32
          %dma_start3A_322 = arith.constant 0 : i32
          %dma_start3A_323 = tpu.memref_slice %arg3[%add3A_308, %dma_start3A_321, %dma_start3A_322] : memref<2592x2x128xi32, #tpu.memory_space<hbm>> -> memref<1x2x128xi32, #tpu.memory_space<hbm>>
          %dma_start3A_324 = tpu.memref_squeeze %dma_start3A_323 : memref<1x2x128xi32, #tpu.memory_space<hbm>> -> memref<2x128xi32, #tpu.memory_space<hbm>>
          tpu.enqueue_dma source(%dma_start3A_324 : memref<2x128xi32, #tpu.memory_space<hbm>>) target(%dma_start3A_320 : memref<2x128xi32, #tpu.memory_space<vmem>>) target_semaphore(%arg18 : memref<!tpu.dma_semaphore, #tpu.memory_space<semaphore_mem>>)
        } else {
        }
      } else {
      }
    }
    %scan3A_209 = arith.constant 27 : i32
    %barrier3A_210 = arith.constant 0 : index
    tpu.barrier barrier_id(%barrier3A_210)
    %mul3A_211 = arith.constant 625 : i32
    %mul3A_212 = arith.muli %arg1, %mul3A_211 : i32
    %mul3A_213 = arith.constant 625 : i32
    %mul3A_214 = arith.muli %arg1, %mul3A_213 : i32
    "tpu.region"() ({
      %run_scoped3A = tpu.sem_alloc : memref<!tpu.dma_semaphore, #tpu.memory_space<semaphore_mem>>
      %dma_start3A_215 = arith.constant 0 : i32
      %dma_start3A_216 = tpu.memref_slice %arg5[%arg0, %mul3A_214, %dma_start3A_215] : memref<2x10000x64xf32, #tpu.memory_space<hbm>> -> memref<1x625x64xf32, #tpu.memory_space<hbm>>
      %dma_start3A_217 = tpu.memref_squeeze %dma_start3A_216 : memref<1x625x64xf32, #tpu.memory_space<hbm>> -> memref<625x64xf32, #tpu.memory_space<hbm>>
      %dma_start3A_218 = arith.constant 0 : i32
      %dma_start3A_219 = tpu.memref_slice %arg12[%mul3A_212, %dma_start3A_218] : memref<10032x64xf32, #tpu.memory_space<vmem_shared>> -> memref<625x64xf32, #tpu.memory_space<vmem_shared>>
      tpu.enqueue_dma source(%dma_start3A_219 : memref<625x64xf32, #tpu.memory_space<vmem_shared>>) target(%dma_start3A_217 : memref<625x64xf32, #tpu.memory_space<hbm>>) target_semaphore(%run_scoped3A : memref<!tpu.dma_semaphore, #tpu.memory_space<semaphore_mem>>)
      %dma_wait3A_220 = arith.constant 0 : i32
      %dma_wait3A_221 = tpu.memref_slice %arg5[%arg0, %mul3A_214, %dma_wait3A_220] : memref<2x10000x64xf32, #tpu.memory_space<hbm>> -> memref<1x625x64xf32, #tpu.memory_space<hbm>>
      %dma_wait3A_222 = tpu.memref_squeeze %dma_wait3A_221 : memref<1x625x64xf32, #tpu.memory_space<hbm>> -> memref<625x64xf32, #tpu.memory_space<hbm>>
      %dma_wait3A_223 = arith.constant 0 : i32
      %dma_wait3A_224 = tpu.memref_slice %arg12[%mul3A_212, %dma_wait3A_223] : memref<10032x64xf32, #tpu.memory_space<vmem_shared>> -> memref<625x64xf32, #tpu.memory_space<vmem_shared>>
      tpu.wait_dma2 semaphore(%run_scoped3A : memref<!tpu.dma_semaphore, #tpu.memory_space<semaphore_mem>>) src(%dma_wait3A_224 : memref<625x64xf32, #tpu.memory_space<vmem_shared>>) dst(%dma_wait3A_222 : memref<625x64xf32, #tpu.memory_space<hbm>>)
      tpu.yield
    }) : () -> ()
    return
  }
}

module attributes {stable_mosaic.version = 14 : i64} {
  func.func @body(%arg0: memref<10000x128xf32, #tpu.memory_space<vmem>>, %arg1: memref<2x10000x128xf32, #tpu.memory_space<vmem>>, %arg2: memref<1x128xf32, #tpu.memory_space<vmem>>, %arg3: memref<128x64xf32, #tpu.memory_space<vmem>>, %arg4: memref<1x64xf32, #tpu.memory_space<vmem>>, %arg5: memref<64x64xf32, #tpu.memory_space<vmem>>, %arg6: memref<1x64xf32, #tpu.memory_space<vmem>>, %arg7: memref<1x64xf32, #tpu.memory_space<vmem>>, %arg8: memref<1x64xf32, #tpu.memory_space<vmem>>, %arg9: memref<10000x64xf32, #tpu.memory_space<vmem>>, %arg10: memref<100x64xf32, #tpu.memory_space<vmem>>) attributes {dimension_semantics = [], scalar_prefetch = 0 : i64, scratch_operands = 0 : i64, tpu.core_type = #tpu.core_type<tc>} {
    %get3A = arith.constant 0 : index
    %get3A_0 = arith.constant 0 : index
    %get3A_1 = arith.constant 0 : index
    %get3A_2 = vector.load %arg1[%get3A, %get3A_0, %get3A_1] : memref<2x10000x128xf32, #tpu.memory_space<vmem>>, vector<2x10000x128xf32>
    %get3A_3 = arith.constant 0 : index
    %get3A_4 = arith.constant 0 : index
    %get3A_5 = vector.load %arg0[%get3A_3, %get3A_4] : memref<10000x128xf32, #tpu.memory_space<vmem>>, vector<10000x128xf32>
    %slice3A = vector.extract_strided_slice %get3A_2 {offsets = [0, 0, 0], sizes = [1, 10000, 128], strides = [1, 1, 1]} : vector<2x10000x128xf32> to vector<1x10000x128xf32>
    %squeeze3A = vector.shape_cast %slice3A : vector<1x10000x128xf32> to vector<10000x128xf32>
    %add3A = arith.addf %get3A_5, %squeeze3A : vector<10000x128xf32>
    %slice3A_6 = vector.extract_strided_slice %get3A_2 {offsets = [1, 0, 0], sizes = [1, 10000, 128], strides = [1, 1, 1]} : vector<2x10000x128xf32> to vector<1x10000x128xf32>
    %squeeze3A_7 = vector.shape_cast %slice3A_6 : vector<1x10000x128xf32> to vector<10000x128xf32>
    %add3A_8 = arith.addf %add3A, %squeeze3A_7 : vector<10000x128xf32>
    %get3A_9 = arith.constant 0 : index
    %get3A_10 = arith.constant 0 : index
    %get3A_11 = vector.load %arg2[%get3A_9, %get3A_10] : memref<1x128xf32, #tpu.memory_space<vmem>>, vector<1x128xf32>
    %mul3A = vector.broadcast %get3A_11 : vector<1x128xf32> to vector<10000x128xf32>
    %mul3A_12 = arith.mulf %add3A_8, %mul3A : vector<10000x128xf32>
    %get3A_13 = arith.constant 0 : index
    %get3A_14 = arith.constant 0 : index
    %get3A_15 = vector.load %arg3[%get3A_13, %get3A_14] : memref<128x64xf32, #tpu.memory_space<vmem>>, vector<128x64xf32>
    %dot_general3A = arith.constant dense<0.000000e+00> : vector<10000x64xf32>
    %dot_general3A_16 = tpu.matmul %mul3A_12, %get3A_15, %dot_general3A {dimension_numbers = #tpu.dot_dimension_numbers<[1], [0], [0], [1], [0, 0, 1, 1], [], []>, transpose_lhs_hint = false} : vector<10000x128xf32>, vector<128x64xf32>, vector<10000x64xf32> -> vector<10000x64xf32>
    %get3A_17 = arith.constant 0 : index
    %get3A_18 = arith.constant 0 : index
    %get3A_19 = vector.load %arg4[%get3A_17, %get3A_18] : memref<1x64xf32, #tpu.memory_space<vmem>>, vector<1x64xf32>
    %add3A_20 = vector.broadcast %get3A_19 : vector<1x64xf32> to vector<10000x64xf32>
    %add3A_21 = arith.addf %dot_general3A_16, %add3A_20 : vector<10000x64xf32>
    %max3A = arith.constant 0.000000e+00 : f32
    %max3A_22 = vector.broadcast %max3A : f32 to vector<10000x64xf32>
    %max3A_23 = arith.maximumf %add3A_21, %max3A_22 : vector<10000x64xf32>
    %get3A_24 = arith.constant 0 : index
    %get3A_25 = arith.constant 0 : index
    %get3A_26 = vector.load %arg5[%get3A_24, %get3A_25] : memref<64x64xf32, #tpu.memory_space<vmem>>, vector<64x64xf32>
    %dot_general3A_27 = arith.constant dense<0.000000e+00> : vector<10000x64xf32>
    %dot_general3A_28 = tpu.matmul %max3A_23, %get3A_26, %dot_general3A_27 {dimension_numbers = #tpu.dot_dimension_numbers<[1], [0], [0], [1], [0, 0, 1, 1], [], []>, transpose_lhs_hint = false} : vector<10000x64xf32>, vector<64x64xf32>, vector<10000x64xf32> -> vector<10000x64xf32>
    %get3A_29 = arith.constant 0 : index
    %get3A_30 = arith.constant 0 : index
    %get3A_31 = vector.load %arg6[%get3A_29, %get3A_30] : memref<1x64xf32, #tpu.memory_space<vmem>>, vector<1x64xf32>
    %add3A_32 = vector.broadcast %get3A_31 : vector<1x64xf32> to vector<10000x64xf32>
    %add3A_33 = arith.addf %dot_general3A_28, %add3A_32 : vector<10000x64xf32>
    %max3A_34 = arith.constant 0.000000e+00 : f32
    %max3A_35 = vector.broadcast %max3A_34 : f32 to vector<10000x64xf32>
    %max3A_36 = arith.maximumf %add3A_33, %max3A_35 : vector<10000x64xf32>
    %reduce_sum3A = arith.constant dense<0.000000e+00> : vector<64xf32>
    %reduce_sum3A_37 = vector.multi_reduction <add>, %max3A_36, %reduce_sum3A [0] : vector<10000x64xf32> to vector<64xf32>
    %broadcast_in_dim3A = vector.shape_cast %reduce_sum3A_37 : vector<64xf32> to vector<1x64xf32>
    %div3A = arith.constant 1.000000e+04 : f32
    %div3A_38 = vector.broadcast %div3A : f32 to vector<1x64xf32>
    %div3A_39 = arith.divf %broadcast_in_dim3A, %div3A_38 : vector<1x64xf32>
    %sub3A = vector.broadcast %div3A_39 : vector<1x64xf32> to vector<10000x64xf32>
    %sub3A_40 = arith.subf %max3A_36, %sub3A : vector<10000x64xf32>
    %sub3A_41 = vector.broadcast %div3A_39 : vector<1x64xf32> to vector<10000x64xf32>
    %sub3A_42 = arith.subf %max3A_36, %sub3A_41 : vector<10000x64xf32>
    %mul3A_43 = arith.mulf %sub3A_40, %sub3A_42 : vector<10000x64xf32>
    %reduce_sum3A_44 = arith.constant dense<0.000000e+00> : vector<64xf32>
    %reduce_sum3A_45 = vector.multi_reduction <add>, %mul3A_43, %reduce_sum3A_44 [0] : vector<10000x64xf32> to vector<64xf32>
    %broadcast_in_dim3A_46 = vector.shape_cast %reduce_sum3A_45 : vector<64xf32> to vector<1x64xf32>
    %div3A_47 = arith.constant 1.000000e+04 : f32
    %div3A_48 = vector.broadcast %div3A_47 : f32 to vector<1x64xf32>
    %div3A_49 = arith.divf %broadcast_in_dim3A_46, %div3A_48 : vector<1x64xf32>
    %sub3A_50 = vector.broadcast %div3A_39 : vector<1x64xf32> to vector<10000x64xf32>
    %sub3A_51 = arith.subf %max3A_36, %sub3A_50 : vector<10000x64xf32>
    %add3A_52 = arith.constant 9.99999974E-6 : f32
    %add3A_53 = vector.broadcast %add3A_52 : f32 to vector<1x64xf32>
    %add3A_54 = arith.addf %div3A_49, %add3A_53 : vector<1x64xf32>
    %rsqrt3A = math.rsqrt %add3A_54 : vector<1x64xf32>
    %mul3A_55 = vector.broadcast %rsqrt3A : vector<1x64xf32> to vector<10000x64xf32>
    %mul3A_56 = arith.mulf %sub3A_51, %mul3A_55 : vector<10000x64xf32>
    %get3A_57 = arith.constant 0 : index
    %get3A_58 = arith.constant 0 : index
    %get3A_59 = vector.load %arg7[%get3A_57, %get3A_58] : memref<1x64xf32, #tpu.memory_space<vmem>>, vector<1x64xf32>
    %mul3A_60 = vector.broadcast %get3A_59 : vector<1x64xf32> to vector<10000x64xf32>
    %mul3A_61 = arith.mulf %mul3A_56, %mul3A_60 : vector<10000x64xf32>
    %get3A_62 = arith.constant 0 : index
    %get3A_63 = arith.constant 0 : index
    %get3A_64 = vector.load %arg8[%get3A_62, %get3A_63] : memref<1x64xf32, #tpu.memory_space<vmem>>, vector<1x64xf32>
    %add3A_65 = vector.broadcast %get3A_64 : vector<1x64xf32> to vector<10000x64xf32>
    %add3A_66 = arith.addf %mul3A_61, %add3A_65 : vector<10000x64xf32>
    %swap3A = arith.constant 0 : index
    %swap3A_67 = arith.constant 0 : index
    %swap3A_68 = vector.load %arg9[%swap3A, %swap3A_67] : memref<10000x64xf32, #tpu.memory_space<vmem>>, vector<10000x64xf32>
    tpu.vector_store %arg9[%swap3A, %swap3A_67], %add3A_66 {strides = array<i32>} : memref<10000x64xf32, #tpu.memory_space<vmem>>, vector<10000x64xf32>,
    %iota3A = tpu.iota {dimensions = array<i32: 1>} : vector<100x10000xi32>
    %jit3A = arith.constant 100 : i32
    %div3A_69 = vector.broadcast %jit3A : i32 to vector<100x10000xi32>
    %div3A_70 = arith.divsi %iota3A, %div3A_69 : vector<100x10000xi32>
    %sign3A = arith.constant 0 : i32
    %sign3A_71 = vector.broadcast %sign3A : i32 to vector<100x10000xi32>
    %sign3A_72 = arith.cmpi sgt, %iota3A, %sign3A_71 : vector<100x10000xi32>
    %sign3A_73 = arith.extui %sign3A_72 : vector<100x10000xi1> to vector<100x10000xi32>
    %sign3A_74 = arith.constant 0 : i32
    %sign3A_75 = vector.broadcast %sign3A_74 : i32 to vector<100x10000xi32>
    %sign3A_76 = arith.cmpi slt, %iota3A, %sign3A_75 : vector<100x10000xi32>
    %sign3A_77 = arith.extui %sign3A_76 : vector<100x10000xi1> to vector<100x10000xi32>
    %sign3A_78 = arith.subi %sign3A_73, %sign3A_77 : vector<100x10000xi32>
    %sign3A_79 = arith.constant 0 : i32
    %sign3A_80 = arith.cmpi sgt, %jit3A, %sign3A_79 : i32
    %sign3A_81 = arith.extui %sign3A_80 : i1 to i32
    %sign3A_82 = arith.constant 0 : i32
    %sign3A_83 = arith.cmpi slt, %jit3A, %sign3A_82 : i32
    %sign3A_84 = arith.extui %sign3A_83 : i1 to i32
    %sign3A_85 = arith.subi %sign3A_81, %sign3A_84 : i32
    %ne3A = vector.broadcast %sign3A_85 : i32 to vector<100x10000xi32>
    %ne3A_86 = arith.cmpi ne, %sign3A_78, %ne3A : vector<100x10000xi32>
    %rem3A = vector.broadcast %jit3A : i32 to vector<100x10000xi32>
    %rem3A_87 = arith.remsi %iota3A, %rem3A : vector<100x10000xi32>
    %ne3A_88 = arith.constant 0 : i32
    %ne3A_89 = vector.broadcast %ne3A_88 : i32 to vector<100x10000xi32>
    %ne3A_90 = arith.cmpi ne, %rem3A_87, %ne3A_89 : vector<100x10000xi32>
    %and3A = arith.andi %ne3A_86, %ne3A_90 : vector<100x10000xi1>
    %sub3A_91 = arith.constant 1 : i32
    %sub3A_92 = vector.broadcast %sub3A_91 : i32 to vector<100x10000xi32>
    %sub3A_93 = arith.subi %div3A_70, %sub3A_92 : vector<100x10000xi32>
    %select_n3A = arith.select %and3A, %sub3A_93, %div3A_70 : vector<100x10000xi1>, vector<100x10000xi32>
    %iota3A_94 = tpu.iota {dimensions = array<i32: 0>} : vector<100x10000xi32>
    %eq3A = arith.cmpi eq, %select_n3A, %iota3A_94 : vector<100x10000xi32>
    %jit3A_95 = arith.constant 1.000000e+00 : f32
    %jit3A_96 = arith.constant 0.000000e+00 : f32
    %broadcast_in_dim3A_97 = vector.broadcast %jit3A_95 : f32 to vector<100x10000xf32>
    %broadcast_in_dim3A_98 = vector.broadcast %jit3A_96 : f32 to vector<100x10000xf32>
    %select_n3A_99 = arith.select %eq3A, %broadcast_in_dim3A_97, %broadcast_in_dim3A_98 : vector<100x10000xi1>, vector<100x10000xf32>
    %dot_general3A_100 = arith.constant dense<0.000000e+00> : vector<100x64xf32>
    %dot_general3A_101 = tpu.matmul %select_n3A_99, %add3A_66, %dot_general3A_100 {dimension_numbers = #tpu.dot_dimension_numbers<[1], [0], [0], [1], [0, 0, 1, 1], [], []>, transpose_lhs_hint = false} : vector<100x10000xf32>, vector<10000x64xf32>, vector<100x64xf32> -> vector<100x64xf32>
    %swap3A_102 = arith.constant 0 : index
    %swap3A_103 = arith.constant 0 : index
    %swap3A_104 = vector.load %arg10[%swap3A_102, %swap3A_103] : memref<100x64xf32, #tpu.memory_space<vmem>>, vector<100x64xf32>
    tpu.vector_store %arg10[%swap3A_102, %swap3A_103], %dot_general3A_101 {strides = array<i32>} : memref<100x64xf32, #tpu.memory_space<vmem>>, vector<100x64xf32>,
    return
  }
}

module attributes {stable_mosaic.version = 14 : i64} {
  func.func @body(%arg0: memref<10000x64xf32, #tpu.memory_space<vmem>>, %arg1: memref<2x10000x64xf32, #tpu.memory_space<vmem>>, %arg2: memref<1x64xf32, #tpu.memory_space<vmem>>, %arg3: memref<64x64xf32, #tpu.memory_space<vmem>>, %arg4: memref<1x64xf32, #tpu.memory_space<vmem>>, %arg5: memref<64x64xf32, #tpu.memory_space<vmem>>, %arg6: memref<1x64xf32, #tpu.memory_space<vmem>>, %arg7: memref<1x64xf32, #tpu.memory_space<vmem>>, %arg8: memref<1x64xf32, #tpu.memory_space<vmem>>, %arg9: memref<10000x64xf32, #tpu.memory_space<vmem>>, %arg10: memref<100x64xf32, #tpu.memory_space<vmem>>) attributes {dimension_semantics = [], scalar_prefetch = 0 : i64, scratch_operands = 0 : i64, tpu.core_type = #tpu.core_type<tc>} {
    %get3A = arith.constant 0 : index
    %get3A_0 = arith.constant 0 : index
    %get3A_1 = arith.constant 0 : index
    %get3A_2 = vector.load %arg1[%get3A, %get3A_0, %get3A_1] : memref<2x10000x64xf32, #tpu.memory_space<vmem>>, vector<2x10000x64xf32>
    %get3A_3 = arith.constant 0 : index
    %get3A_4 = arith.constant 0 : index
    %get3A_5 = vector.load %arg0[%get3A_3, %get3A_4] : memref<10000x64xf32, #tpu.memory_space<vmem>>, vector<10000x64xf32>
    %slice3A = vector.extract_strided_slice %get3A_2 {offsets = [0, 0, 0], sizes = [1, 10000, 64], strides = [1, 1, 1]} : vector<2x10000x64xf32> to vector<1x10000x64xf32>
    %squeeze3A = vector.shape_cast %slice3A : vector<1x10000x64xf32> to vector<10000x64xf32>
    %add3A = arith.addf %get3A_5, %squeeze3A : vector<10000x64xf32>
    %slice3A_6 = vector.extract_strided_slice %get3A_2 {offsets = [1, 0, 0], sizes = [1, 10000, 64], strides = [1, 1, 1]} : vector<2x10000x64xf32> to vector<1x10000x64xf32>
    %squeeze3A_7 = vector.shape_cast %slice3A_6 : vector<1x10000x64xf32> to vector<10000x64xf32>
    %add3A_8 = arith.addf %add3A, %squeeze3A_7 : vector<10000x64xf32>
    %get3A_9 = arith.constant 0 : index
    %get3A_10 = arith.constant 0 : index
    %get3A_11 = vector.load %arg3[%get3A_9, %get3A_10] : memref<64x64xf32, #tpu.memory_space<vmem>>, vector<64x64xf32>
    %dot_general3A = arith.constant dense<0.000000e+00> : vector<10000x64xf32>
    %dot_general3A_12 = tpu.matmul %add3A_8, %get3A_11, %dot_general3A {dimension_numbers = #tpu.dot_dimension_numbers<[1], [0], [0], [1], [0, 0, 1, 1], [], []>, transpose_lhs_hint = false} : vector<10000x64xf32>, vector<64x64xf32>, vector<10000x64xf32> -> vector<10000x64xf32>
    %get3A_13 = arith.constant 0 : index
    %get3A_14 = arith.constant 0 : index
    %get3A_15 = vector.load %arg4[%get3A_13, %get3A_14] : memref<1x64xf32, #tpu.memory_space<vmem>>, vector<1x64xf32>
    %add3A_16 = vector.broadcast %get3A_15 : vector<1x64xf32> to vector<10000x64xf32>
    %add3A_17 = arith.addf %dot_general3A_12, %add3A_16 : vector<10000x64xf32>
    %max3A = arith.constant 0.000000e+00 : f32
    %max3A_18 = vector.broadcast %max3A : f32 to vector<10000x64xf32>
    %max3A_19 = arith.maximumf %add3A_17, %max3A_18 : vector<10000x64xf32>
    %get3A_20 = arith.constant 0 : index
    %get3A_21 = arith.constant 0 : index
    %get3A_22 = vector.load %arg5[%get3A_20, %get3A_21] : memref<64x64xf32, #tpu.memory_space<vmem>>, vector<64x64xf32>
    %dot_general3A_23 = arith.constant dense<0.000000e+00> : vector<10000x64xf32>
    %dot_general3A_24 = tpu.matmul %max3A_19, %get3A_22, %dot_general3A_23 {dimension_numbers = #tpu.dot_dimension_numbers<[1], [0], [0], [1], [0, 0, 1, 1], [], []>, transpose_lhs_hint = false} : vector<10000x64xf32>, vector<64x64xf32>, vector<10000x64xf32> -> vector<10000x64xf32>
    %get3A_25 = arith.constant 0 : index
    %get3A_26 = arith.constant 0 : index
    %get3A_27 = vector.load %arg6[%get3A_25, %get3A_26] : memref<1x64xf32, #tpu.memory_space<vmem>>, vector<1x64xf32>
    %add3A_28 = vector.broadcast %get3A_27 : vector<1x64xf32> to vector<10000x64xf32>
    %add3A_29 = arith.addf %dot_general3A_24, %add3A_28 : vector<10000x64xf32>
    %max3A_30 = arith.constant 0.000000e+00 : f32
    %max3A_31 = vector.broadcast %max3A_30 : f32 to vector<10000x64xf32>
    %max3A_32 = arith.maximumf %add3A_29, %max3A_31 : vector<10000x64xf32>
    %reduce_sum3A = arith.constant dense<0.000000e+00> : vector<64xf32>
    %reduce_sum3A_33 = vector.multi_reduction <add>, %max3A_32, %reduce_sum3A [0] : vector<10000x64xf32> to vector<64xf32>
    %broadcast_in_dim3A = vector.shape_cast %reduce_sum3A_33 : vector<64xf32> to vector<1x64xf32>
    %div3A = arith.constant 1.000000e+04 : f32
    %div3A_34 = vector.broadcast %div3A : f32 to vector<1x64xf32>
    %div3A_35 = arith.divf %broadcast_in_dim3A, %div3A_34 : vector<1x64xf32>
    %sub3A = vector.broadcast %div3A_35 : vector<1x64xf32> to vector<10000x64xf32>
    %sub3A_36 = arith.subf %max3A_32, %sub3A : vector<10000x64xf32>
    %sub3A_37 = vector.broadcast %div3A_35 : vector<1x64xf32> to vector<10000x64xf32>
    %sub3A_38 = arith.subf %max3A_32, %sub3A_37 : vector<10000x64xf32>
    %mul3A = arith.mulf %sub3A_36, %sub3A_38 : vector<10000x64xf32>
    %reduce_sum3A_39 = arith.constant dense<0.000000e+00> : vector<64xf32>
    %reduce_sum3A_40 = vector.multi_reduction <add>, %mul3A, %reduce_sum3A_39 [0] : vector<10000x64xf32> to vector<64xf32>
    %broadcast_in_dim3A_41 = vector.shape_cast %reduce_sum3A_40 : vector<64xf32> to vector<1x64xf32>
    %div3A_42 = arith.constant 1.000000e+04 : f32
    %div3A_43 = vector.broadcast %div3A_42 : f32 to vector<1x64xf32>
    %div3A_44 = arith.divf %broadcast_in_dim3A_41, %div3A_43 : vector<1x64xf32>
    %sub3A_45 = vector.broadcast %div3A_35 : vector<1x64xf32> to vector<10000x64xf32>
    %sub3A_46 = arith.subf %max3A_32, %sub3A_45 : vector<10000x64xf32>
    %add3A_47 = arith.constant 9.99999974E-6 : f32
    %add3A_48 = vector.broadcast %add3A_47 : f32 to vector<1x64xf32>
    %add3A_49 = arith.addf %div3A_44, %add3A_48 : vector<1x64xf32>
    %rsqrt3A = math.rsqrt %add3A_49 : vector<1x64xf32>
    %mul3A_50 = vector.broadcast %rsqrt3A : vector<1x64xf32> to vector<10000x64xf32>
    %mul3A_51 = arith.mulf %sub3A_46, %mul3A_50 : vector<10000x64xf32>
    %get3A_52 = arith.constant 0 : index
    %get3A_53 = arith.constant 0 : index
    %get3A_54 = vector.load %arg7[%get3A_52, %get3A_53] : memref<1x64xf32, #tpu.memory_space<vmem>>, vector<1x64xf32>
    %mul3A_55 = vector.broadcast %get3A_54 : vector<1x64xf32> to vector<10000x64xf32>
    %mul3A_56 = arith.mulf %mul3A_51, %mul3A_55 : vector<10000x64xf32>
    %get3A_57 = arith.constant 0 : index
    %get3A_58 = arith.constant 0 : index
    %get3A_59 = vector.load %arg8[%get3A_57, %get3A_58] : memref<1x64xf32, #tpu.memory_space<vmem>>, vector<1x64xf32>
    %add3A_60 = vector.broadcast %get3A_59 : vector<1x64xf32> to vector<10000x64xf32>
    %add3A_61 = arith.addf %mul3A_56, %add3A_60 : vector<10000x64xf32>
    %swap3A = arith.constant 0 : index
    %swap3A_62 = arith.constant 0 : index
    %swap3A_63 = vector.load %arg9[%swap3A, %swap3A_62] : memref<10000x64xf32, #tpu.memory_space<vmem>>, vector<10000x64xf32>
    tpu.vector_store %arg9[%swap3A, %swap3A_62], %add3A_61 {strides = array<i32>} : memref<10000x64xf32, #tpu.memory_space<vmem>>, vector<10000x64xf32>,
    %iota3A = tpu.iota {dimensions = array<i32: 1>} : vector<100x10000xi32>
    %jit3A = arith.constant 100 : i32
    %div3A_64 = vector.broadcast %jit3A : i32 to vector<100x10000xi32>
    %div3A_65 = arith.divsi %iota3A, %div3A_64 : vector<100x10000xi32>
    %sign3A = arith.constant 0 : i32
    %sign3A_66 = vector.broadcast %sign3A : i32 to vector<100x10000xi32>
    %sign3A_67 = arith.cmpi sgt, %iota3A, %sign3A_66 : vector<100x10000xi32>
    %sign3A_68 = arith.extui %sign3A_67 : vector<100x10000xi1> to vector<100x10000xi32>
    %sign3A_69 = arith.constant 0 : i32
    %sign3A_70 = vector.broadcast %sign3A_69 : i32 to vector<100x10000xi32>
    %sign3A_71 = arith.cmpi slt, %iota3A, %sign3A_70 : vector<100x10000xi32>
    %sign3A_72 = arith.extui %sign3A_71 : vector<100x10000xi1> to vector<100x10000xi32>
    %sign3A_73 = arith.subi %sign3A_68, %sign3A_72 : vector<100x10000xi32>
    %sign3A_74 = arith.constant 0 : i32
    %sign3A_75 = arith.cmpi sgt, %jit3A, %sign3A_74 : i32
    %sign3A_76 = arith.extui %sign3A_75 : i1 to i32
    %sign3A_77 = arith.constant 0 : i32
    %sign3A_78 = arith.cmpi slt, %jit3A, %sign3A_77 : i32
    %sign3A_79 = arith.extui %sign3A_78 : i1 to i32
    %sign3A_80 = arith.subi %sign3A_76, %sign3A_79 : i32
    %ne3A = vector.broadcast %sign3A_80 : i32 to vector<100x10000xi32>
    %ne3A_81 = arith.cmpi ne, %sign3A_73, %ne3A : vector<100x10000xi32>
    %rem3A = vector.broadcast %jit3A : i32 to vector<100x10000xi32>
    %rem3A_82 = arith.remsi %iota3A, %rem3A : vector<100x10000xi32>
    %ne3A_83 = arith.constant 0 : i32
    %ne3A_84 = vector.broadcast %ne3A_83 : i32 to vector<100x10000xi32>
    %ne3A_85 = arith.cmpi ne, %rem3A_82, %ne3A_84 : vector<100x10000xi32>
    %and3A = arith.andi %ne3A_81, %ne3A_85 : vector<100x10000xi1>
    %sub3A_86 = arith.constant 1 : i32
    %sub3A_87 = vector.broadcast %sub3A_86 : i32 to vector<100x10000xi32>
    %sub3A_88 = arith.subi %div3A_65, %sub3A_87 : vector<100x10000xi32>
    %select_n3A = arith.select %and3A, %sub3A_88, %div3A_65 : vector<100x10000xi1>, vector<100x10000xi32>
    %iota3A_89 = tpu.iota {dimensions = array<i32: 0>} : vector<100x10000xi32>
    %eq3A = arith.cmpi eq, %select_n3A, %iota3A_89 : vector<100x10000xi32>
    %jit3A_90 = arith.constant 1.000000e+00 : f32
    %jit3A_91 = arith.constant 0.000000e+00 : f32
    %broadcast_in_dim3A_92 = vector.broadcast %jit3A_90 : f32 to vector<100x10000xf32>
    %broadcast_in_dim3A_93 = vector.broadcast %jit3A_91 : f32 to vector<100x10000xf32>
    %select_n3A_94 = arith.select %eq3A, %broadcast_in_dim3A_92, %broadcast_in_dim3A_93 : vector<100x10000xi1>, vector<100x10000xf32>
    %dot_general3A_95 = arith.constant dense<0.000000e+00> : vector<100x64xf32>
    %dot_general3A_96 = tpu.matmul %select_n3A_94, %add3A_61, %dot_general3A_95 {dimension_numbers = #tpu.dot_dimension_numbers<[1], [0], [0], [1], [0, 0, 1, 1], [], []>, transpose_lhs_hint = false} : vector<100x10000xf32>, vector<10000x64xf32>, vector<100x64xf32> -> vector<100x64xf32>
    %swap3A_97 = arith.constant 0 : index
    %swap3A_98 = arith.constant 0 : index
    %swap3A_99 = vector.load %arg10[%swap3A_97, %swap3A_98] : memref<100x64xf32, #tpu.memory_space<vmem>>, vector<100x64xf32>
    tpu.vector_store %arg10[%swap3A_97, %swap3A_98], %dot_general3A_96 {strides = array<i32>} : memref<100x64xf32, #tpu.memory_space<vmem>>, vector<100x64xf32>,
    return
  }
}

module attributes {stable_mosaic.version = 14 : i64} {
  func.func @body(%arg0: memref<10000x64xf32, #tpu.memory_space<vmem>>, %arg1: memref<2x10000x64xf32, #tpu.memory_space<vmem>>, %arg2: memref<1x64xf32, #tpu.memory_space<vmem>>, %arg3: memref<64x64xf32, #tpu.memory_space<vmem>>, %arg4: memref<1x64xf32, #tpu.memory_space<vmem>>, %arg5: memref<64x64xf32, #tpu.memory_space<vmem>>, %arg6: memref<1x64xf32, #tpu.memory_space<vmem>>, %arg7: memref<1x64xf32, #tpu.memory_space<vmem>>, %arg8: memref<1x64xf32, #tpu.memory_space<vmem>>, %arg9: memref<10000x64xf32, #tpu.memory_space<vmem>>, %arg10: memref<100x64xf32, #tpu.memory_space<vmem>>) attributes {dimension_semantics = [], scalar_prefetch = 0 : i64, scratch_operands = 0 : i64, tpu.core_type = #tpu.core_type<tc>} {
    %get3A = arith.constant 0 : index
    %get3A_0 = arith.constant 0 : index
    %get3A_1 = arith.constant 0 : index
    %get3A_2 = vector.load %arg1[%get3A, %get3A_0, %get3A_1] : memref<2x10000x64xf32, #tpu.memory_space<vmem>>, vector<2x10000x64xf32>
    %get3A_3 = arith.constant 0 : index
    %get3A_4 = arith.constant 0 : index
    %get3A_5 = vector.load %arg0[%get3A_3, %get3A_4] : memref<10000x64xf32, #tpu.memory_space<vmem>>, vector<10000x64xf32>
    %slice3A = vector.extract_strided_slice %get3A_2 {offsets = [0, 0, 0], sizes = [1, 10000, 64], strides = [1, 1, 1]} : vector<2x10000x64xf32> to vector<1x10000x64xf32>
    %squeeze3A = vector.shape_cast %slice3A : vector<1x10000x64xf32> to vector<10000x64xf32>
    %add3A = arith.addf %get3A_5, %squeeze3A : vector<10000x64xf32>
    %slice3A_6 = vector.extract_strided_slice %get3A_2 {offsets = [1, 0, 0], sizes = [1, 10000, 64], strides = [1, 1, 1]} : vector<2x10000x64xf32> to vector<1x10000x64xf32>
    %squeeze3A_7 = vector.shape_cast %slice3A_6 : vector<1x10000x64xf32> to vector<10000x64xf32>
    %add3A_8 = arith.addf %add3A, %squeeze3A_7 : vector<10000x64xf32>
    %get3A_9 = arith.constant 0 : index
    %get3A_10 = arith.constant 0 : index
    %get3A_11 = vector.load %arg3[%get3A_9, %get3A_10] : memref<64x64xf32, #tpu.memory_space<vmem>>, vector<64x64xf32>
    %dot_general3A = arith.constant dense<0.000000e+00> : vector<10000x64xf32>
    %dot_general3A_12 = tpu.matmul %add3A_8, %get3A_11, %dot_general3A {dimension_numbers = #tpu.dot_dimension_numbers<[1], [0], [0], [1], [0, 0, 1, 1], [], []>, transpose_lhs_hint = false} : vector<10000x64xf32>, vector<64x64xf32>, vector<10000x64xf32> -> vector<10000x64xf32>
    %get3A_13 = arith.constant 0 : index
    %get3A_14 = arith.constant 0 : index
    %get3A_15 = vector.load %arg4[%get3A_13, %get3A_14] : memref<1x64xf32, #tpu.memory_space<vmem>>, vector<1x64xf32>
    %add3A_16 = vector.broadcast %get3A_15 : vector<1x64xf32> to vector<10000x64xf32>
    %add3A_17 = arith.addf %dot_general3A_12, %add3A_16 : vector<10000x64xf32>
    %max3A = arith.constant 0.000000e+00 : f32
    %max3A_18 = vector.broadcast %max3A : f32 to vector<10000x64xf32>
    %max3A_19 = arith.maximumf %add3A_17, %max3A_18 : vector<10000x64xf32>
    %get3A_20 = arith.constant 0 : index
    %get3A_21 = arith.constant 0 : index
    %get3A_22 = vector.load %arg5[%get3A_20, %get3A_21] : memref<64x64xf32, #tpu.memory_space<vmem>>, vector<64x64xf32>
    %dot_general3A_23 = arith.constant dense<0.000000e+00> : vector<10000x64xf32>
    %dot_general3A_24 = tpu.matmul %max3A_19, %get3A_22, %dot_general3A_23 {dimension_numbers = #tpu.dot_dimension_numbers<[1], [0], [0], [1], [0, 0, 1, 1], [], []>, transpose_lhs_hint = false} : vector<10000x64xf32>, vector<64x64xf32>, vector<10000x64xf32> -> vector<10000x64xf32>
    %get3A_25 = arith.constant 0 : index
    %get3A_26 = arith.constant 0 : index
    %get3A_27 = vector.load %arg6[%get3A_25, %get3A_26] : memref<1x64xf32, #tpu.memory_space<vmem>>, vector<1x64xf32>
    %add3A_28 = vector.broadcast %get3A_27 : vector<1x64xf32> to vector<10000x64xf32>
    %add3A_29 = arith.addf %dot_general3A_24, %add3A_28 : vector<10000x64xf32>
    %max3A_30 = arith.constant 0.000000e+00 : f32
    %max3A_31 = vector.broadcast %max3A_30 : f32 to vector<10000x64xf32>
    %max3A_32 = arith.maximumf %add3A_29, %max3A_31 : vector<10000x64xf32>
    %reduce_sum3A = arith.constant dense<0.000000e+00> : vector<64xf32>
    %reduce_sum3A_33 = vector.multi_reduction <add>, %max3A_32, %reduce_sum3A [0] : vector<10000x64xf32> to vector<64xf32>
    %broadcast_in_dim3A = vector.shape_cast %reduce_sum3A_33 : vector<64xf32> to vector<1x64xf32>
    %div3A = arith.constant 1.000000e+04 : f32
    %div3A_34 = vector.broadcast %div3A : f32 to vector<1x64xf32>
    %div3A_35 = arith.divf %broadcast_in_dim3A, %div3A_34 : vector<1x64xf32>
    %sub3A = vector.broadcast %div3A_35 : vector<1x64xf32> to vector<10000x64xf32>
    %sub3A_36 = arith.subf %max3A_32, %sub3A : vector<10000x64xf32>
    %sub3A_37 = vector.broadcast %div3A_35 : vector<1x64xf32> to vector<10000x64xf32>
    %sub3A_38 = arith.subf %max3A_32, %sub3A_37 : vector<10000x64xf32>
    %mul3A = arith.mulf %sub3A_36, %sub3A_38 : vector<10000x64xf32>
    %reduce_sum3A_39 = arith.constant dense<0.000000e+00> : vector<64xf32>
    %reduce_sum3A_40 = vector.multi_reduction <add>, %mul3A, %reduce_sum3A_39 [0] : vector<10000x64xf32> to vector<64xf32>
    %broadcast_in_dim3A_41 = vector.shape_cast %reduce_sum3A_40 : vector<64xf32> to vector<1x64xf32>
    %div3A_42 = arith.constant 1.000000e+04 : f32
    %div3A_43 = vector.broadcast %div3A_42 : f32 to vector<1x64xf32>
    %div3A_44 = arith.divf %broadcast_in_dim3A_41, %div3A_43 : vector<1x64xf32>
    %sub3A_45 = vector.broadcast %div3A_35 : vector<1x64xf32> to vector<10000x64xf32>
    %sub3A_46 = arith.subf %max3A_32, %sub3A_45 : vector<10000x64xf32>
    %add3A_47 = arith.constant 9.99999974E-6 : f32
    %add3A_48 = vector.broadcast %add3A_47 : f32 to vector<1x64xf32>
    %add3A_49 = arith.addf %div3A_44, %add3A_48 : vector<1x64xf32>
    %rsqrt3A = math.rsqrt %add3A_49 : vector<1x64xf32>
    %mul3A_50 = vector.broadcast %rsqrt3A : vector<1x64xf32> to vector<10000x64xf32>
    %mul3A_51 = arith.mulf %sub3A_46, %mul3A_50 : vector<10000x64xf32>
    %get3A_52 = arith.constant 0 : index
    %get3A_53 = arith.constant 0 : index
    %get3A_54 = vector.load %arg7[%get3A_52, %get3A_53] : memref<1x64xf32, #tpu.memory_space<vmem>>, vector<1x64xf32>
    %mul3A_55 = vector.broadcast %get3A_54 : vector<1x64xf32> to vector<10000x64xf32>
    %mul3A_56 = arith.mulf %mul3A_51, %mul3A_55 : vector<10000x64xf32>
    %get3A_57 = arith.constant 0 : index
    %get3A_58 = arith.constant 0 : index
    %get3A_59 = vector.load %arg8[%get3A_57, %get3A_58] : memref<1x64xf32, #tpu.memory_space<vmem>>, vector<1x64xf32>
    %add3A_60 = vector.broadcast %get3A_59 : vector<1x64xf32> to vector<10000x64xf32>
    %add3A_61 = arith.addf %mul3A_56, %add3A_60 : vector<10000x64xf32>
    %swap3A = arith.constant 0 : index
    %swap3A_62 = arith.constant 0 : index
    %swap3A_63 = vector.load %arg9[%swap3A, %swap3A_62] : memref<10000x64xf32, #tpu.memory_space<vmem>>, vector<10000x64xf32>
    tpu.vector_store %arg9[%swap3A, %swap3A_62], %add3A_61 {strides = array<i32>} : memref<10000x64xf32, #tpu.memory_space<vmem>>, vector<10000x64xf32>,
    %iota3A = tpu.iota {dimensions = array<i32: 1>} : vector<100x10000xi32>
    %jit3A = arith.constant 100 : i32
    %div3A_64 = vector.broadcast %jit3A : i32 to vector<100x10000xi32>
    %div3A_65 = arith.divsi %iota3A, %div3A_64 : vector<100x10000xi32>
    %sign3A = arith.constant 0 : i32
    %sign3A_66 = vector.broadcast %sign3A : i32 to vector<100x10000xi32>
    %sign3A_67 = arith.cmpi sgt, %iota3A, %sign3A_66 : vector<100x10000xi32>
    %sign3A_68 = arith.extui %sign3A_67 : vector<100x10000xi1> to vector<100x10000xi32>
    %sign3A_69 = arith.constant 0 : i32
    %sign3A_70 = vector.broadcast %sign3A_69 : i32 to vector<100x10000xi32>
    %sign3A_71 = arith.cmpi slt, %iota3A, %sign3A_70 : vector<100x10000xi32>
    %sign3A_72 = arith.extui %sign3A_71 : vector<100x10000xi1> to vector<100x10000xi32>
    %sign3A_73 = arith.subi %sign3A_68, %sign3A_72 : vector<100x10000xi32>
    %sign3A_74 = arith.constant 0 : i32
    %sign3A_75 = arith.cmpi sgt, %jit3A, %sign3A_74 : i32
    %sign3A_76 = arith.extui %sign3A_75 : i1 to i32
    %sign3A_77 = arith.constant 0 : i32
    %sign3A_78 = arith.cmpi slt, %jit3A, %sign3A_77 : i32
    %sign3A_79 = arith.extui %sign3A_78 : i1 to i32
    %sign3A_80 = arith.subi %sign3A_76, %sign3A_79 : i32
    %ne3A = vector.broadcast %sign3A_80 : i32 to vector<100x10000xi32>
    %ne3A_81 = arith.cmpi ne, %sign3A_73, %ne3A : vector<100x10000xi32>
    %rem3A = vector.broadcast %jit3A : i32 to vector<100x10000xi32>
    %rem3A_82 = arith.remsi %iota3A, %rem3A : vector<100x10000xi32>
    %ne3A_83 = arith.constant 0 : i32
    %ne3A_84 = vector.broadcast %ne3A_83 : i32 to vector<100x10000xi32>
    %ne3A_85 = arith.cmpi ne, %rem3A_82, %ne3A_84 : vector<100x10000xi32>
    %and3A = arith.andi %ne3A_81, %ne3A_85 : vector<100x10000xi1>
    %sub3A_86 = arith.constant 1 : i32
    %sub3A_87 = vector.broadcast %sub3A_86 : i32 to vector<100x10000xi32>
    %sub3A_88 = arith.subi %div3A_65, %sub3A_87 : vector<100x10000xi32>
    %select_n3A = arith.select %and3A, %sub3A_88, %div3A_65 : vector<100x10000xi1>, vector<100x10000xi32>
    %iota3A_89 = tpu.iota {dimensions = array<i32: 0>} : vector<100x10000xi32>
    %eq3A = arith.cmpi eq, %select_n3A, %iota3A_89 : vector<100x10000xi32>
    %jit3A_90 = arith.constant 1.000000e+00 : f32
    %jit3A_91 = arith.constant 0.000000e+00 : f32
    %broadcast_in_dim3A_92 = vector.broadcast %jit3A_90 : f32 to vector<100x10000xf32>
    %broadcast_in_dim3A_93 = vector.broadcast %jit3A_91 : f32 to vector<100x10000xf32>
    %select_n3A_94 = arith.select %eq3A, %broadcast_in_dim3A_92, %broadcast_in_dim3A_93 : vector<100x10000xi1>, vector<100x10000xf32>
    %dot_general3A_95 = arith.constant dense<0.000000e+00> : vector<100x64xf32>
    %dot_general3A_96 = tpu.matmul %select_n3A_94, %add3A_61, %dot_general3A_95 {dimension_numbers = #tpu.dot_dimension_numbers<[1], [0], [0], [1], [0, 0, 1, 1], [], []>, transpose_lhs_hint = false} : vector<100x10000xf32>, vector<10000x64xf32>, vector<100x64xf32> -> vector<100x64xf32>
    %swap3A_97 = arith.constant 0 : index
    %swap3A_98 = arith.constant 0 : index
    %swap3A_99 = vector.load %arg10[%swap3A_97, %swap3A_98] : memref<100x64xf32, #tpu.memory_space<vmem>>, vector<100x64xf32>
    tpu.vector_store %arg10[%swap3A_97, %swap3A_98], %dot_general3A_96 {strides = array<i32>} : memref<100x64xf32, #tpu.memory_space<vmem>>, vector<100x64xf32>,
    return
  }
}

module attributes {stable_mosaic.version = 14 : i64} {
  func.func @body(%arg0: memref<100x64xf32, #tpu.memory_space<vmem>>, %arg1: memref<100x64xf32, #tpu.memory_space<vmem>>, %arg2: memref<100x64xf32, #tpu.memory_space<vmem>>, %arg3: memref<100x192xf32, #tpu.memory_space<vmem>>, %arg4: memref<100x192xf32, #tpu.memory_space<vmem>>) attributes {dimension_semantics = [], scalar_prefetch = 0 : i64, scratch_operands = 0 : i64, tpu.core_type = #tpu.core_type<tc>} {
    %get3A = arith.constant 0 : index
    %get3A_0 = arith.constant 0 : index
    %get3A_1 = vector.load %arg0[%get3A, %get3A_0] : memref<100x64xf32, #tpu.memory_space<vmem>>, vector<100x64xf32>
    %swap3A = arith.constant 0 : index
    %swap3A_2 = arith.constant 0 : index
    %swap3A_3 = vector.load %arg3[%swap3A, %swap3A_2] : memref<100x192xf32, #tpu.memory_space<vmem>>, vector<100x64xf32>
    tpu.vector_store %arg3[%swap3A, %swap3A_2], %get3A_1 {strides = array<i32>} : memref<100x192xf32, #tpu.memory_space<vmem>>, vector<100x64xf32>,
    %get3A_4 = arith.constant 0 : index
    %get3A_5 = arith.constant 0 : index
    %get3A_6 = vector.load %arg1[%get3A_4, %get3A_5] : memref<100x64xf32, #tpu.memory_space<vmem>>, vector<100x64xf32>
    %swap3A_7 = arith.constant 0 : index
    %swap3A_8 = arith.constant 64 : index
    %swap3A_9 = vector.load %arg3[%swap3A_7, %swap3A_8] : memref<100x192xf32, #tpu.memory_space<vmem>>, vector<100x64xf32>
    tpu.vector_store %arg3[%swap3A_7, %swap3A_8], %get3A_6 {strides = array<i32>} : memref<100x192xf32, #tpu.memory_space<vmem>>, vector<100x64xf32>,
    %get3A_10 = arith.constant 0 : index
    %get3A_11 = arith.constant 0 : index
    %get3A_12 = vector.load %arg2[%get3A_10, %get3A_11] : memref<100x64xf32, #tpu.memory_space<vmem>>, vector<100x64xf32>
    %swap3A_13 = arith.constant 0 : index
    %swap3A_14 = arith.constant 128 : index
    %swap3A_15 = vector.load %arg3[%swap3A_13, %swap3A_14] : memref<100x192xf32, #tpu.memory_space<vmem>>, vector<100x64xf32>
    tpu.vector_store %arg3[%swap3A_13, %swap3A_14], %get3A_12 {strides = array<i32>} : memref<100x192xf32, #tpu.memory_space<vmem>>, vector<100x64xf32>,
    %get3A_16 = arith.constant 0 : index
    %get3A_17 = arith.constant 0 : index
    %get3A_18 = vector.load %arg0[%get3A_16, %get3A_17] : memref<100x64xf32, #tpu.memory_space<vmem>>, vector<100x64xf32>
    %mul3A = arith.constant 0.00999999977 : f32
    %mul3A_19 = vector.broadcast %mul3A : f32 to vector<100x64xf32>
    %mul3A_20 = arith.mulf %get3A_18, %mul3A_19 : vector<100x64xf32>
    %swap3A_21 = arith.constant 0 : index
    %swap3A_22 = arith.constant 0 : index
    %swap3A_23 = vector.load %arg4[%swap3A_21, %swap3A_22] : memref<100x192xf32, #tpu.memory_space<vmem>>, vector<100x64xf32>
    tpu.vector_store %arg4[%swap3A_21, %swap3A_22], %mul3A_20 {strides = array<i32>} : memref<100x192xf32, #tpu.memory_space<vmem>>, vector<100x64xf32>,
    %get3A_24 = arith.constant 0 : index
    %get3A_25 = arith.constant 0 : index
    %get3A_26 = vector.load %arg1[%get3A_24, %get3A_25] : memref<100x64xf32, #tpu.memory_space<vmem>>, vector<100x64xf32>
    %mul3A_27 = arith.constant 0.00999999977 : f32
    %mul3A_28 = vector.broadcast %mul3A_27 : f32 to vector<100x64xf32>
    %mul3A_29 = arith.mulf %get3A_26, %mul3A_28 : vector<100x64xf32>
    %swap3A_30 = arith.constant 0 : index
    %swap3A_31 = arith.constant 64 : index
    %swap3A_32 = vector.load %arg4[%swap3A_30, %swap3A_31] : memref<100x192xf32, #tpu.memory_space<vmem>>, vector<100x64xf32>
    tpu.vector_store %arg4[%swap3A_30, %swap3A_31], %mul3A_29 {strides = array<i32>} : memref<100x192xf32, #tpu.memory_space<vmem>>, vector<100x64xf32>,
    %get3A_33 = arith.constant 0 : index
    %get3A_34 = arith.constant 0 : index
    %get3A_35 = vector.load %arg2[%get3A_33, %get3A_34] : memref<100x64xf32, #tpu.memory_space<vmem>>, vector<100x64xf32>
    %mul3A_36 = arith.constant 0.00999999977 : f32
    %mul3A_37 = vector.broadcast %mul3A_36 : f32 to vector<100x64xf32>
    %mul3A_38 = arith.mulf %get3A_35, %mul3A_37 : vector<100x64xf32>
    %swap3A_39 = arith.constant 0 : index
    %swap3A_40 = arith.constant 128 : index
    %swap3A_41 = vector.load %arg4[%swap3A_39, %swap3A_40] : memref<100x192xf32, #tpu.memory_space<vmem>>, vector<100x64xf32>
    tpu.vector_store %arg4[%swap3A_39, %swap3A_40], %mul3A_38 {strides = array<i32>} : memref<100x192xf32, #tpu.memory_space<vmem>>, vector<100x64xf32>,
    return
  }
}

</mosaic_0001>

<sc_bundles>
// kernel: kernel.12.cloned.1.call-start
scs
__scs_entry_jumppad:
0x0: {  	(pc) =	sbr.rel $0x88, $3  }
0x1: {  	(tag) =	ssettag $0x0;
	lr =	simm.s32 $0x1  }
0x2: {  	[smem:$0x3F8C] =	sst lr;
	_ =	strace $0xD0000000  }
0x3: {  	_ = 	snop  }
0x4: {  	_ = 	snop  }
0x5: {  	_ = 	snop  }
0x6: {  	_ = 	snop  }
0x7: {  	_ = 	snop  }
__scs_overlays_trampoline_lowered:
0x8: {  	[smem:$0x3F9B] =	sst s0  }
0x9: {  	[smem:$0x3F9C] =	sst s1  }
0xa: {  	[smem:$0x3F9D] =	sst s2  }
0xb: {  	[smem:$0x3F9E] =	sst s3  }
0xc: {  	[smem:$0x3F9F] =	sst s4  }
0xd: {  	[smem:$0x3FA0] =	sst s5  }
0xe: {  	[smem:$0x3FA1] =	sst s6  }
0xf: {  	[smem:$0x3FA2] =	sst s7  }
0x10: {  	[smem:$0x3FA3] =	sst s8  }
0x11: {  	[smem:$0x3FA4] =	sst s9;
	s0 =	simm.s32 @!p0 $0x0  }
0x12: {  	s1 =	sld [smem:$0x3F8A];
	s0 =	simm.s32 @p0 $0x1  }
0x13: {  	[smem:$0x3FA5] =	sst s0;
	s0 =	simm.s32 @!p1 $0x0  }
0x14: {  	s2 =	sld [smem:$0x3F89];
	s0 =	simm.s32 @p1 $0x1  }
0x15: {  	[smem:$0x3FA6] =	sst s0;
	s0 =	simm.s32 @!p2 $0x0  }
0x16: {  	s3 =	sld [smem:$0x3FDB];
	s0 =	simm.s32 @p2 $0x1  }
0x17: {  	s4 =	simm.s32 $0x1BF5;
	[smem:$0x3FA8] =	sst s0  }
0x18: {  	s0 =	sld [smem:$0x3F8B];
	_ =	swait.ge [sflag:s4], $0x0  }
0x19: {  	s7 =	sld [smem:$0x3F8C]  }
0x1a: {  	s8 =	sadd.s32 $0xFFFFE003, lr  }
0x1b: {  	s9 =	sadd.s32 $0xFFFFFEF7, lr;
	s5 =	simm.s32 $0xFFFFFFFF;
	p2 =	slt.u32 s8, $0xFFFFF086  }
0x1c: {  	p1 =	slt.u32 s9, $0xF7A;
	s5 =	simm.s32 @!p2 $0x0  }
0x1d: {  	s5 =	simm.s32 @p1 $0x1;
	p0 =	seq.s32 s7, s2  }
0x1e: {  	s7 =	smul.u32 @!p0 $0xF7A, s2;
	p2 =	seq.s32 @!p0 s5, $0x0  }
0x1f: {  	s9 =	smul.u32 $0xF7A, s1;
	s8 =	simm.s32 @!p0 $0x1BF5;
	p2 =	por !p2, p0  }
0x20: {  	[sflag:s8] =	ssyncset.s32 @!p0 $0xFFFFF086;
	s6 =	sadd.s32 @!p0 s3, s7;
	s7 =	simm.s32 @!p0 $0x108  }
0x21: {  	s3 =	sadd.s32 s3, s9;
	s6 =	sadd.s32 @!p0 $0x88, s6;
	s7 =	simm.s32 @p2 $0x1082  }
0x22: {  	[simem:s7], [sflag:s8] =	dma.local @!p0 [hbm:s6], $0xF7A  }
0x23: {  	s9 =	sor.u32 $0xD0000000, s2;
	s6 =	simm.s32 $0x108;
	_ =	swait.ge @!p0 [sflag:s8], $0x0  }
0x24: {  	s3 =	sadd.s32 $0x88, s3;
	s6 =	simm.s32 @!p1 $0x1082;
	[sflag:s4] =	ssyncset.s32 $0xFFFFF086  }
0x25: {  	[simem:s6], [sflag:s4] =	dma.local [hbm:s3], $0xF7A  }
0x26: {  	[smem:$0x3F8C] =	sst s1;
	(tag) =	ssettag s2;
	_ =	strace s9  }
0x27: {  	s1 =	sld [smem:$0x3F9C]  }
0x28: {  	s2 =	sld [smem:$0x3F9D]  }
0x29: {  	s4 =	sld [smem:$0x3F9F]  }
0x2a: {  	p0 =	seq.s32 s5, $0x0;
	s5 =	sld [smem:$0x3FA0]  }
0x2b: {  	s6 =	sld [smem:$0x3FA1]  }
0x2c: {  	s7 =	sld [smem:$0x3FA2]  }
0x2d: {  	s3 =	simm.s32 $0x108;
	s8 =	sld [smem:$0x3FA3]  }
0x2e: {  	s3 =	simm.s32 @!p0 $0x1082;
	s9 =	sld [smem:$0x3FA4]  }
0x2f: {  	lr =	sadd.s32 s0, s3;
	s0 =	sld [smem:$0x3F9B]  }
0x30: {  	s3 =	sld [smem:$0x3F9E]  }
0x31: {  	[smem:$0x3FA7] =	sst s10  }
0x32: {  	s10 =	sld [smem:$0x3FA5];
	_ =	sdelay $0x3  }
0x33: {  	p0 =	seq.s32 s10, $0x1;
	s10 =	sld [smem:$0x3FA7];
	_ =	sdelay $0x3  }
0x34: {  	[smem:$0x3FA7] =	sst s10  }
0x35: {  	s10 =	sld [smem:$0x3FA6];
	_ =	sdelay $0x3  }
0x36: {  	p1 =	seq.s32 s10, $0x1;
	s10 =	sld [smem:$0x3FA7];
	_ =	sdelay $0x3  }
0x37: {  	[smem:$0x3FA7] =	sst s10  }
0x38: {  	s10 =	sld [smem:$0x3FA8]  }
0x39: {  	_ = 	snop;
	(pc) =	sbr.ind lr, $3  }
0x3a: {  	_ = 	snop  }
0x3b: {  	_ = 	snop  }
0x3c: {  	p2 =	seq.s32 s10, $0x1;
	s10 =	sld [smem:$0x3FA7]  }
0x3d: {  	_ =	shalt  }
0x3e: {  	_ =	shalt  }
0x3f: {  	_ =	shalt  }
0x40: {  	_ =	shalt  }
0x41: {  	_ =	shalt  }
0x42: {  	_ =	shalt  }
0x43: {  	_ =	shalt  }
0x44: {  	_ =	shalt  }
0x45: {  	_ =	shalt  }
0x46: {  	_ =	shalt  }
0x47: {  	_ =	shalt  }
0x48: {  	_ =	shalt  }
0x49: {  	_ =	shalt  }
0x4a: {  	_ =	shalt  }
0x4b: {  	_ =	shalt  }
0x4c: {  	_ =	shalt  }
0x4d: {  	_ =	shalt  }
0x4e: {  	_ =	shalt  }
0x4f: {  	_ =	shalt  }
0x50: {  	_ =	shalt  }
0x51: {  	_ =	shalt  }
0x52: {  	_ =	shalt  }
0x53: {  	_ =	shalt  }
0x54: {  	_ =	shalt  }
0x55: {  	_ =	shalt  }
0x56: {  	_ =	shalt  }
0x57: {  	_ =	shalt  }
0x58: {  	_ =	shalt  }
0x59: {  	_ =	shalt  }
0x5a: {  	_ =	shalt  }
0x5b: {  	_ =	shalt  }
0x5c: {  	_ =	shalt  }
0x5d: {  	_ =	shalt  }
0x5e: {  	_ =	shalt  }
0x5f: {  	_ =	shalt  }
0x60: {  	_ =	shalt  }
0x61: {  	_ =	shalt  }
0x62: {  	_ =	shalt  }
0x63: {  	_ =	shalt  }
0x64: {  	_ =	shalt  }
0x65: {  	_ =	shalt  }
0x66: {  	_ =	shalt  }
0x67: {  	_ =	shalt  }
0x68: {  	_ =	shalt  }
0x69: {  	_ =	shalt  }
0x6a: {  	_ =	shalt  }
0x6b: {  	_ =	shalt  }
0x6c: {  	_ =	shalt  }
0x6d: {  	_ =	shalt  }
0x6e: {  	_ =	shalt  }
0x6f: {  	_ =	shalt  }
0x70: {  	_ =	shalt  }
0x71: {  	_ =	shalt  }
0x72: {  	_ =	shalt  }
0x73: {  	_ =	shalt  }
0x74: {  	_ =	shalt  }
0x75: {  	_ =	shalt  }
0x76: {  	_ =	shalt  }
0x77: {  	_ =	shalt  }
0x78: {  	_ =	shalt  }
0x79: {  	_ =	shalt  }
0x7a: {  	_ =	shalt  }
0x7b: {  	_ =	shalt  }
0x7c: {  	_ =	shalt  }
0x7d: {  	_ =	shalt  }
0x7e: {  	_ =	shalt  }
0x7f: {  	_ =	shalt  }
0x80: {  	_ =	shalt  }
0x81: {  	_ =	shalt  }
0x82: {  	_ =	shalt  }
0x83: {  	_ =	shalt  }
0x84: {  	_ =	shalt  }
0x85: {  	_ =	shalt  }
0x86: {  	_ =	shalt  }
0x87: {  	_ =	shalt  }
.Lfunc_end0:
.L_simem_size_0:
called_computation.1_lowered:
.L_overlay_start_0:
0x88: {  	s2 =	sld [smem:$0x3FD9]  }
0x89: {  	s3 =	sld [smem:$0x3FFE];
	_ =	sdelay $0x1  }
0x8a: {  	s1 =	srdreg.scid  }
0x8b: {  	s0 =	sand.u32 $0x1, s1  }
0x8c: {  	s16 =	sshll.u32 s0, $0xA;
	s2 =	sadd.s32 s3, s2  }
0x8d: {  	s2 =	sadd.s32 s2, s16  }
0x8e: {  	[smem:$0x3FB3] =	sst s2  }
0x8f: {  	_ = 	snop  }
0x90: {  	(tm) =	ssettm $0x1  }
0x91: {  	s17 =	sld [smem:$0x3FFB];
	_ =	sdelay $0x3  }
0x92: {  	_ =	strace s17  }
0x93: {  	s2 =	sld [smem:$0x3FFC];
	_ =	sdelay $0x3  }
0x94: {  	_ =	strace s2  }
0x95: {  	s2 =	sld [smem:$0x3FFD];
	_ =	sdelay $0x3  }
0x96: {  	_ =	strace s2  }
0x97: {  	_ =	strace $0x8FFFFFFF  }
0x98: {  	s18 =	sld [smem:$0x3FDB];
	_ =	sdelay $0x1  }
0x99: {  	s19 =	simm.s32 $_scs_section_size  }
0x9a: {  	s4 =	simm.s32 $_size__tile_overlayer_lowered;
	s5 =	simm.s32 $_tile_overlayer_lowered  }
0x9b: {  	s22 =	simm.s32 $0x1BFF;
	s21 =	sshll.u32 s5, $0x1;
	s2 =	sadd.s32 s19, s18  }
0x9c: {  	s6 =	simm.s32 $0x0;
	s20 =	sshll.u32 s4, $0x1;
	s4 =	sadd.s32 s21, s2  }
0x9d: {  	[timem:s6], [sflag:s22] =	dma.local [hbm:s4], s20  }
0x9e: {  	_ =	swait.ge [sflag:s22], s20  }
0x9f: {  	s3 =	ssub.s32 $0x0, s20;
	[sflag:s22] =	ssyncset.done $0x0  }
0xa0: {  	[sflag:s22] =	ssyncadd.s32 s3;
	_ =	sdelay $0x1  }
0xa1: {  	s23 =	simm.s32 $0x1B8B  }
0xa2: {  	_ =	swait.ge [sflag:s23], $0x1  }
0xa3: {  	[sflag:s23] =	ssyncset.done $0x0  }
0xa4: {  	s25 =	simm.s32 $0x1B8E;
	s24 =	sld [smem:$0x3FFE];
	[sflag:s23] =	ssyncadd.s32 $0xFFFFFFFF  }
0xa5: {  	s26 =	simm.s32 $execute0_lowered;
	[smem:$0x3FD2] =	sst s25  }
0xa6: {  	s4 =	sshll.u32 s26, $0x1;
	_ =	strace $0x80000049;
	[dreg:$0x1] =	wrdreg $0xFFFFFFFF  }
0xa7: {  	s28 =	simm.s32 $_size_execute0_lowered;
	s2 =	sadd.s32 s2, s4;
	[dreg:$0x0] =	wrdreg $0x0  }
0xa8: {  	s4 =	sshll.u32 s28, $0x1;
	[dreg:$0x2] =	wrdreg s2  }
0xa9: {  	[dreg:$0x3] =	wrdreg s4  }
0xaa: {  	[dreg:$0x4] =	wrdreg $0xC0  }
0xab: {  	_ =	task [dreg:s6], $0x5FFFF  }
0xac: {  	[dreg:$0x1] =	wrdreg $0xFFFFFFFF  }
0xad: {  	[dreg:$0x0] =	wrdreg $0x60  }
0xae: {  	[dreg:$0x2] =	wrdreg s24  }
0xaf: {  	[dreg:$0x3] =	wrdreg $0x66000  }
0xb0: {  	[dreg:$0x4] =	wrdreg $0x9  }
0xb1: {  	_ =	task.clear_ibuf [dreg:s6], $0x5FFFF;
	_ =	strace $0x90000049  }
0xb2: {  	s29 =	simm.s32 $0x9;
	_ =	strace $0x8000004B  }
0xb3: {  	_ =	swait.ge [sflag:s29], $0x1  }
0xb4: {  	[sflag:s29] =	ssyncadd.s32 $0xFFFFFFFF  }
0xb5: {  	_ =	strace $0x9000004B  }
0xb6: {  	_ =	sfence  }
0xb7: {  	s30 =	sld [smem:$0x0];
	_ =	sdelay $0x2  }
0xb8: {  	s31 =	sshll.u32 s1, $0xD;
	s1 =	sshrl.u32 s1, $0x2  }
0xb9: {  	s3 =	sand.u32 $0x4000, s31;
	s1 =	sadd.s32 s1, s30  }
0xba: {  	s0 =	sor.u32 s3, s0;
	s1 =	sshll.u32 s1, $0x11  }
0xbb: {  	s0 =	sor.u32 s1, s0  }
0xbc: {  	s0 =	sadd.s32 $0x8F2B, s0  }
0xbd: {  	[sflag:s0] =	ssyncadd.remote.s32 $0x1  }
0xbe: {  	_ =	sfence.sel $0xFFFF  }
0xbf: {  	[dreg:$0x0] =	wrdreg $0xFFFFFFFF;
	(pc) =	sbr.abs _section_cstart, $3  }
0xc0: {  	[dreg:$0x1] =	wrdreg $0xFFFFFFFF  }
0xc1: {  	_ =	task.clear_ibuf [dreg:s6], $0x2FFFF;
	_ =	strace $0x9FFFFFFF  }
0xc2: {  	(tm) =	ssettm $0x7FFFFFFF  }
0xc3: {  	_ =	shalt  }
tec
execute0_lowered:
.L_overlay_start_1:
0x0: {  	(tag) =	ssettag $0x1  }
0x1: {  	s0 =	rddreg [dreg:$0x0]  }
0x2: {  	s2 =	rddreg [dreg:$0x1]  }
0x3: {  	s12 =	stileid.u32;
	s1 =	srdreg.scid  }
0x4: {  	s3 =	simm.s32 $0x0;
	s28 =	simm.s32 $0x4600;
	s5 =	smul.u32 $0x9CC0, s12  }
0x5: {  	s30 =	simm.s32 $0x7;
	s31 =	simm.s32 $0x1;
	s13 =	smul.u32 $0x9C40, s12  }
0x6: {  	s1 =	sand.u32 $0x1, s1;
	[smem:$0x7FF] =	sst s3;
	s16 =	smul.u32 $0xA20, s12  }
0x7: {  	s4 =	sadd.s32 $0x18200, s0;
	s14 =	sadd.s32 $0x3E00, s0;
	s6 =	smul.u32 $0x9C400, s1  }
0x8: {  	_ =	strace $0x8000004A;
	s7 =	sshll.u32 s1, $0x4;
	s17 =	ssub.s32 $0x2, s1  }
0x9: {  	s1 =	smul.u32 $0xA200, s1;
	s7 =	sor.u32 s12, s7;
	s8 =	sshrl.u32 s5, $0x3  }
0xa: {  	s10 =	sshrl.u32 s17, $0x1;
	s5 =	sadd.s32 s5, s2;
	s29 =	sadd.s32 s13, s2  }
0xb: {  	s6 =	sadd.s32 s13, s6;
	s9 =	smul.u32 $0x5100, s7;
	s11 =	sadd.s32 s8, s0  }
0xc: {  	s7 =	smul.u32 $0xA20, s7;
	s15 =	ssub.s32 s17, s10;
	s26 =	sadd.s32 s1, s14  }
0xd: {  	s17 =	simm.s32 $0x4;
	s1 =	simm.s32 $0x0;
	s6 =	sshrl.u32 s6, $0x3  }
0xe: {  	s25 =	sadd.s32 $0x2BC00, s11;
	s13 =	smax.u32 s15, $0x1;
	s15 =	simm.s32 $0x200  }
0xf: {  	s9 =	sshrl.u32 s9, $0x3;
	s0 =	sadd.s32 s6, s0;
	s19 =	sadd.s32 s14, s7  }
0x10: {  	[dreg:$0x9] =	wrdreg s25;
	s25 =	sshrl.u32 s29, $0x3;
	s18 =	sadd.s32 s14, s9  }
0x11: {  	[dreg:$0x3] =	wrdreg s19;
	s0 =	sadd.s32 $0x3F600, s0;
	s14 =	sadd.s32 s16, s26  }
0x12: {  	s16 =	simm.s32 $0x400;
	s20 =	sadd.s32 $0x20, s18;
	[dreg:$0xa] =	wrdreg s0  }
0x13: {  	s19 =	simm.s32 $0x600;
	s21 =	sadd.s32 $0x40, s18;
	[dreg:$0x4] =	wrdreg s20  }
0x14: {  	s26 =	simm.s32 $0x6;
	s22 =	sadd.s32 $0x60, s18;
	[dreg:$0x5] =	wrdreg s21  }
0x15: {  	s23 =	sadd.s32 $0x80, s18;
	s24 =	sadd.s32 $0xA0, s18;
	[dreg:$0x6] =	wrdreg s22  }
0x16: {  	s18 =	simm.s32 $0x80;
	s0 =	simm.s32 $0x3;
	[dreg:$0x7] =	wrdreg s23  }
0x17: {  	[dreg:$0x8] =	wrdreg s24;
	s21 =	simm.s32 $0x5;
	s24 =	sshrl.u32 s5, $0x3  }
.LBB2_1:
0x18: {  	s5 =	rddreg [dreg:$0x3]  }
0x19: {  	[tilespmem:s3], [sflag:$0x4] =	stream.linear.gather [hbm4b:s5+s3], $0x100, $0x38;
	[tilespmem:$0x102C0] =	vst v63  }
0x1a: {  	s6 =	rddreg [dreg:$0x4]  }
0x1b: {  	[tilespmem:s15], [sflag:$0x5] =	stream.linear.gather [hbm4b:s6+s3], $0x100, $0x38;
	[tilespmem:$0x102C0] =	vst v63  }
0x1c: {  	s7 =	rddreg [dreg:$0x5]  }
0x1d: {  	[tilespmem:s16], [sflag:$0x6] =	stream.linear.gather [hbm4b:s7+s3], $0x100, $0x38;
	[tilespmem:$0x102C0] =	vst v63  }
0x1e: {  	_ =	swait.ge [sflag:s17], $0x100  }
0x1f: {  	[sflag:s17] =	ssyncset.done $0x0  }
0x20: {  	[sflag:s17] =	ssyncadd.s32 $0xFFFFFF00  }
0x21: {  	[tilespmem:s19], [sflag:$0x1] =	stream.indirect.gather [hbm4b:s4+s18], $0x40, s3, s18, $0xb8;
	[tilespmem:$0x102C0] =	vst v63  }
0x22: {  	s6 =	simm.s32 $0x100;
	s8 =	rddreg [dreg:$0x6]  }
0x23: {  	[tilespmem:s6], [sflag:$0x4] =	stream.linear.gather [hbm4b:s8+s3], $0x100, $0x38;
	[tilespmem:$0x102C0] =	vst v63  }
0x24: {  	_ =	swait.ge [sflag:s21], $0x100  }
0x25: {  	[sflag:s21] =	ssyncset.done $0x0  }
0x26: {  	s9 =	simm.s32 $0x2600;
	[sflag:s21] =	ssyncadd.s32 $0xFFFFFF00  }
0x27: {  	[tilespmem:s9], [sflag:$0x2] =	stream.indirect.gather [hbm4b:s4+s18], $0x40, s15, s18, $0xb8;
	[tilespmem:$0x102C0] =	vst v63  }
0x28: {  	s11 =	simm.s32 $0x300;
	s10 =	rddreg [dreg:$0x7]  }
0x29: {  	[tilespmem:s11], [sflag:$0x5] =	stream.linear.gather [hbm4b:s10+s3], $0x100, $0x38;
	[tilespmem:$0x102C0] =	vst v63  }
0x2a: {  	_ =	swait.ge [sflag:s26], $0x100  }
0x2b: {  	[sflag:s26] =	ssyncset.done $0x0  }
0x2c: {  	s22 =	stileid.u32;
	[sflag:s26] =	ssyncadd.s32 $0xFFFFFF00  }
0x2d: {  	[tilespmem:s28], [sflag:$0x3] =	stream.indirect.gather [hbm4b:s4+s18], $0x40, s16, s18, $0xb8;
	[tilespmem:$0x102C0] =	vst v63  }
0x2e: {  	s20 =	simm.s32 $0x500;
	s5 =	sshll.u32 s22, $0x6;
	s12 =	rddreg [dreg:$0x8]  }
0x2f: {  	[tilespmem:s20], [sflag:$0x6] =	stream.linear.gather [hbm4b:s12+s3], $0x100, $0x38;
	[tilespmem:$0x102C0] =	vst v63  }
0x30: {  	s23 =	rddreg [dreg:$0x9];
	s20 =	sor.u32 $0x1C07, s5  }
0x31: {  	[spmem:s24], [sflag:s20] =	dma.local [hbm:s23], $0x1398  }
0x32: {  	_ =	swait.ge [sflag:s30], $0x1398  }
0x33: {  	[sflag:s30] =	ssyncset.done $0x0  }
0x34: {  	s29 =	simm.s32 $0x0;
	[sflag:s30] =	ssyncadd.s32 $0xFFFFEC68  }
0x35: {  	s22 =	simm.s32 $0x0;
	s23 =	simm.s32 $0x0;
	[bflag:$0x0] =	sbarrier.arrive $0xFFFF  }
.LBB2_2:
0x36: {  	_ =	swait.ge [sflag:s31], $0x2000  }
0x37: {  	s5 =	sand.u32 $0x100, s22;
	[sflag:s31] =	ssyncset.done $0x0  }
0x38: {  	s6 =	sor.u32 $0x80, s5;
	[sflag:s31] =	ssyncadd.s32 $0xFFFFE000  }
0x39: {  	[spmem:s2] =	stream.indirect.scatter.add.f32 [tilespmem:s19], [sflag:$0x7], $0x40, s6, s18, $0xb8;
	[tilespmem:$0x102C0] =	vst v63  }
0x3a: {  	_ =	swait.ge [sflag:s30], $0x2000  }
0x3b: {  	p0 =	seq.s32 s23, $0x9C0;
	[sflag:s30] =	ssyncset.done $0x0  }
0x3c: {  	s7 =	simm.s32 @p0 $0x2;
	[sflag:s30] =	ssyncadd.s32 $0xFFFFE000  }
0x3d: {  	_ =	swait.ge @p0 [sflag:s7], $0x2000  }
0x3e: {  	s8 =	simm.s32 @p0 $0x80;
	[sflag:s7] =	ssyncset.done @p0 $0x0  }
0x3f: {  	s9 =	simm.s32 @p0 $0x2600;
	[sflag:s7] =	ssyncadd.s32 @p0 $0xFFFFE000;
	s7 =	sor.u32 @p0 $0x200, s6  }
0x40: {  	[spmem:s2] =	stream.indirect.scatter.add.f32 @p0 [tilespmem:s9], [sflag:$0x7], $0x40, s7, s8, $0xb8;
	[tilespmem:$0x102C0] =	vst v63  }
0x41: {  	s7 =	simm.s32 @p0 $0x7  }
0x42: {  	_ =	swait.ge @p0 [sflag:s7], $0x2000  }
0x43: {  	[sflag:s7] =	ssyncset.done @p0 $0x0  }
0x44: {  	[sflag:s7] =	ssyncadd.s32 @p0 $0xFFFFE000;
	s7 =	simm.s32 @!p0 $0x4  }
0x45: {  	p1 =	sgt.u32 @!p0 s29, $0x18;
	_ =	swait.ge @!p0 [sflag:s7], $0x100  }
0x46: {  	p1 =	por p1, p0;
	s8 =	simm.s32 @!p0 $0x80;
	[sflag:s7] =	ssyncset.done @!p0 $0x0  }
0x47: {  	s9 =	simm.s32 @!p0 $0x600;
	[sflag:s7] =	ssyncadd.s32 @!p0 $0xFFFFFF00;
	s7 =	ssub.s32 @!p0 $0x100, s5  }
0x48: {  	[tilespmem:s9], [sflag:$0x1] =	stream.indirect.gather @!p0 [hbm4b:s4+s8], $0x40, s7, s8, $0xb8;
	[tilespmem:$0x102C0] =	vst v63  }
0x49: {  	s9 =	sadd.s32 @!p1 s23, s14  }
0x4a: {  	s11 =	simm.s32 @!p1 $0x0;
	s10 =	sadd.s32 @!p1 $0xC0, s9  }
0x4b: {  	[tilespmem:s5], [sflag:$0x4] =	stream.linear.gather @!p1 [hbm4b:s10+s11], $0x100, $0x38;
	[tilespmem:$0x102C0] =	vst v63  }
0x4c: {  	s10 =	simm.s32 @!p0 $0x2  }
0x4d: {  	_ =	swait.ge @!p0 [sflag:s10], $0x2000  }
0x4e: {  	[sflag:s10] =	ssyncset.done @!p0 $0x0  }
0x4f: {  	s12 =	simm.s32 @!p0 $0x2600;
	[sflag:s10] =	ssyncadd.s32 @!p0 $0xFFFFE000;
	s10 =	sor.u32 @!p0 $0x200, s6  }
0x50: {  	[spmem:s2] =	stream.indirect.scatter.add.f32 @!p0 [tilespmem:s12], [sflag:$0x7], $0x40, s10, s8, $0xb8;
	[tilespmem:$0x102C0] =	vst v63  }
0x51: {  	s10 =	simm.s32 @!p0 $0x7  }
0x52: {  	_ =	swait.ge @!p0 [sflag:s10], $0x2000  }
0x53: {  	[sflag:s10] =	ssyncset.done @!p0 $0x0  }
0x54: {  	[sflag:s10] =	ssyncadd.s32 @!p0 $0xFFFFE000;
	s10 =	simm.s32 @!p0 $0x5  }
0x55: {  	_ =	swait.ge @!p0 [sflag:s10], $0x100  }
0x56: {  	[sflag:s10] =	ssyncset.done @!p0 $0x0  }
0x57: {  	s7 =	sor.u32 @!p0 $0x200, s7;
	[sflag:s10] =	ssyncadd.s32 @!p0 $0xFFFFFF00  }
0x58: {  	[tilespmem:s12], [sflag:$0x2] =	stream.indirect.gather @!p0 [hbm4b:s4+s8], $0x40, s7, s8, $0xb8;
	[tilespmem:$0x102C0] =	vst v63  }
0x59: {  	s10 =	sadd.s32 @!p1 $0xE0, s9;
	s7 =	sor.u32 @!p1 $0x200, s5  }
0x5a: {  	[tilespmem:s7], [sflag:$0x5] =	stream.linear.gather @!p1 [hbm4b:s10+s11], $0x100, $0x38;
	[tilespmem:$0x102C0] =	vst v63  }
0x5b: {  	_ =	swait.ge [sflag:s0], $0x2000  }
0x5c: {  	[sflag:s0] =	ssyncset.done $0x0  }
0x5d: {  	s6 =	sor.u32 $0x400, s6;
	[sflag:s0] =	ssyncadd.s32 $0xFFFFE000  }
0x5e: {  	[spmem:s2] =	stream.indirect.scatter.add.f32 [tilespmem:s28], [sflag:$0x7], $0x40, s6, s18, $0xb8;
	[tilespmem:$0x102C0] =	vst v63  }
0x5f: {  	_ =	swait.ge [sflag:s30], $0x2000  }
0x60: {  	[sflag:s30] =	ssyncset.done $0x0  }
0x61: {  	s6 =	simm.s32 @!p0 $0x6;
	[sflag:s30] =	ssyncadd.s32 $0xFFFFE000  }
0x62: {  	_ =	swait.ge @!p0 [sflag:s6], $0x100  }
0x63: {  	[sflag:s6] =	ssyncset.done @!p0 $0x0  }
0x64: {  	s7 =	simm.s32 @!p0 $0x4600;
	[sflag:s6] =	ssyncadd.s32 @!p0 $0xFFFFFF00;
	s6 =	ssub.s32 @!p0 $0x500, s5  }
0x65: {  	[tilespmem:s7], [sflag:$0x3] =	stream.indirect.gather @!p0 [hbm4b:s4+s8], $0x40, s6, s8, $0xb8;
	[tilespmem:$0x102C0] =	vst v63  }
0x66: {  	s23 =	sadd.s32 @!p0 $0x60, s23;
	s5 =	sor.u32 @!p1 $0x400, s5;
	s6 =	sadd.s32 @!p1 $0x100, s9  }
0x67: {  	[tilespmem:s5], [sflag:$0x6] =	stream.linear.gather @!p1 [hbm4b:s6+s11], $0x100, $0x38;
	[tilespmem:$0x102C0] =	vst v63  }
0x68: {  	p1 =	sne.s32 @!p0 s23, $0xA20  }
0x69: {  	p1 =	por p0, !p1  }
.Ltmp0:
0x6a: {  	_ = 	snop;
	(pc) =	sbr.rel @!p1 .LBB2_2-.Ltmp0, $2  }
0x6b: {  	_ =	sdelay $0x2  }
0x6c: {  	s29 =	sadd.s32 @!p0 $0x1, s29;
	s22 =	sadd.s32 @!p0 $0x100, s22  }
0x6d: {  	s1 =	sadd.s32 $0x1, s1  }
0x6e: {  	[bflag:$0x0] =	sbarrier.arrive $0xFFFF;
	p0 =	sne.s32 s1, s13  }
.Ltmp1:
0x6f: {  	s5 =	rddreg [dreg:$0xa];
	(pc) =	sbr.rel @p0 .LBB2_1-.Ltmp1, $4  }
0x70: {  	[hbm:s5], [sflag:s20] =	dma.local [spmem:s25], $0x1388  }
0x71: {  	_ =	swait.ge [sflag:s30], $0x1388  }
0x72: {  	[sflag:s30] =	ssyncset.done $0x0  }
0x73: {  	[sflag:s30] =	ssyncadd.s32 $0xFFFFEC78  }
0x74: {  	_ =	sfence.sel $0x180000  }
0x75: {  	[bflag:$0x0] =	sbarrier.arrive $0xFFFF  }
0x76: {  	_ =	strace $0x9000004A  }
0x77: {  	s0 =	stileid.u32;
	[bflag:$0x2] =	sbarrier.arrive $0xFFFF  }
0x78: {  	p0 =	sne.s32 s0, $0x0;
	s0 =	rddreg [dreg:$0x2]  }
0x79: {  	s0 =	sadd.s32 @!p0 $0x100000, s0  }
0x7a: {  	[sflag:s0] =	ssyncadd.tile.s32 @!p0 $0x1;
	_ =	shalt  }
.Lfunc_end2:
_tile_overlayer_lowered:
.L_overlay_start_2:
0x7b: {  	(tag) =	ssettag $0x2  }
0x7c: {  	s0 =	rddreg [dreg:$0x0];
	s2 =	stileid.u32  }
0x7d: {  	s1 =	rddreg [dreg:$0x1];
	p0 =	sne.s32 s2, $0x0  }
0x7e: {  	s3 =	rddreg [dreg:$0x2];
	[bflag:$0x3] =	sbarrier.arrive $0xFFFF;
	s2 =	simm.s32 @!p0 $0x1C07  }
0x7f: {  	[timem:s3], [sflag:s2] =	dma.local @!p0 [hbm:s0], s1  }
0x80: {  	s0 =	simm.s32 @!p0 $0x7  }
0x81: {  	_ =	swait.ge @!p0 [sflag:s0], s1  }
0x82: {  	s1 =	ssub.s32 @!p0 $0x0, s1;
	[sflag:s0] =	ssyncset.done @!p0 $0x0  }
0x83: {  	[sflag:s0] =	ssyncadd.s32 @!p0 s1  }
0x84: {  	[bflag:$0x3] =	sbarrier.arrive $0xFFFF  }
0x85: {  	_ =	shalt  }

// kernel: kernel.15.cloned.1.call-start
scs
__scs_entry_jumppad:
0x0: {  	(pc) =	sbr.rel $0x88, $3  }
0x1: {  	(tag) =	ssettag $0x0;
	lr =	simm.s32 $0x1  }
0x2: {  	[smem:$0x3F8C] =	sst lr;
	_ =	strace $0xD0000000  }
0x3: {  	_ = 	snop  }
0x4: {  	_ = 	snop  }
0x5: {  	_ = 	snop  }
0x6: {  	_ = 	snop  }
0x7: {  	_ = 	snop  }
__scs_overlays_trampoline_lowered:
0x8: {  	[smem:$0x3F9B] =	sst s0  }
0x9: {  	[smem:$0x3F9C] =	sst s1  }
0xa: {  	[smem:$0x3F9D] =	sst s2  }
0xb: {  	[smem:$0x3F9E] =	sst s3  }
0xc: {  	[smem:$0x3F9F] =	sst s4  }
0xd: {  	[smem:$0x3FA0] =	sst s5  }
0xe: {  	[smem:$0x3FA1] =	sst s6  }
0xf: {  	[smem:$0x3FA2] =	sst s7  }
0x10: {  	[smem:$0x3FA3] =	sst s8  }
0x11: {  	[smem:$0x3FA4] =	sst s9;
	s0 =	simm.s32 @!p0 $0x0  }
0x12: {  	s1 =	sld [smem:$0x3F8A];
	s0 =	simm.s32 @p0 $0x1  }
0x13: {  	[smem:$0x3FA5] =	sst s0;
	s0 =	simm.s32 @!p1 $0x0  }
0x14: {  	s2 =	sld [smem:$0x3F89];
	s0 =	simm.s32 @p1 $0x1  }
0x15: {  	[smem:$0x3FA6] =	sst s0;
	s0 =	simm.s32 @!p2 $0x0  }
0x16: {  	s3 =	sld [smem:$0x3FDB];
	s0 =	simm.s32 @p2 $0x1  }
0x17: {  	s4 =	simm.s32 $0x1BF5;
	[smem:$0x3FA8] =	sst s0  }
0x18: {  	s0 =	sld [smem:$0x3F8B];
	_ =	swait.ge [sflag:s4], $0x0  }
0x19: {  	s7 =	sld [smem:$0x3F8C]  }
0x1a: {  	s8 =	sadd.s32 $0xFFFFE003, lr  }
0x1b: {  	s9 =	sadd.s32 $0xFFFFFEF7, lr;
	s5 =	simm.s32 $0xFFFFFFFF;
	p2 =	slt.u32 s8, $0xFFFFF086  }
0x1c: {  	p1 =	slt.u32 s9, $0xF7A;
	s5 =	simm.s32 @!p2 $0x0  }
0x1d: {  	s5 =	simm.s32 @p1 $0x1;
	p0 =	seq.s32 s7, s2  }
0x1e: {  	s7 =	smul.u32 @!p0 $0xF7A, s2;
	p2 =	seq.s32 @!p0 s5, $0x0  }
0x1f: {  	s9 =	smul.u32 $0xF7A, s1;
	s8 =	simm.s32 @!p0 $0x1BF5;
	p2 =	por !p2, p0  }
0x20: {  	[sflag:s8] =	ssyncset.s32 @!p0 $0xFFFFF086;
	s6 =	sadd.s32 @!p0 s3, s7;
	s7 =	simm.s32 @!p0 $0x108  }
0x21: {  	s3 =	sadd.s32 s3, s9;
	s6 =	sadd.s32 @!p0 $0x88, s6;
	s7 =	simm.s32 @p2 $0x1082  }
0x22: {  	[simem:s7], [sflag:s8] =	dma.local @!p0 [hbm:s6], $0xF7A  }
0x23: {  	s9 =	sor.u32 $0xD0000000, s2;
	s6 =	simm.s32 $0x108;
	_ =	swait.ge @!p0 [sflag:s8], $0x0  }
0x24: {  	s3 =	sadd.s32 $0x88, s3;
	s6 =	simm.s32 @!p1 $0x1082;
	[sflag:s4] =	ssyncset.s32 $0xFFFFF086  }
0x25: {  	[simem:s6], [sflag:s4] =	dma.local [hbm:s3], $0xF7A  }
0x26: {  	[smem:$0x3F8C] =	sst s1;
	(tag) =	ssettag s2;
	_ =	strace s9  }
0x27: {  	s1 =	sld [smem:$0x3F9C]  }
0x28: {  	s2 =	sld [smem:$0x3F9D]  }
0x29: {  	s4 =	sld [smem:$0x3F9F]  }
0x2a: {  	p0 =	seq.s32 s5, $0x0;
	s5 =	sld [smem:$0x3FA0]  }
0x2b: {  	s6 =	sld [smem:$0x3FA1]  }
0x2c: {  	s7 =	sld [smem:$0x3FA2]  }
0x2d: {  	s3 =	simm.s32 $0x108;
	s8 =	sld [smem:$0x3FA3]  }
0x2e: {  	s3 =	simm.s32 @!p0 $0x1082;
	s9 =	sld [smem:$0x3FA4]  }
0x2f: {  	lr =	sadd.s32 s0, s3;
	s0 =	sld [smem:$0x3F9B]  }
0x30: {  	s3 =	sld [smem:$0x3F9E]  }
0x31: {  	[smem:$0x3FA7] =	sst s10  }
0x32: {  	s10 =	sld [smem:$0x3FA5];
	_ =	sdelay $0x3  }
0x33: {  	p0 =	seq.s32 s10, $0x1;
	s10 =	sld [smem:$0x3FA7];
	_ =	sdelay $0x3  }
0x34: {  	[smem:$0x3FA7] =	sst s10  }
0x35: {  	s10 =	sld [smem:$0x3FA6];
	_ =	sdelay $0x3  }
0x36: {  	p1 =	seq.s32 s10, $0x1;
	s10 =	sld [smem:$0x3FA7];
	_ =	sdelay $0x3  }
0x37: {  	[smem:$0x3FA7] =	sst s10  }
0x38: {  	s10 =	sld [smem:$0x3FA8]  }
0x39: {  	_ = 	snop;
	(pc) =	sbr.ind lr, $3  }
0x3a: {  	_ = 	snop  }
0x3b: {  	_ = 	snop  }
0x3c: {  	p2 =	seq.s32 s10, $0x1;
	s10 =	sld [smem:$0x3FA7]  }
0x3d: {  	_ =	shalt  }
0x3e: {  	_ =	shalt  }
0x3f: {  	_ =	shalt  }
0x40: {  	_ =	shalt  }
0x41: {  	_ =	shalt  }
0x42: {  	_ =	shalt  }
0x43: {  	_ =	shalt  }
0x44: {  	_ =	shalt  }
0x45: {  	_ =	shalt  }
0x46: {  	_ =	shalt  }
0x47: {  	_ =	shalt  }
0x48: {  	_ =	shalt  }
0x49: {  	_ =	shalt  }
0x4a: {  	_ =	shalt  }
0x4b: {  	_ =	shalt  }
0x4c: {  	_ =	shalt  }
0x4d: {  	_ =	shalt  }
0x4e: {  	_ =	shalt  }
0x4f: {  	_ =	shalt  }
0x50: {  	_ =	shalt  }
0x51: {  	_ =	shalt  }
0x52: {  	_ =	shalt  }
0x53: {  	_ =	shalt  }
0x54: {  	_ =	shalt  }
0x55: {  	_ =	shalt  }
0x56: {  	_ =	shalt  }
0x57: {  	_ =	shalt  }
0x58: {  	_ =	shalt  }
0x59: {  	_ =	shalt  }
0x5a: {  	_ =	shalt  }
0x5b: {  	_ =	shalt  }
0x5c: {  	_ =	shalt  }
0x5d: {  	_ =	shalt  }
0x5e: {  	_ =	shalt  }
0x5f: {  	_ =	shalt  }
0x60: {  	_ =	shalt  }
0x61: {  	_ =	shalt  }
0x62: {  	_ =	shalt  }
0x63: {  	_ =	shalt  }
0x64: {  	_ =	shalt  }
0x65: {  	_ =	shalt  }
0x66: {  	_ =	shalt  }
0x67: {  	_ =	shalt  }
0x68: {  	_ =	shalt  }
0x69: {  	_ =	shalt  }
0x6a: {  	_ =	shalt  }
0x6b: {  	_ =	shalt  }
0x6c: {  	_ =	shalt  }
0x6d: {  	_ =	shalt  }
0x6e: {  	_ =	shalt  }
0x6f: {  	_ =	shalt  }
0x70: {  	_ =	shalt  }
0x71: {  	_ =	shalt  }
0x72: {  	_ =	shalt  }
0x73: {  	_ =	shalt  }
0x74: {  	_ =	shalt  }
0x75: {  	_ =	shalt  }
0x76: {  	_ =	shalt  }
0x77: {  	_ =	shalt  }
0x78: {  	_ =	shalt  }
0x79: {  	_ =	shalt  }
0x7a: {  	_ =	shalt  }
0x7b: {  	_ =	shalt  }
0x7c: {  	_ =	shalt  }
0x7d: {  	_ =	shalt  }
0x7e: {  	_ =	shalt  }
0x7f: {  	_ =	shalt  }
0x80: {  	_ =	shalt  }
0x81: {  	_ =	shalt  }
0x82: {  	_ =	shalt  }
0x83: {  	_ =	shalt  }
0x84: {  	_ =	shalt  }
0x85: {  	_ =	shalt  }
0x86: {  	_ =	shalt  }
0x87: {  	_ =	shalt  }
.Lfunc_end0:
.L_simem_size_0:
called_computation.2_lowered:
.L_overlay_start_0:
0x88: {  	s2 =	sld [smem:$0x3FD9]  }
0x89: {  	s3 =	sld [smem:$0x3FFE];
	_ =	sdelay $0x1  }
0x8a: {  	s1 =	srdreg.scid  }
0x8b: {  	s0 =	sand.u32 $0x1, s1  }
0x8c: {  	s16 =	sshll.u32 s0, $0xA;
	s2 =	sadd.s32 s3, s2  }
0x8d: {  	s2 =	sadd.s32 s2, s16  }
0x8e: {  	[smem:$0x3FB3] =	sst s2  }
0x8f: {  	_ = 	snop  }
0x90: {  	(tm) =	ssettm $0x1  }
0x91: {  	s17 =	sld [smem:$0x3FFB];
	_ =	sdelay $0x3  }
0x92: {  	_ =	strace s17  }
0x93: {  	s2 =	sld [smem:$0x3FFC];
	_ =	sdelay $0x3  }
0x94: {  	_ =	strace s2  }
0x95: {  	s2 =	sld [smem:$0x3FFD];
	_ =	sdelay $0x3  }
0x96: {  	_ =	strace s2  }
0x97: {  	_ =	strace $0x8FFFFFFF  }
0x98: {  	s18 =	sld [smem:$0x3FDB];
	_ =	sdelay $0x1  }
0x99: {  	s19 =	simm.s32 $_scs_section_size  }
0x9a: {  	s4 =	simm.s32 $_size__tile_overlayer_lowered;
	s5 =	simm.s32 $_tile_overlayer_lowered  }
0x9b: {  	s22 =	simm.s32 $0x1BFF;
	s21 =	sshll.u32 s5, $0x1;
	s2 =	sadd.s32 s19, s18  }
0x9c: {  	s6 =	simm.s32 $0x0;
	s20 =	sshll.u32 s4, $0x1;
	s4 =	sadd.s32 s21, s2  }
0x9d: {  	[timem:s6], [sflag:s22] =	dma.local [hbm:s4], s20  }
0x9e: {  	_ =	swait.ge [sflag:s22], s20  }
0x9f: {  	s3 =	ssub.s32 $0x0, s20;
	[sflag:s22] =	ssyncset.done $0x0  }
0xa0: {  	[sflag:s22] =	ssyncadd.s32 s3;
	_ =	sdelay $0x1  }
0xa1: {  	s23 =	simm.s32 $0x1B8B  }
0xa2: {  	_ =	swait.ge [sflag:s23], $0x1  }
0xa3: {  	[sflag:s23] =	ssyncset.done $0x0  }
0xa4: {  	s25 =	simm.s32 $0x1B8E;
	s24 =	sld [smem:$0x3FFE];
	[sflag:s23] =	ssyncadd.s32 $0xFFFFFFFF  }
0xa5: {  	s26 =	simm.s32 $execute0_lowered;
	[smem:$0x3FD2] =	sst s25  }
0xa6: {  	s4 =	sshll.u32 s26, $0x1;
	_ =	strace $0x8000004C;
	[dreg:$0x1] =	wrdreg $0xFFFFFFFF  }
0xa7: {  	s28 =	simm.s32 $_size_execute0_lowered;
	s2 =	sadd.s32 s2, s4;
	[dreg:$0x0] =	wrdreg $0x0  }
0xa8: {  	s4 =	sshll.u32 s28, $0x1;
	[dreg:$0x2] =	wrdreg s2  }
0xa9: {  	[dreg:$0x3] =	wrdreg s4  }
0xaa: {  	[dreg:$0x4] =	wrdreg $0xC0  }
0xab: {  	_ =	task [dreg:s6], $0x5FFFF  }
0xac: {  	[dreg:$0x1] =	wrdreg $0xFFFFFFFF  }
0xad: {  	[dreg:$0x0] =	wrdreg $0x60  }
0xae: {  	[dreg:$0x2] =	wrdreg s24  }
0xaf: {  	[dreg:$0x3] =	wrdreg $0x66000  }
0xb0: {  	[dreg:$0x4] =	wrdreg $0x9  }
0xb1: {  	_ =	task.clear_ibuf [dreg:s6], $0x5FFFF;
	_ =	strace $0x9000004C  }
0xb2: {  	s29 =	simm.s32 $0x9;
	_ =	strace $0x8000004E  }
0xb3: {  	_ =	swait.ge [sflag:s29], $0x1  }
0xb4: {  	[sflag:s29] =	ssyncadd.s32 $0xFFFFFFFF  }
0xb5: {  	_ =	strace $0x9000004E  }
0xb6: {  	_ =	sfence  }
0xb7: {  	s30 =	sld [smem:$0x0];
	_ =	sdelay $0x2  }
0xb8: {  	s31 =	sshll.u32 s1, $0xD;
	s1 =	sshrl.u32 s1, $0x2  }
0xb9: {  	s3 =	sand.u32 $0x4000, s31;
	s1 =	sadd.s32 s1, s30  }
0xba: {  	s0 =	sor.u32 s3, s0;
	s1 =	sshll.u32 s1, $0x11  }
0xbb: {  	s0 =	sor.u32 s1, s0  }
0xbc: {  	s0 =	sadd.s32 $0x8F2B, s0  }
0xbd: {  	[sflag:s0] =	ssyncadd.remote.s32 $0x1  }
0xbe: {  	_ =	sfence.sel $0xFFFF  }
0xbf: {  	[dreg:$0x0] =	wrdreg $0xFFFFFFFF;
	(pc) =	sbr.abs _section_cstart, $3  }
0xc0: {  	[dreg:$0x1] =	wrdreg $0xFFFFFFFF  }
0xc1: {  	_ =	task.clear_ibuf [dreg:s6], $0x2FFFF;
	_ =	strace $0x9FFFFFFF  }
0xc2: {  	(tm) =	ssettm $0x7FFFFFFF  }
0xc3: {  	_ =	shalt  }
tec
execute0_lowered:
.L_overlay_start_1:
0x0: {  	(tag) =	ssettag $0x1  }
0x1: {  	s0 =	rddreg [dreg:$0x0]  }
0x2: {  	s2 =	rddreg [dreg:$0x1]  }
0x3: {  	s12 =	stileid.u32;
	s1 =	srdreg.scid  }
0x4: {  	s3 =	simm.s32 $0x0;
	s28 =	simm.s32 $0x4600;
	s5 =	smul.u32 $0x9CC0, s12  }
0x5: {  	s30 =	simm.s32 $0x7;
	s31 =	simm.s32 $0x1;
	s13 =	smul.u32 $0x9C40, s12  }
0x6: {  	s1 =	sand.u32 $0x1, s1;
	[smem:$0x7FF] =	sst s3;
	s16 =	smul.u32 $0xA20, s12  }
0x7: {  	s4 =	sadd.s32 $0x18200, s0;
	s14 =	sadd.s32 $0x3E00, s0;
	s6 =	smul.u32 $0x9C400, s1  }
0x8: {  	_ =	strace $0x8000004D;
	s7 =	sshll.u32 s1, $0x4;
	s17 =	ssub.s32 $0x2, s1  }
0x9: {  	s1 =	smul.u32 $0xA200, s1;
	s7 =	sor.u32 s12, s7;
	s8 =	sshrl.u32 s5, $0x3  }
0xa: {  	s10 =	sshrl.u32 s17, $0x1;
	s5 =	sadd.s32 s5, s2;
	s29 =	sadd.s32 s13, s2  }
0xb: {  	s6 =	sadd.s32 s13, s6;
	s9 =	smul.u32 $0x5100, s7;
	s11 =	sadd.s32 s8, s0  }
0xc: {  	s7 =	smul.u32 $0xA20, s7;
	s15 =	ssub.s32 s17, s10;
	s26 =	sadd.s32 s1, s14  }
0xd: {  	s17 =	simm.s32 $0x4;
	s1 =	simm.s32 $0x0;
	s6 =	sshrl.u32 s6, $0x3  }
0xe: {  	s25 =	sadd.s32 $0x2BC00, s11;
	s13 =	smax.u32 s15, $0x1;
	s15 =	simm.s32 $0x200  }
0xf: {  	s9 =	sshrl.u32 s9, $0x3;
	s0 =	sadd.s32 s6, s0;
	s19 =	sadd.s32 s14, s7  }
0x10: {  	[dreg:$0x9] =	wrdreg s25;
	s25 =	sshrl.u32 s29, $0x3;
	s18 =	sadd.s32 s14, s9  }
0x11: {  	[dreg:$0x3] =	wrdreg s19;
	s0 =	sadd.s32 $0x3F600, s0;
	s14 =	sadd.s32 s16, s26  }
0x12: {  	s16 =	simm.s32 $0x400;
	s20 =	sadd.s32 $0x20, s18;
	[dreg:$0xa] =	wrdreg s0  }
0x13: {  	s19 =	simm.s32 $0x600;
	s21 =	sadd.s32 $0x40, s18;
	[dreg:$0x4] =	wrdreg s20  }
0x14: {  	s26 =	simm.s32 $0x6;
	s22 =	sadd.s32 $0x60, s18;
	[dreg:$0x5] =	wrdreg s21  }
0x15: {  	s23 =	sadd.s32 $0x80, s18;
	s24 =	sadd.s32 $0xA0, s18;
	[dreg:$0x6] =	wrdreg s22  }
0x16: {  	s18 =	simm.s32 $0x80;
	s0 =	simm.s32 $0x3;
	[dreg:$0x7] =	wrdreg s23  }
0x17: {  	[dreg:$0x8] =	wrdreg s24;
	s21 =	simm.s32 $0x5;
	s24 =	sshrl.u32 s5, $0x3  }
.LBB2_1:
0x18: {  	s5 =	rddreg [dreg:$0x3]  }
0x19: {  	[tilespmem:s3], [sflag:$0x4] =	stream.linear.gather [hbm4b:s5+s3], $0x100, $0x38;
	[tilespmem:$0x102C0] =	vst v63  }
0x1a: {  	s6 =	rddreg [dreg:$0x4]  }
0x1b: {  	[tilespmem:s15], [sflag:$0x5] =	stream.linear.gather [hbm4b:s6+s3], $0x100, $0x38;
	[tilespmem:$0x102C0] =	vst v63  }
0x1c: {  	s7 =	rddreg [dreg:$0x5]  }
0x1d: {  	[tilespmem:s16], [sflag:$0x6] =	stream.linear.gather [hbm4b:s7+s3], $0x100, $0x38;
	[tilespmem:$0x102C0] =	vst v63  }
0x1e: {  	_ =	swait.ge [sflag:s17], $0x100  }
0x1f: {  	[sflag:s17] =	ssyncset.done $0x0  }
0x20: {  	[sflag:s17] =	ssyncadd.s32 $0xFFFFFF00  }
0x21: {  	[tilespmem:s19], [sflag:$0x1] =	stream.indirect.gather [hbm4b:s4+s18], $0x40, s3, s18, $0xb8;
	[tilespmem:$0x102C0] =	vst v63  }
0x22: {  	s6 =	simm.s32 $0x100;
	s8 =	rddreg [dreg:$0x6]  }
0x23: {  	[tilespmem:s6], [sflag:$0x4] =	stream.linear.gather [hbm4b:s8+s3], $0x100, $0x38;
	[tilespmem:$0x102C0] =	vst v63  }
0x24: {  	_ =	swait.ge [sflag:s21], $0x100  }
0x25: {  	[sflag:s21] =	ssyncset.done $0x0  }
0x26: {  	s9 =	simm.s32 $0x2600;
	[sflag:s21] =	ssyncadd.s32 $0xFFFFFF00  }
0x27: {  	[tilespmem:s9], [sflag:$0x2] =	stream.indirect.gather [hbm4b:s4+s18], $0x40, s15, s18, $0xb8;
	[tilespmem:$0x102C0] =	vst v63  }
0x28: {  	s11 =	simm.s32 $0x300;
	s10 =	rddreg [dreg:$0x7]  }
0x29: {  	[tilespmem:s11], [sflag:$0x5] =	stream.linear.gather [hbm4b:s10+s3], $0x100, $0x38;
	[tilespmem:$0x102C0] =	vst v63  }
0x2a: {  	_ =	swait.ge [sflag:s26], $0x100  }
0x2b: {  	[sflag:s26] =	ssyncset.done $0x0  }
0x2c: {  	s22 =	stileid.u32;
	[sflag:s26] =	ssyncadd.s32 $0xFFFFFF00  }
0x2d: {  	[tilespmem:s28], [sflag:$0x3] =	stream.indirect.gather [hbm4b:s4+s18], $0x40, s16, s18, $0xb8;
	[tilespmem:$0x102C0] =	vst v63  }
0x2e: {  	s20 =	simm.s32 $0x500;
	s5 =	sshll.u32 s22, $0x6;
	s12 =	rddreg [dreg:$0x8]  }
0x2f: {  	[tilespmem:s20], [sflag:$0x6] =	stream.linear.gather [hbm4b:s12+s3], $0x100, $0x38;
	[tilespmem:$0x102C0] =	vst v63  }
0x30: {  	s23 =	rddreg [dreg:$0x9];
	s20 =	sor.u32 $0x1C07, s5  }
0x31: {  	[spmem:s24], [sflag:s20] =	dma.local [hbm:s23], $0x1398  }
0x32: {  	_ =	swait.ge [sflag:s30], $0x1398  }
0x33: {  	[sflag:s30] =	ssyncset.done $0x0  }
0x34: {  	s29 =	simm.s32 $0x0;
	[sflag:s30] =	ssyncadd.s32 $0xFFFFEC68  }
0x35: {  	s22 =	simm.s32 $0x0;
	s23 =	simm.s32 $0x0;
	[bflag:$0x0] =	sbarrier.arrive $0xFFFF  }
.LBB2_2:
0x36: {  	_ =	swait.ge [sflag:s31], $0x2000  }
0x37: {  	s5 =	sand.u32 $0x100, s22;
	[sflag:s31] =	ssyncset.done $0x0  }
0x38: {  	s6 =	sor.u32 $0x80, s5;
	[sflag:s31] =	ssyncadd.s32 $0xFFFFE000  }
0x39: {  	[spmem:s2] =	stream.indirect.scatter.add.f32 [tilespmem:s19], [sflag:$0x7], $0x40, s6, s18, $0xb8;
	[tilespmem:$0x102C0] =	vst v63  }
0x3a: {  	_ =	swait.ge [sflag:s30], $0x2000  }
0x3b: {  	p0 =	seq.s32 s23, $0x9C0;
	[sflag:s30] =	ssyncset.done $0x0  }
0x3c: {  	s7 =	simm.s32 @p0 $0x2;
	[sflag:s30] =	ssyncadd.s32 $0xFFFFE000  }
0x3d: {  	_ =	swait.ge @p0 [sflag:s7], $0x2000  }
0x3e: {  	s8 =	simm.s32 @p0 $0x80;
	[sflag:s7] =	ssyncset.done @p0 $0x0  }
0x3f: {  	s9 =	simm.s32 @p0 $0x2600;
	[sflag:s7] =	ssyncadd.s32 @p0 $0xFFFFE000;
	s7 =	sor.u32 @p0 $0x200, s6  }
0x40: {  	[spmem:s2] =	stream.indirect.scatter.add.f32 @p0 [tilespmem:s9], [sflag:$0x7], $0x40, s7, s8, $0xb8;
	[tilespmem:$0x102C0] =	vst v63  }
0x41: {  	s7 =	simm.s32 @p0 $0x7  }
0x42: {  	_ =	swait.ge @p0 [sflag:s7], $0x2000  }
0x43: {  	[sflag:s7] =	ssyncset.done @p0 $0x0  }
0x44: {  	[sflag:s7] =	ssyncadd.s32 @p0 $0xFFFFE000;
	s7 =	simm.s32 @!p0 $0x4  }
0x45: {  	p1 =	sgt.u32 @!p0 s29, $0x18;
	_ =	swait.ge @!p0 [sflag:s7], $0x100  }
0x46: {  	p1 =	por p1, p0;
	s8 =	simm.s32 @!p0 $0x80;
	[sflag:s7] =	ssyncset.done @!p0 $0x0  }
0x47: {  	s9 =	simm.s32 @!p0 $0x600;
	[sflag:s7] =	ssyncadd.s32 @!p0 $0xFFFFFF00;
	s7 =	ssub.s32 @!p0 $0x100, s5  }
0x48: {  	[tilespmem:s9], [sflag:$0x1] =	stream.indirect.gather @!p0 [hbm4b:s4+s8], $0x40, s7, s8, $0xb8;
	[tilespmem:$0x102C0] =	vst v63  }
0x49: {  	s9 =	sadd.s32 @!p1 s23, s14  }
0x4a: {  	s11 =	simm.s32 @!p1 $0x0;
	s10 =	sadd.s32 @!p1 $0xC0, s9  }
0x4b: {  	[tilespmem:s5], [sflag:$0x4] =	stream.linear.gather @!p1 [hbm4b:s10+s11], $0x100, $0x38;
	[tilespmem:$0x102C0] =	vst v63  }
0x4c: {  	s10 =	simm.s32 @!p0 $0x2  }
0x4d: {  	_ =	swait.ge @!p0 [sflag:s10], $0x2000  }
0x4e: {  	[sflag:s10] =	ssyncset.done @!p0 $0x0  }
0x4f: {  	s12 =	simm.s32 @!p0 $0x2600;
	[sflag:s10] =	ssyncadd.s32 @!p0 $0xFFFFE000;
	s10 =	sor.u32 @!p0 $0x200, s6  }
0x50: {  	[spmem:s2] =	stream.indirect.scatter.add.f32 @!p0 [tilespmem:s12], [sflag:$0x7], $0x40, s10, s8, $0xb8;
	[tilespmem:$0x102C0] =	vst v63  }
0x51: {  	s10 =	simm.s32 @!p0 $0x7  }
0x52: {  	_ =	swait.ge @!p0 [sflag:s10], $0x2000  }
0x53: {  	[sflag:s10] =	ssyncset.done @!p0 $0x0  }
0x54: {  	[sflag:s10] =	ssyncadd.s32 @!p0 $0xFFFFE000;
	s10 =	simm.s32 @!p0 $0x5  }
0x55: {  	_ =	swait.ge @!p0 [sflag:s10], $0x100  }
0x56: {  	[sflag:s10] =	ssyncset.done @!p0 $0x0  }
0x57: {  	s7 =	sor.u32 @!p0 $0x200, s7;
	[sflag:s10] =	ssyncadd.s32 @!p0 $0xFFFFFF00  }
0x58: {  	[tilespmem:s12], [sflag:$0x2] =	stream.indirect.gather @!p0 [hbm4b:s4+s8], $0x40, s7, s8, $0xb8;
	[tilespmem:$0x102C0] =	vst v63  }
0x59: {  	s10 =	sadd.s32 @!p1 $0xE0, s9;
	s7 =	sor.u32 @!p1 $0x200, s5  }
0x5a: {  	[tilespmem:s7], [sflag:$0x5] =	stream.linear.gather @!p1 [hbm4b:s10+s11], $0x100, $0x38;
	[tilespmem:$0x102C0] =	vst v63  }
0x5b: {  	_ =	swait.ge [sflag:s0], $0x2000  }
0x5c: {  	[sflag:s0] =	ssyncset.done $0x0  }
0x5d: {  	s6 =	sor.u32 $0x400, s6;
	[sflag:s0] =	ssyncadd.s32 $0xFFFFE000  }
0x5e: {  	[spmem:s2] =	stream.indirect.scatter.add.f32 [tilespmem:s28], [sflag:$0x7], $0x40, s6, s18, $0xb8;
	[tilespmem:$0x102C0] =	vst v63  }
0x5f: {  	_ =	swait.ge [sflag:s30], $0x2000  }
0x60: {  	[sflag:s30] =	ssyncset.done $0x0  }
0x61: {  	s6 =	simm.s32 @!p0 $0x6;
	[sflag:s30] =	ssyncadd.s32 $0xFFFFE000  }
0x62: {  	_ =	swait.ge @!p0 [sflag:s6], $0x100  }
0x63: {  	[sflag:s6] =	ssyncset.done @!p0 $0x0  }
0x64: {  	s7 =	simm.s32 @!p0 $0x4600;
	[sflag:s6] =	ssyncadd.s32 @!p0 $0xFFFFFF00;
	s6 =	ssub.s32 @!p0 $0x500, s5  }
0x65: {  	[tilespmem:s7], [sflag:$0x3] =	stream.indirect.gather @!p0 [hbm4b:s4+s8], $0x40, s6, s8, $0xb8;
	[tilespmem:$0x102C0] =	vst v63  }
0x66: {  	s23 =	sadd.s32 @!p0 $0x60, s23;
	s5 =	sor.u32 @!p1 $0x400, s5;
	s6 =	sadd.s32 @!p1 $0x100, s9  }
0x67: {  	[tilespmem:s5], [sflag:$0x6] =	stream.linear.gather @!p1 [hbm4b:s6+s11], $0x100, $0x38;
	[tilespmem:$0x102C0] =	vst v63  }
0x68: {  	p1 =	sne.s32 @!p0 s23, $0xA20  }
0x69: {  	p1 =	por p0, !p1  }
.Ltmp0:
0x6a: {  	_ = 	snop;
	(pc) =	sbr.rel @!p1 .LBB2_2-.Ltmp0, $2  }
0x6b: {  	_ =	sdelay $0x2  }
0x6c: {  	s29 =	sadd.s32 @!p0 $0x1, s29;
	s22 =	sadd.s32 @!p0 $0x100, s22  }
0x6d: {  	s1 =	sadd.s32 $0x1, s1  }
0x6e: {  	[bflag:$0x0] =	sbarrier.arrive $0xFFFF;
	p0 =	sne.s32 s1, s13  }
.Ltmp1:
0x6f: {  	s5 =	rddreg [dreg:$0xa];
	(pc) =	sbr.rel @p0 .LBB2_1-.Ltmp1, $4  }
0x70: {  	[hbm:s5], [sflag:s20] =	dma.local [spmem:s25], $0x1388  }
0x71: {  	_ =	swait.ge [sflag:s30], $0x1388  }
0x72: {  	[sflag:s30] =	ssyncset.done $0x0  }
0x73: {  	[sflag:s30] =	ssyncadd.s32 $0xFFFFEC78  }
0x74: {  	_ =	sfence.sel $0x180000  }
0x75: {  	[bflag:$0x0] =	sbarrier.arrive $0xFFFF  }
0x76: {  	_ =	strace $0x9000004D  }
0x77: {  	s0 =	stileid.u32;
	[bflag:$0x2] =	sbarrier.arrive $0xFFFF  }
0x78: {  	p0 =	sne.s32 s0, $0x0;
	s0 =	rddreg [dreg:$0x2]  }
0x79: {  	s0 =	sadd.s32 @!p0 $0x100000, s0  }
0x7a: {  	[sflag:s0] =	ssyncadd.tile.s32 @!p0 $0x1;
	_ =	shalt  }
.Lfunc_end2:
_tile_overlayer_lowered:
.L_overlay_start_2:
0x7b: {  	(tag) =	ssettag $0x2  }
0x7c: {  	s0 =	rddreg [dreg:$0x0];
	s2 =	stileid.u32  }
0x7d: {  	s1 =	rddreg [dreg:$0x1];
	p0 =	sne.s32 s2, $0x0  }
0x7e: {  	s3 =	rddreg [dreg:$0x2];
	[bflag:$0x3] =	sbarrier.arrive $0xFFFF;
	s2 =	simm.s32 @!p0 $0x1C07  }
0x7f: {  	[timem:s3], [sflag:s2] =	dma.local @!p0 [hbm:s0], s1  }
0x80: {  	s0 =	simm.s32 @!p0 $0x7  }
0x81: {  	_ =	swait.ge @!p0 [sflag:s0], s1  }
0x82: {  	s1 =	ssub.s32 @!p0 $0x0, s1;
	[sflag:s0] =	ssyncset.done @!p0 $0x0  }
0x83: {  	[sflag:s0] =	ssyncadd.s32 @!p0 s1  }
0x84: {  	[bflag:$0x3] =	sbarrier.arrive $0xFFFF  }
0x85: {  	_ =	shalt  }

// kernel: kernel.9.cloned.1.call-start
scs
__scs_entry_jumppad:
0x0: {  	(pc) =	sbr.rel $0x88, $3  }
0x1: {  	(tag) =	ssettag $0x0;
	lr =	simm.s32 $0x1  }
0x2: {  	[smem:$0x3F8C] =	sst lr;
	_ =	strace $0xD0000000  }
0x3: {  	_ = 	snop  }
0x4: {  	_ = 	snop  }
0x5: {  	_ = 	snop  }
0x6: {  	_ = 	snop  }
0x7: {  	_ = 	snop  }
__scs_overlays_trampoline_lowered:
0x8: {  	[smem:$0x3F9B] =	sst s0  }
0x9: {  	[smem:$0x3F9C] =	sst s1  }
0xa: {  	[smem:$0x3F9D] =	sst s2  }
0xb: {  	[smem:$0x3F9E] =	sst s3  }
0xc: {  	[smem:$0x3F9F] =	sst s4  }
0xd: {  	[smem:$0x3FA0] =	sst s5  }
0xe: {  	[smem:$0x3FA1] =	sst s6  }
0xf: {  	[smem:$0x3FA2] =	sst s7  }
0x10: {  	[smem:$0x3FA3] =	sst s8  }
0x11: {  	[smem:$0x3FA4] =	sst s9;
	s0 =	simm.s32 @!p0 $0x0  }
0x12: {  	s1 =	sld [smem:$0x3F8A];
	s0 =	simm.s32 @p0 $0x1  }
0x13: {  	[smem:$0x3FA5] =	sst s0;
	s0 =	simm.s32 @!p1 $0x0  }
0x14: {  	s2 =	sld [smem:$0x3F89];
	s0 =	simm.s32 @p1 $0x1  }
0x15: {  	[smem:$0x3FA6] =	sst s0;
	s0 =	simm.s32 @!p2 $0x0  }
0x16: {  	s3 =	sld [smem:$0x3FDB];
	s0 =	simm.s32 @p2 $0x1  }
0x17: {  	s4 =	simm.s32 $0x1BF5;
	[smem:$0x3FA8] =	sst s0  }
0x18: {  	s0 =	sld [smem:$0x3F8B];
	_ =	swait.ge [sflag:s4], $0x0  }
0x19: {  	s7 =	sld [smem:$0x3F8C]  }
0x1a: {  	s8 =	sadd.s32 $0xFFFFE003, lr  }
0x1b: {  	s9 =	sadd.s32 $0xFFFFFEF7, lr;
	s5 =	simm.s32 $0xFFFFFFFF;
	p2 =	slt.u32 s8, $0xFFFFF086  }
0x1c: {  	p1 =	slt.u32 s9, $0xF7A;
	s5 =	simm.s32 @!p2 $0x0  }
0x1d: {  	s5 =	simm.s32 @p1 $0x1;
	p0 =	seq.s32 s7, s2  }
0x1e: {  	s7 =	smul.u32 @!p0 $0xF7A, s2;
	p2 =	seq.s32 @!p0 s5, $0x0  }
0x1f: {  	s9 =	smul.u32 $0xF7A, s1;
	s8 =	simm.s32 @!p0 $0x1BF5;
	p2 =	por !p2, p0  }
0x20: {  	[sflag:s8] =	ssyncset.s32 @!p0 $0xFFFFF086;
	s6 =	sadd.s32 @!p0 s3, s7;
	s7 =	simm.s32 @!p0 $0x108  }
0x21: {  	s3 =	sadd.s32 s3, s9;
	s6 =	sadd.s32 @!p0 $0x88, s6;
	s7 =	simm.s32 @p2 $0x1082  }
0x22: {  	[simem:s7], [sflag:s8] =	dma.local @!p0 [hbm:s6], $0xF7A  }
0x23: {  	s9 =	sor.u32 $0xD0000000, s2;
	s6 =	simm.s32 $0x108;
	_ =	swait.ge @!p0 [sflag:s8], $0x0  }
0x24: {  	s3 =	sadd.s32 $0x88, s3;
	s6 =	simm.s32 @!p1 $0x1082;
	[sflag:s4] =	ssyncset.s32 $0xFFFFF086  }
0x25: {  	[simem:s6], [sflag:s4] =	dma.local [hbm:s3], $0xF7A  }
0x26: {  	[smem:$0x3F8C] =	sst s1;
	(tag) =	ssettag s2;
	_ =	strace s9  }
0x27: {  	s1 =	sld [smem:$0x3F9C]  }
0x28: {  	s2 =	sld [smem:$0x3F9D]  }
0x29: {  	s4 =	sld [smem:$0x3F9F]  }
0x2a: {  	p0 =	seq.s32 s5, $0x0;
	s5 =	sld [smem:$0x3FA0]  }
0x2b: {  	s6 =	sld [smem:$0x3FA1]  }
0x2c: {  	s7 =	sld [smem:$0x3FA2]  }
0x2d: {  	s3 =	simm.s32 $0x108;
	s8 =	sld [smem:$0x3FA3]  }
0x2e: {  	s3 =	simm.s32 @!p0 $0x1082;
	s9 =	sld [smem:$0x3FA4]  }
0x2f: {  	lr =	sadd.s32 s0, s3;
	s0 =	sld [smem:$0x3F9B]  }
0x30: {  	s3 =	sld [smem:$0x3F9E]  }
0x31: {  	[smem:$0x3FA7] =	sst s10  }
0x32: {  	s10 =	sld [smem:$0x3FA5];
	_ =	sdelay $0x3  }
0x33: {  	p0 =	seq.s32 s10, $0x1;
	s10 =	sld [smem:$0x3FA7];
	_ =	sdelay $0x3  }
0x34: {  	[smem:$0x3FA7] =	sst s10  }
0x35: {  	s10 =	sld [smem:$0x3FA6];
	_ =	sdelay $0x3  }
0x36: {  	p1 =	seq.s32 s10, $0x1;
	s10 =	sld [smem:$0x3FA7];
	_ =	sdelay $0x3  }
0x37: {  	[smem:$0x3FA7] =	sst s10  }
0x38: {  	s10 =	sld [smem:$0x3FA8]  }
0x39: {  	_ = 	snop;
	(pc) =	sbr.ind lr, $3  }
0x3a: {  	_ = 	snop  }
0x3b: {  	_ = 	snop  }
0x3c: {  	p2 =	seq.s32 s10, $0x1;
	s10 =	sld [smem:$0x3FA7]  }
0x3d: {  	_ =	shalt  }
0x3e: {  	_ =	shalt  }
0x3f: {  	_ =	shalt  }
0x40: {  	_ =	shalt  }
0x41: {  	_ =	shalt  }
0x42: {  	_ =	shalt  }
0x43: {  	_ =	shalt  }
0x44: {  	_ =	shalt  }
0x45: {  	_ =	shalt  }
0x46: {  	_ =	shalt  }
0x47: {  	_ =	shalt  }
0x48: {  	_ =	shalt  }
0x49: {  	_ =	shalt  }
0x4a: {  	_ =	shalt  }
0x4b: {  	_ =	shalt  }
0x4c: {  	_ =	shalt  }
0x4d: {  	_ =	shalt  }
0x4e: {  	_ =	shalt  }
0x4f: {  	_ =	shalt  }
0x50: {  	_ =	shalt  }
0x51: {  	_ =	shalt  }
0x52: {  	_ =	shalt  }
0x53: {  	_ =	shalt  }
0x54: {  	_ =	shalt  }
0x55: {  	_ =	shalt  }
0x56: {  	_ =	shalt  }
0x57: {  	_ =	shalt  }
0x58: {  	_ =	shalt  }
0x59: {  	_ =	shalt  }
0x5a: {  	_ =	shalt  }
0x5b: {  	_ =	shalt  }
0x5c: {  	_ =	shalt  }
0x5d: {  	_ =	shalt  }
0x5e: {  	_ =	shalt  }
0x5f: {  	_ =	shalt  }
0x60: {  	_ =	shalt  }
0x61: {  	_ =	shalt  }
0x62: {  	_ =	shalt  }
0x63: {  	_ =	shalt  }
0x64: {  	_ =	shalt  }
0x65: {  	_ =	shalt  }
0x66: {  	_ =	shalt  }
0x67: {  	_ =	shalt  }
0x68: {  	_ =	shalt  }
0x69: {  	_ =	shalt  }
0x6a: {  	_ =	shalt  }
0x6b: {  	_ =	shalt  }
0x6c: {  	_ =	shalt  }
0x6d: {  	_ =	shalt  }
0x6e: {  	_ =	shalt  }
0x6f: {  	_ =	shalt  }
0x70: {  	_ =	shalt  }
0x71: {  	_ =	shalt  }
0x72: {  	_ =	shalt  }
0x73: {  	_ =	shalt  }
0x74: {  	_ =	shalt  }
0x75: {  	_ =	shalt  }
0x76: {  	_ =	shalt  }
0x77: {  	_ =	shalt  }
0x78: {  	_ =	shalt  }
0x79: {  	_ =	shalt  }
0x7a: {  	_ =	shalt  }
0x7b: {  	_ =	shalt  }
0x7c: {  	_ =	shalt  }
0x7d: {  	_ =	shalt  }
0x7e: {  	_ =	shalt  }
0x7f: {  	_ =	shalt  }
0x80: {  	_ =	shalt  }
0x81: {  	_ =	shalt  }
0x82: {  	_ =	shalt  }
0x83: {  	_ =	shalt  }
0x84: {  	_ =	shalt  }
0x85: {  	_ =	shalt  }
0x86: {  	_ =	shalt  }
0x87: {  	_ =	shalt  }
.Lfunc_end0:
.L_simem_size_0:
called_computation_lowered:
.L_overlay_start_0:
0x88: {  	s2 =	sld [smem:$0x3FD9]  }
0x89: {  	s3 =	sld [smem:$0x3FFE];
	_ =	sdelay $0x1  }
0x8a: {  	s1 =	srdreg.scid  }
0x8b: {  	s0 =	sand.u32 $0x1, s1  }
0x8c: {  	s17 =	sshll.u32 s0, $0xA;
	s2 =	sadd.s32 s3, s2  }
0x8d: {  	s2 =	sadd.s32 s2, s17  }
0x8e: {  	[smem:$0x3FB3] =	sst s2  }
0x8f: {  	_ = 	snop  }
0x90: {  	s2 =	sld [smem:$0x3FC9];
	(tm) =	ssettm $0x1  }
0x91: {  	s18 =	sld [smem:$0x3FFB];
	_ =	sdelay $0x3  }
0x92: {  	_ =	strace s18  }
0x93: {  	s3 =	sld [smem:$0x3FFC];
	_ =	sdelay $0x3  }
0x94: {  	_ =	strace s3  }
0x95: {  	s3 =	sld [smem:$0x3FFD];
	_ =	sdelay $0x3  }
0x96: {  	_ =	strace s3  }
0x97: {  	_ =	strace $0x8FFFFFFF  }
0x98: {  	s19 =	sld [smem:$0x3FDB];
	_ =	sdelay $0x1  }
0x99: {  	s4 =	simm.s32 $_scs_section_size  }
0x9a: {  	s5 =	simm.s32 $_size__tile_overlayer_lowered;
	s6 =	simm.s32 $_tile_overlayer_lowered  }
0x9b: {  	s22 =	simm.s32 $0x1BFF;
	s21 =	sshll.u32 s6, $0x1;
	s3 =	sadd.s32 s4, s19  }
0x9c: {  	s7 =	simm.s32 $0x0;
	s20 =	sshll.u32 s5, $0x1;
	s5 =	sadd.s32 s21, s3  }
0x9d: {  	[timem:s7], [sflag:s22] =	dma.local [hbm:s5], s20  }
0x9e: {  	_ =	swait.ge [sflag:s22], s20  }
0x9f: {  	s4 =	ssub.s32 $0x0, s20;
	[sflag:s22] =	ssyncset.done $0x0  }
0xa0: {  	[sflag:s22] =	ssyncadd.s32 s4;
	_ =	sdelay $0x1  }
0xa1: {  	s23 =	simm.s32 $0x1B8B  }
0xa2: {  	_ =	swait.ge [sflag:s23], $0x1  }
0xa3: {  	[sflag:s23] =	ssyncset.done $0x0  }
0xa4: {  	s25 =	simm.s32 $0x1B8E;
	s24 =	sld [smem:$0x3FFE];
	[sflag:s23] =	ssyncadd.s32 $0xFFFFFFFF  }
0xa5: {  	s26 =	simm.s32 $execute0_lowered;
	[smem:$0x3FD2] =	sst s25  }
0xa6: {  	s5 =	sshll.u32 s26, $0x1;
	_ =	strace $0x80000046;
	[dreg:$0x1] =	wrdreg $0xFFFFFFFF  }
0xa7: {  	s28 =	simm.s32 $_size_execute0_lowered;
	s3 =	sadd.s32 s3, s5;
	[dreg:$0x0] =	wrdreg $0x0  }
0xa8: {  	s5 =	sshll.u32 s28, $0x1;
	[dreg:$0x2] =	wrdreg s3  }
0xa9: {  	[dreg:$0x3] =	wrdreg s5  }
0xaa: {  	[dreg:$0x4] =	wrdreg $0xC0  }
0xab: {  	_ =	task [dreg:s7], $0x5FFFF  }
0xac: {  	[dreg:$0x1] =	wrdreg $0xFFFFFFFF  }
0xad: {  	[dreg:$0x0] =	wrdreg $0x60  }
0xae: {  	[dreg:$0x2] =	wrdreg s2  }
0xaf: {  	[dreg:$0x3] =	wrdreg s24  }
0xb0: {  	[dreg:$0x4] =	wrdreg $0xC6000  }
0xb1: {  	[dreg:$0x5] =	wrdreg $0x9  }
0xb2: {  	_ =	task.clear_ibuf [dreg:s7], $0x6FFFF;
	_ =	strace $0x90000046  }
0xb3: {  	s29 =	simm.s32 $0x9;
	_ =	strace $0x80000048  }
0xb4: {  	_ =	swait.ge [sflag:s29], $0x1  }
0xb5: {  	[sflag:s29] =	ssyncadd.s32 $0xFFFFFFFF  }
0xb6: {  	_ =	strace $0x90000048  }
0xb7: {  	_ =	sfence  }
0xb8: {  	s30 =	sld [smem:$0x0];
	_ =	sdelay $0x2  }
0xb9: {  	s31 =	sshll.u32 s1, $0xD;
	s1 =	sshrl.u32 s1, $0x2  }
0xba: {  	s3 =	sand.u32 $0x4000, s31;
	s1 =	sadd.s32 s1, s30  }
0xbb: {  	s0 =	sor.u32 s3, s0;
	s1 =	sshll.u32 s1, $0x11  }
0xbc: {  	s0 =	sor.u32 s1, s0  }
0xbd: {  	s0 =	sadd.s32 $0x8F2B, s0  }
0xbe: {  	[sflag:s0] =	ssyncadd.remote.s32 $0x1  }
0xbf: {  	_ =	sfence.sel $0xFFFF  }
0xc0: {  	[dreg:$0x0] =	wrdreg $0xFFFFFFFF;
	(pc) =	sbr.abs _section_cstart, $3  }
0xc1: {  	[dreg:$0x1] =	wrdreg $0xFFFFFFFF  }
0xc2: {  	_ =	task.clear_ibuf [dreg:s7], $0x2FFFF;
	_ =	strace $0x9FFFFFFF  }
0xc3: {  	(tm) =	ssettm $0x7FFFFFFF  }
tec
execute0_lowered:
.L_overlay_start_1:
0x0: {  	(tag) =	ssettag $0x1  }
0x1: {  	s1 =	rddreg [dreg:$0x0]  }
0x2: {  	s0 =	rddreg [dreg:$0x1]  }
0x3: {  	s12 =	stileid.u32;
	s2 =	srdreg.scid  }
0x4: {  	s3 =	rddreg [dreg:$0x2];
	s4 =	simm.s32 $0x0;
	s5 =	smul.u32 $0x13980, s12  }
0x5: {  	s28 =	simm.s32 $0x8600;
	s30 =	simm.s32 $0x7;
	s13 =	smul.u32 $0x13880, s12  }
0x6: {  	s31 =	simm.s32 $0x1;
	s2 =	sand.u32 $0x1, s2;
	s16 =	smul.u32 $0xA20, s12  }
0x7: {  	[smem:$0x7FF] =	sst s4;
	s14 =	sadd.s32 $0x3E00, s0;
	s6 =	smul.u32 $0x138800, s2  }
0x8: {  	s7 =	sshll.u32 s2, $0x4;
	_ =	strace $0x80000047;
	s17 =	ssub.s32 $0x2, s2  }
0x9: {  	s2 =	smul.u32 $0xA200, s2;
	s7 =	sor.u32 s12, s7;
	s8 =	sshrl.u32 s5, $0x3  }
0xa: {  	s10 =	sshrl.u32 s17, $0x1;
	s5 =	sadd.s32 s5, s3;
	s29 =	sadd.s32 s13, s3  }
0xb: {  	s6 =	sadd.s32 s13, s6;
	s9 =	smul.u32 $0x5100, s7;
	s11 =	sadd.s32 s8, s0  }
0xc: {  	s7 =	smul.u32 $0xA20, s7;
	s15 =	ssub.s32 s17, s10;
	s26 =	sadd.s32 s2, s14  }
0xd: {  	s17 =	simm.s32 $0x4;
	s2 =	simm.s32 $0x3;
	s6 =	sshrl.u32 s6, $0x3  }
0xe: {  	s25 =	sadd.s32 $0x18200, s11;
	s13 =	smax.u32 s15, $0x1;
	s15 =	simm.s32 $0x200  }
0xf: {  	s9 =	sshrl.u32 s9, $0x3;
	s0 =	sadd.s32 s6, s0;
	s19 =	sadd.s32 s14, s7  }
0x10: {  	[dreg:$0xa] =	wrdreg s25;
	s25 =	sshrl.u32 s29, $0x3;
	s18 =	sadd.s32 s14, s9  }
0x11: {  	[dreg:$0x4] =	wrdreg s19;
	s0 =	sadd.s32 $0x3F600, s0;
	s14 =	sadd.s32 s16, s26  }
0x12: {  	s16 =	simm.s32 $0x400;
	s20 =	sadd.s32 $0x20, s18;
	[dreg:$0xb] =	wrdreg s0  }
0x13: {  	s19 =	simm.s32 $0x600;
	s21 =	sadd.s32 $0x40, s18;
	[dreg:$0x5] =	wrdreg s20  }
0x14: {  	s26 =	simm.s32 $0x6;
	s22 =	sadd.s32 $0x60, s18;
	[dreg:$0x6] =	wrdreg s21  }
0x15: {  	s23 =	sadd.s32 $0x80, s18;
	s24 =	sadd.s32 $0xA0, s18;
	[dreg:$0x7] =	wrdreg s22  }
0x16: {  	s18 =	simm.s32 $0x80;
	s0 =	simm.s32 $0x0;
	[dreg:$0x8] =	wrdreg s23  }
0x17: {  	[dreg:$0x9] =	wrdreg s24;
	s21 =	simm.s32 $0x5;
	s24 =	sshrl.u32 s5, $0x3  }
.LBB2_1:
0x18: {  	s5 =	rddreg [dreg:$0x4]  }
0x19: {  	[tilespmem:s4], [sflag:$0x4] =	stream.linear.gather [hbm4b:s5+s4], $0x100, $0x38;
	[tilespmem:$0x1FF80] =	vst v63  }
0x1a: {  	s6 =	rddreg [dreg:$0x5]  }
0x1b: {  	[tilespmem:s15], [sflag:$0x5] =	stream.linear.gather [hbm4b:s6+s4], $0x100, $0x38;
	[tilespmem:$0x1FF80] =	vst v63  }
0x1c: {  	s7 =	rddreg [dreg:$0x6]  }
0x1d: {  	[tilespmem:s16], [sflag:$0x6] =	stream.linear.gather [hbm4b:s7+s4], $0x100, $0x38;
	[tilespmem:$0x1FF80] =	vst v63  }
0x1e: {  	_ =	swait.ge [sflag:s17], $0x100  }
0x1f: {  	[sflag:s17] =	ssyncset.done $0x0  }
0x20: {  	[sflag:s17] =	ssyncadd.s32 $0xFFFFFF00  }
0x21: {  	[tilespmem:s19], [sflag:$0x1] =	stream.indirect.gather [hbm4b:s1+s18], $0x80, s4, s18, $0xb8;
	[tilespmem:$0x1FF80] =	vst v63  }
0x22: {  	s6 =	simm.s32 $0x100;
	s8 =	rddreg [dreg:$0x7]  }
0x23: {  	[tilespmem:s6], [sflag:$0x4] =	stream.linear.gather [hbm4b:s8+s4], $0x100, $0x38;
	[tilespmem:$0x1FF80] =	vst v63  }
0x24: {  	_ =	swait.ge [sflag:s21], $0x100  }
0x25: {  	[sflag:s21] =	ssyncset.done $0x0  }
0x26: {  	s9 =	simm.s32 $0x4600;
	[sflag:s21] =	ssyncadd.s32 $0xFFFFFF00  }
0x27: {  	[tilespmem:s9], [sflag:$0x2] =	stream.indirect.gather [hbm4b:s1+s18], $0x80, s15, s18, $0xb8;
	[tilespmem:$0x1FF80] =	vst v63  }
0x28: {  	s11 =	simm.s32 $0x300;
	s10 =	rddreg [dreg:$0x8]  }
0x29: {  	[tilespmem:s11], [sflag:$0x5] =	stream.linear.gather [hbm4b:s10+s4], $0x100, $0x38;
	[tilespmem:$0x1FF80] =	vst v63  }
0x2a: {  	_ =	swait.ge [sflag:s26], $0x100  }
0x2b: {  	[sflag:s26] =	ssyncset.done $0x0  }
0x2c: {  	s22 =	stileid.u32;
	[sflag:s26] =	ssyncadd.s32 $0xFFFFFF00  }
0x2d: {  	[tilespmem:s28], [sflag:$0x3] =	stream.indirect.gather [hbm4b:s1+s18], $0x80, s16, s18, $0xb8;
	[tilespmem:$0x1FF80] =	vst v63  }
0x2e: {  	s20 =	simm.s32 $0x500;
	s5 =	sshll.u32 s22, $0x6;
	s12 =	rddreg [dreg:$0x9]  }
0x2f: {  	[tilespmem:s20], [sflag:$0x6] =	stream.linear.gather [hbm4b:s12+s4], $0x100, $0x38;
	[tilespmem:$0x1FF80] =	vst v63  }
0x30: {  	s23 =	rddreg [dreg:$0xa];
	s20 =	sor.u32 $0x1C07, s5  }
0x31: {  	[spmem:s24], [sflag:s20] =	dma.local [hbm:s23], $0x2730  }
0x32: {  	_ =	swait.ge [sflag:s30], $0x2730  }
0x33: {  	[sflag:s30] =	ssyncset.done $0x0  }
0x34: {  	s29 =	simm.s32 $0x0;
	[sflag:s30] =	ssyncadd.s32 $0xFFFFD8D0  }
0x35: {  	s22 =	simm.s32 $0x0;
	s23 =	simm.s32 $0x0;
	[bflag:$0x0] =	sbarrier.arrive $0xFFFF  }
.LBB2_2:
0x36: {  	_ =	swait.ge [sflag:s31], $0x4000  }
0x37: {  	s5 =	sand.u32 $0x100, s22;
	[sflag:s31] =	ssyncset.done $0x0  }
0x38: {  	s6 =	sor.u32 $0x80, s5;
	[sflag:s31] =	ssyncadd.s32 $0xFFFFC000  }
0x39: {  	[spmem:s3] =	stream.indirect.scatter.add.f32 [tilespmem:s19], [sflag:$0x7], $0x80, s6, s18, $0xb8;
	[tilespmem:$0x1FF80] =	vst v63  }
0x3a: {  	_ =	swait.ge [sflag:s30], $0x4000  }
0x3b: {  	p0 =	seq.s32 s23, $0x9C0;
	[sflag:s30] =	ssyncset.done $0x0  }
0x3c: {  	s7 =	simm.s32 @p0 $0x2;
	[sflag:s30] =	ssyncadd.s32 $0xFFFFC000  }
0x3d: {  	_ =	swait.ge @p0 [sflag:s7], $0x4000  }
0x3e: {  	s8 =	simm.s32 @p0 $0x80;
	[sflag:s7] =	ssyncset.done @p0 $0x0  }
0x3f: {  	s9 =	simm.s32 @p0 $0x4600;
	[sflag:s7] =	ssyncadd.s32 @p0 $0xFFFFC000;
	s7 =	sor.u32 @p0 $0x200, s6  }
0x40: {  	[spmem:s3] =	stream.indirect.scatter.add.f32 @p0 [tilespmem:s9], [sflag:$0x7], $0x80, s7, s8, $0xb8;
	[tilespmem:$0x1FF80] =	vst v63  }
0x41: {  	s7 =	simm.s32 @p0 $0x7  }
0x42: {  	_ =	swait.ge @p0 [sflag:s7], $0x4000  }
0x43: {  	[sflag:s7] =	ssyncset.done @p0 $0x0  }
0x44: {  	[sflag:s7] =	ssyncadd.s32 @p0 $0xFFFFC000;
	s7 =	simm.s32 @!p0 $0x4  }
0x45: {  	p1 =	sgt.u32 @!p0 s29, $0x18;
	_ =	swait.ge @!p0 [sflag:s7], $0x100  }
0x46: {  	p1 =	por p1, p0;
	s8 =	simm.s32 @!p0 $0x80;
	[sflag:s7] =	ssyncset.done @!p0 $0x0  }
0x47: {  	s9 =	simm.s32 @!p0 $0x600;
	[sflag:s7] =	ssyncadd.s32 @!p0 $0xFFFFFF00;
	s7 =	ssub.s32 @!p0 $0x100, s5  }
0x48: {  	[tilespmem:s9], [sflag:$0x1] =	stream.indirect.gather @!p0 [hbm4b:s1+s8], $0x80, s7, s8, $0xb8;
	[tilespmem:$0x1FF80] =	vst v63  }
0x49: {  	s9 =	sadd.s32 @!p1 s23, s14  }
0x4a: {  	s11 =	simm.s32 @!p1 $0x0;
	s10 =	sadd.s32 @!p1 $0xC0, s9  }
0x4b: {  	[tilespmem:s5], [sflag:$0x4] =	stream.linear.gather @!p1 [hbm4b:s10+s11], $0x100, $0x38;
	[tilespmem:$0x1FF80] =	vst v63  }
0x4c: {  	s10 =	simm.s32 @!p0 $0x2  }
0x4d: {  	_ =	swait.ge @!p0 [sflag:s10], $0x4000  }
0x4e: {  	[sflag:s10] =	ssyncset.done @!p0 $0x0  }
0x4f: {  	s12 =	simm.s32 @!p0 $0x4600;
	[sflag:s10] =	ssyncadd.s32 @!p0 $0xFFFFC000;
	s10 =	sor.u32 @!p0 $0x200, s6  }
0x50: {  	[spmem:s3] =	stream.indirect.scatter.add.f32 @!p0 [tilespmem:s12], [sflag:$0x7], $0x80, s10, s8, $0xb8;
	[tilespmem:$0x1FF80] =	vst v63  }
0x51: {  	s10 =	simm.s32 @!p0 $0x7  }
0x52: {  	_ =	swait.ge @!p0 [sflag:s10], $0x4000  }
0x53: {  	[sflag:s10] =	ssyncset.done @!p0 $0x0  }
0x54: {  	[sflag:s10] =	ssyncadd.s32 @!p0 $0xFFFFC000;
	s10 =	simm.s32 @!p0 $0x5  }
0x55: {  	_ =	swait.ge @!p0 [sflag:s10], $0x100  }
0x56: {  	[sflag:s10] =	ssyncset.done @!p0 $0x0  }
0x57: {  	s7 =	sor.u32 @!p0 $0x200, s7;
	[sflag:s10] =	ssyncadd.s32 @!p0 $0xFFFFFF00  }
0x58: {  	[tilespmem:s12], [sflag:$0x2] =	stream.indirect.gather @!p0 [hbm4b:s1+s8], $0x80, s7, s8, $0xb8;
	[tilespmem:$0x1FF80] =	vst v63  }
0x59: {  	s10 =	sadd.s32 @!p1 $0xE0, s9;
	s7 =	sor.u32 @!p1 $0x200, s5  }
0x5a: {  	[tilespmem:s7], [sflag:$0x5] =	stream.linear.gather @!p1 [hbm4b:s10+s11], $0x100, $0x38;
	[tilespmem:$0x1FF80] =	vst v63  }
0x5b: {  	_ =	swait.ge [sflag:s2], $0x4000  }
0x5c: {  	[sflag:s2] =	ssyncset.done $0x0  }
0x5d: {  	s6 =	sor.u32 $0x400, s6;
	[sflag:s2] =	ssyncadd.s32 $0xFFFFC000  }
0x5e: {  	[spmem:s3] =	stream.indirect.scatter.add.f32 [tilespmem:s28], [sflag:$0x7], $0x80, s6, s18, $0xb8;
	[tilespmem:$0x1FF80] =	vst v63  }
0x5f: {  	_ =	swait.ge [sflag:s30], $0x4000  }
0x60: {  	[sflag:s30] =	ssyncset.done $0x0  }
0x61: {  	s6 =	simm.s32 @!p0 $0x6;
	[sflag:s30] =	ssyncadd.s32 $0xFFFFC000  }
0x62: {  	_ =	swait.ge @!p0 [sflag:s6], $0x100  }
0x63: {  	[sflag:s6] =	ssyncset.done @!p0 $0x0  }
0x64: {  	s7 =	simm.s32 @!p0 $0x8600;
	[sflag:s6] =	ssyncadd.s32 @!p0 $0xFFFFFF00;
	s6 =	ssub.s32 @!p0 $0x500, s5  }
0x65: {  	[tilespmem:s7], [sflag:$0x3] =	stream.indirect.gather @!p0 [hbm4b:s1+s8], $0x80, s6, s8, $0xb8;
	[tilespmem:$0x1FF80] =	vst v63  }
0x66: {  	s23 =	sadd.s32 @!p0 $0x60, s23;
	s5 =	sor.u32 @!p1 $0x400, s5;
	s6 =	sadd.s32 @!p1 $0x100, s9  }
0x67: {  	[tilespmem:s5], [sflag:$0x6] =	stream.linear.gather @!p1 [hbm4b:s6+s11], $0x100, $0x38;
	[tilespmem:$0x1FF80] =	vst v63  }
0x68: {  	p1 =	sne.s32 @!p0 s23, $0xA20  }
0x69: {  	p1 =	por p0, !p1  }
.Ltmp0:
0x6a: {  	_ = 	snop;
	(pc) =	sbr.rel @!p1 .LBB2_2-.Ltmp0, $2  }
0x6b: {  	_ =	sdelay $0x2  }
0x6c: {  	s29 =	sadd.s32 @!p0 $0x1, s29;
	s22 =	sadd.s32 @!p0 $0x100, s22  }
0x6d: {  	s0 =	sadd.s32 $0x1, s0  }
0x6e: {  	[bflag:$0x0] =	sbarrier.arrive $0xFFFF;
	p0 =	sne.s32 s0, s13  }
.Ltmp1:
0x6f: {  	s5 =	rddreg [dreg:$0xb];
	(pc) =	sbr.rel @p0 .LBB2_1-.Ltmp1, $4  }
0x70: {  	[hbm:s5], [sflag:s20] =	dma.local [spmem:s25], $0x2710  }
0x71: {  	_ =	swait.ge [sflag:s30], $0x2710  }
0x72: {  	[sflag:s30] =	ssyncset.done $0x0  }
0x73: {  	[sflag:s30] =	ssyncadd.s32 $0xFFFFD8F0  }
0x74: {  	_ =	sfence.sel $0x180000  }
0x75: {  	[bflag:$0x0] =	sbarrier.arrive $0xFFFF  }
0x76: {  	_ =	strace $0x90000047  }
0x77: {  	s0 =	stileid.u32;
	[bflag:$0x2] =	sbarrier.arrive $0xFFFF  }
0x78: {  	p0 =	sne.s32 s0, $0x0;
	s0 =	rddreg [dreg:$0x3]  }
0x79: {  	s0 =	sadd.s32 @!p0 $0x100000, s0  }
0x7a: {  	[sflag:s0] =	ssyncadd.tile.s32 @!p0 $0x1;
	_ =	shalt  }
.Lfunc_end2:
_tile_overlayer_lowered:
.L_overlay_start_2:
0x7b: {  	(tag) =	ssettag $0x2  }
0x7c: {  	s0 =	rddreg [dreg:$0x0];
	s2 =	stileid.u32  }
0x7d: {  	s1 =	rddreg [dreg:$0x1];
	p0 =	sne.s32 s2, $0x0  }
0x7e: {  	s3 =	rddreg [dreg:$0x2];
	[bflag:$0x3] =	sbarrier.arrive $0xFFFF;
	s2 =	simm.s32 @!p0 $0x1C07  }
0x7f: {  	[timem:s3], [sflag:s2] =	dma.local @!p0 [hbm:s0], s1  }
0x80: {  	s0 =	simm.s32 @!p0 $0x7  }
0x81: {  	_ =	swait.ge @!p0 [sflag:s0], s1  }
0x82: {  	s1 =	ssub.s32 @!p0 $0x0, s1;
	[sflag:s0] =	ssyncset.done @!p0 $0x0  }
0x83: {  	[sflag:s0] =	ssyncadd.s32 @!p0 s1  }
0x84: {  	[bflag:$0x3] =	sbarrier.arrive $0xFFFF  }
0x85: {  	_ =	shalt  }

</sc_bundles>
